<compile_context>
chip_gen: v7x
topology: tpu7x:2x2x1
jax: 0.10.2.dev20260603
libtpu: 0.0.44.dev20260713+nightly
codegen_flags: <defaults>
</compile_context>

<pallas_src>
import jax
import jax.numpy as jnp
from jax import lax
from jax.experimental import pallas as pl
from jax.experimental.pallas import tpu as pltpu
from jax.experimental.pallas import tpu_sc as plsc

VOCAB = 100000
DEMB = 64
BATCH = 16384
SEQ = 50
EPS = 1e-5

NC = 2
NS = 16
NW = NC * NS

N = BATCH * SEQ
PER_W = N // NW
FR = 8
CHUNK = FR * SEQ
IDX_W = 80
IDX_ROWS = CHUNK // IDX_W
N_CHUNKS = PER_W // CHUNK
F_PER_W = BATCH // NW

TBLK = 1000


def _ln_table_body(table_ref, gamma_ref, beta_ref, out_ref):
    x = table_ref[...]
    mean = jnp.mean(x, axis=-1, keepdims=True)
    var = jnp.mean((x - mean) * (x - mean), axis=-1, keepdims=True)
    normed = (x - mean) * lax.rsqrt(var + EPS)
    out_ref[...] = normed * gamma_ref[...] + beta_ref[...]


def _gather_body(table_hbm, idx_hbm, out_hbm, idx_v, rows_v, sem_g, sem_s):
    wid = lax.axis_index("s") * NC + lax.axis_index("c")
    idx0 = wid * PER_W
    f0 = wid * F_PER_W

    def stage_idx(g, b):
        pltpu.sync_copy(idx_hbm.at[pl.ds(idx0 + g * CHUNK, CHUNK)],
                        idx_v.at[b])

    def gather_descs(b, make_only):
        descs = []
        for j in range(IDX_ROWS):
            src = table_hbm.at[idx_v.at[b].at[pl.ds(j * IDX_W, IDX_W)]]
            dst = rows_v.at[b].at[pl.ds(j * IDX_W, IDX_W)]
            if make_only:
                descs.append(pltpu.make_async_copy(src, dst, sem_g))
            else:
                descs.append(pltpu.async_copy(src, dst, sem_g))
        return descs

    def store_descs(g, b, make_only):
        descs = []
        for f in range(FR):
            src = rows_v.at[b].at[pl.ds(f * SEQ, SEQ)]
            dst = out_hbm.at[f0 + g * FR + f]
            if make_only:
                descs.append(pltpu.make_async_copy(src, dst, sem_s))
            else:
                descs.append(pltpu.async_copy(src, dst, sem_s))
        return descs

    stage_idx(0, 0)
    gather_descs(0, make_only=False)

    def pair_step(k, _):
        for b in range(2):
            g = 2 * k + b
            nb = 1 - b

            @pl.when(g >= 1)
            def _wait_prev_store():
                for d in store_descs(g - 1, nb, make_only=True):
                    d.wait()

            @pl.when(g + 1 < N_CHUNKS)
            def _prefetch_next():
                stage_idx(g + 1, nb)
                gather_descs(nb, make_only=False)

            for d in gather_descs(b, make_only=True):
                d.wait()
            store_descs(g, b, make_only=False)
        return 0

    lax.fori_loop(0, N_CHUNKS // 2, pair_step, 0)
    for d in store_descs(N_CHUNKS - 1, (N_CHUNKS - 1) % 2, make_only=True):
        d.wait()


@jax.jit
def _run(goal_input, table, gamma, beta):
    normed_table = pl.pallas_call(
        _ln_table_body,
        grid=(VOCAB // TBLK,),
        in_specs=[
            pl.BlockSpec((TBLK, DEMB), lambda i: (i, 0)),
            pl.BlockSpec((1, DEMB), lambda i: (0, 0)),
            pl.BlockSpec((1, DEMB), lambda i: (0, 0)),
        ],
        out_specs=pl.BlockSpec((TBLK, DEMB), lambda i: (i, 0)),
        out_shape=jax.ShapeDtypeStruct((VOCAB, DEMB), jnp.float32),
    )(table, gamma.reshape(1, DEMB), beta.reshape(1, DEMB))

    idx = goal_input.reshape(N)
    mesh = plsc.VectorSubcoreMesh(core_axis_name="c", subcore_axis_name="s")
    out = pl.kernel(
        _gather_body,
        out_type=jax.ShapeDtypeStruct((BATCH, SEQ, DEMB), jnp.float32),
        mesh=mesh,
        scratch_types=[
            pltpu.VMEM((2, CHUNK), jnp.int32),
            pltpu.VMEM((2, CHUNK, DEMB), jnp.float32),
            pltpu.SemaphoreType.DMA,
            pltpu.SemaphoreType.DMA,
        ],
        compiler_params=pltpu.CompilerParams(
            needs_layout_passes=False, use_tc_tiling_on_sc=False),
    )(normed_table, idx)
    return out


def kernel(goal_input, table, gamma, beta):
    return _run(goal_input, table, gamma, beta)

# --- scband reference (transcript-rebuilt; emitter-appended) ---
"""Pipeline reference for scband-encoder-navi-goal-51788715655714 (READ-ONLY COPY).

The authoritative reference and input builder live on the scoring server;
editing this copy changes nothing except your own understanding.
"""

import jax, jax.numpy as jnp
import numpy as np

VOCAB = 100000
DEMB = 64
BATCH = 16384
SEQ = 50
EPS = 1e-5

def setup_inputs(seed: int = 0) -> dict:
    key = jax.random.key(seed)
    k1, k2 = jax.random.split(key, 2)
    goal_input = jax.random.randint(k1, (BATCH, SEQ), 0, VOCAB, dtype=jnp.int64 if jax.config.jax_enable_x64 else jnp.int32).astype(jnp.int32)
    table = jax.random.normal(k2, (VOCAB, DEMB), dtype=jnp.float32) * 0.02
    gamma = jnp.ones((DEMB,), dtype=jnp.float32)
    beta = jnp.zeros((DEMB,), dtype=jnp.float32)
    return {"goal_input": goal_input, "table": table, "gamma": gamma, "beta": beta}

def reference(goal_input, table, gamma, beta):
    # embedding lookup (gather)
    goal_emb = jnp.take(table, goal_input, axis=0)  # [B, S, D]
    # dropout is identity in eval mode (inference reference)
    # LayerNorm over last dim
    mean = jnp.mean(goal_emb, axis=-1, keepdims=True)
    var = jnp.var(goal_emb, axis=-1, keepdims=True)
    normed = (goal_emb - mean) / jnp.sqrt(var + EPS)
    return normed * gamma + beta

if __name__ == "__main__":
    import jax
    _d = setup_inputs()
    print(jax.jit(kernel)(*tuple(_d.values())))

</pallas_src>

<mosaic_0001>
#map = affine_map<(d0, d1) -> (0, 0)>
#map1 = affine_map<(d0, d1) -> (0)>
#map2 = affine_map<(d0, d1) -> (0, 0, 0)>
module attributes {stable_mosaic.version = 14 : i64} {
  func.func @_gather_body(%arg0: i32, %arg1: i32, %arg2: memref<100000x64xf32, #tpu.memory_space<hbm>>, %arg3: memref<819200xi32, #tpu.memory_space<hbm>>, %arg4: memref<16384x50x64xf32, #tpu.memory_space<hbm>>, %arg5: memref<2x400xi32, #tpu.memory_space<vmem>>, %arg6: memref<2x400x64xf32, #tpu.memory_space<vmem>>, %arg7: memref<!tpu.dma_semaphore, #tpu.memory_space<semaphore_mem>>, %arg8: memref<!tpu.dma_semaphore, #tpu.memory_space<semaphore_mem>>) attributes {dimension_semantics = [#tpu.dimension_semantics<core_parallel>, #tpu.dimension_semantics<subcore_parallel>], iteration_bounds = array<i64: 2, 16>, scalar_prefetch = 0 : i64, scratch_operands = 4 : i64, tpu.core_type = #tpu.core_type<sc_vector_subcore>, window_params = [{transform_indices = #map}, {transform_indices = #map1}, {transform_indices = #map2}]} {
    %mul3A = arith.constant 2 : i32
    %mul3A_0 = arith.muli %arg1, %mul3A : i32
    %add3A = arith.addi %mul3A_0, %arg0 : i32
    %mul3A_1 = arith.constant 25600 : i32
    %mul3A_2 = arith.muli %add3A, %mul3A_1 : i32
    %mul3A_3 = arith.constant 512 : i32
    %mul3A_4 = arith.muli %add3A, %mul3A_3 : i32
    %add3A_5 = arith.constant 0 : i32
    %add3A_6 = arith.addi %mul3A_2, %add3A_5 : i32
    %run_scoped3A = arith.constant 0 : i32
    "tpu.region"() ({
      %run_scoped3A_312 = tpu.sem_alloc : memref<!tpu.dma_semaphore, #tpu.memory_space<semaphore_mem>>
      %dma_start3A_313 = arith.constant 0 : i32
      %dma_start3A_314 = tpu.memref_slice %arg5[%run_scoped3A, %dma_start3A_313] : memref<2x400xi32, #tpu.memory_space<vmem>> -> memref<1x400xi32, #tpu.memory_space<vmem>>
      %dma_start3A_315 = tpu.memref_squeeze %dma_start3A_314 : memref<1x400xi32, #tpu.memory_space<vmem>> -> memref<400xi32, #tpu.memory_space<vmem>>
      %dma_start3A_316 = tpu.memref_slice %arg3[%add3A_6] : memref<819200xi32, #tpu.memory_space<hbm>> -> memref<400xi32, #tpu.memory_space<hbm>>
      %dma_start3A_317 = arith.constant 0 : i32
      %dma_start3A_318 = tpu.memref_slice %arg5[%run_scoped3A, %dma_start3A_317] : memref<2x400xi32, #tpu.memory_space<vmem>> -> memref<1x400xi32, #tpu.memory_space<vmem>>
      %dma_start3A_319 = tpu.memref_squeeze %dma_start3A_318 : memref<1x400xi32, #tpu.memory_space<vmem>> -> memref<400xi32, #tpu.memory_space<vmem>>
      %dma_start3A_320 = tpu.memref_slice %arg3[%add3A_6] : memref<819200xi32, #tpu.memory_space<hbm>> -> memref<400xi32, #tpu.memory_space<hbm>>
      tpu.enqueue_dma source(%dma_start3A_320 : memref<400xi32, #tpu.memory_space<hbm>>) target(%dma_start3A_319 : memref<400xi32, #tpu.memory_space<vmem>>) target_semaphore(%run_scoped3A_312 : memref<!tpu.dma_semaphore, #tpu.memory_space<semaphore_mem>>)
      %dma_wait3A_321 = arith.constant 0 : i32
      %dma_wait3A_322 = tpu.memref_slice %arg5[%run_scoped3A, %dma_wait3A_321] : memref<2x400xi32, #tpu.memory_space<vmem>> -> memref<1x400xi32, #tpu.memory_space<vmem>>
      %dma_wait3A_323 = tpu.memref_squeeze %dma_wait3A_322 : memref<1x400xi32, #tpu.memory_space<vmem>> -> memref<400xi32, #tpu.memory_space<vmem>>
      %dma_wait3A_324 = tpu.memref_slice %arg3[%add3A_6] : memref<819200xi32, #tpu.memory_space<hbm>> -> memref<400xi32, #tpu.memory_space<hbm>>
      %dma_wait3A_325 = arith.constant 0 : i32
      %dma_wait3A_326 = tpu.memref_slice %arg5[%run_scoped3A, %dma_wait3A_325] : memref<2x400xi32, #tpu.memory_space<vmem>> -> memref<1x400xi32, #tpu.memory_space<vmem>>
      %dma_wait3A_327 = tpu.memref_squeeze %dma_wait3A_326 : memref<1x400xi32, #tpu.memory_space<vmem>> -> memref<400xi32, #tpu.memory_space<vmem>>
      %dma_wait3A_328 = tpu.memref_slice %arg3[%add3A_6] : memref<819200xi32, #tpu.memory_space<hbm>> -> memref<400xi32, #tpu.memory_space<hbm>>
      tpu.wait_dma2 semaphore(%run_scoped3A_312 : memref<!tpu.dma_semaphore, #tpu.memory_space<semaphore_mem>>) src(%dma_wait3A_328 : memref<400xi32, #tpu.memory_space<hbm>>) dst(%dma_wait3A_327 : memref<400xi32, #tpu.memory_space<vmem>>)
      tpu.yield
    }) : () -> ()
    %dma_start3A = arith.constant 0 : i32
    %dma_start3A_7 = arith.constant 0 : i32
    %dma_start3A_8 = arith.constant 0 : i32
    %dma_start3A_9 = arith.constant 0 : i32
    %dma_start3A_10 = tpu.memref_slice %arg6[%dma_start3A_7, %dma_start3A_8, %dma_start3A_9] : memref<2x400x64xf32, #tpu.memory_space<vmem>> -> memref<1x400x64xf32, #tpu.memory_space<vmem>>
    %dma_start3A_11 = tpu.memref_squeeze %dma_start3A_10 : memref<1x400x64xf32, #tpu.memory_space<vmem>> -> memref<400x64xf32, #tpu.memory_space<vmem>>
    %dma_start3A_12 = arith.constant 0 : i32
    %dma_start3A_13 = arith.constant 0 : i32
    %dma_start3A_14 = tpu.memref_slice %dma_start3A_11[%dma_start3A_12, %dma_start3A_13] : memref<400x64xf32, #tpu.memory_space<vmem>> -> memref<80x64xf32, #tpu.memory_space<vmem>>
    %dma_start3A_15 = arith.constant 0 : i32
    %dma_start3A_16 = tpu.memref_slice %arg5[%dma_start3A, %dma_start3A_15] : memref<2x400xi32, #tpu.memory_space<vmem>> -> memref<1x400xi32, #tpu.memory_space<vmem>>
    %dma_start3A_17 = tpu.memref_squeeze %dma_start3A_16 : memref<1x400xi32, #tpu.memory_space<vmem>> -> memref<400xi32, #tpu.memory_space<vmem>>
    %dma_start3A_18 = arith.constant 0 : i32
    %dma_start3A_19 = tpu.memref_slice %dma_start3A_17[%dma_start3A_18] : memref<400xi32, #tpu.memory_space<vmem>> -> memref<80xi32, #tpu.memory_space<vmem>>
    %dma_start3A_20 = arith.constant 0 : i32
    %dma_start3A_21 = arith.constant 0 : i32
    %dma_start3A_22 = tpu.memref_slice %arg2[%dma_start3A_20, %dma_start3A_21] : memref<100000x64xf32, #tpu.memory_space<hbm>> -> memref<100000x64xf32, #tpu.memory_space<hbm>>
    tpu.enqueue_indirect_dma source(%dma_start3A_22 : memref<100000x64xf32, #tpu.memory_space<hbm>>) target(%dma_start3A_14 : memref<80x64xf32, #tpu.memory_space<vmem>>) offsets(%dma_start3A_19 : memref<80xi32, #tpu.memory_space<vmem>>) semaphore(%arg7 : memref<!tpu.dma_semaphore, #tpu.memory_space<semaphore_mem>>)
    %dma_start3A_23 = arith.constant 0 : i32
    %dma_start3A_24 = arith.constant 0 : i32
    %dma_start3A_25 = arith.constant 0 : i32
    %dma_start3A_26 = arith.constant 0 : i32
    %dma_start3A_27 = tpu.memref_slice %arg6[%dma_start3A_24, %dma_start3A_25, %dma_start3A_26] : memref<2x400x64xf32, #tpu.memory_space<vmem>> -> memref<1x400x64xf32, #tpu.memory_space<vmem>>
    %dma_start3A_28 = tpu.memref_squeeze %dma_start3A_27 : memref<1x400x64xf32, #tpu.memory_space<vmem>> -> memref<400x64xf32, #tpu.memory_space<vmem>>
    %dma_start3A_29 = arith.constant 80 : i32
    %dma_start3A_30 = arith.constant 0 : i32
    %dma_start3A_31 = tpu.memref_slice %dma_start3A_28[%dma_start3A_29, %dma_start3A_30] : memref<400x64xf32, #tpu.memory_space<vmem>> -> memref<80x64xf32, #tpu.memory_space<vmem>>
    %dma_start3A_32 = arith.constant 0 : i32
    %dma_start3A_33 = tpu.memref_slice %arg5[%dma_start3A_23, %dma_start3A_32] : memref<2x400xi32, #tpu.memory_space<vmem>> -> memref<1x400xi32, #tpu.memory_space<vmem>>
    %dma_start3A_34 = tpu.memref_squeeze %dma_start3A_33 : memref<1x400xi32, #tpu.memory_space<vmem>> -> memref<400xi32, #tpu.memory_space<vmem>>
    %dma_start3A_35 = arith.constant 80 : i32
    %dma_start3A_36 = tpu.memref_slice %dma_start3A_34[%dma_start3A_35] : memref<400xi32, #tpu.memory_space<vmem>> -> memref<80xi32, #tpu.memory_space<vmem>>
    %dma_start3A_37 = arith.constant 0 : i32
    %dma_start3A_38 = arith.constant 0 : i32
    %dma_start3A_39 = tpu.memref_slice %arg2[%dma_start3A_37, %dma_start3A_38] : memref<100000x64xf32, #tpu.memory_space<hbm>> -> memref<100000x64xf32, #tpu.memory_space<hbm>>
    tpu.enqueue_indirect_dma source(%dma_start3A_39 : memref<100000x64xf32, #tpu.memory_space<hbm>>) target(%dma_start3A_31 : memref<80x64xf32, #tpu.memory_space<vmem>>) offsets(%dma_start3A_36 : memref<80xi32, #tpu.memory_space<vmem>>) semaphore(%arg7 : memref<!tpu.dma_semaphore, #tpu.memory_space<semaphore_mem>>)
    %dma_start3A_40 = arith.constant 0 : i32
    %dma_start3A_41 = arith.constant 0 : i32
    %dma_start3A_42 = arith.constant 0 : i32
    %dma_start3A_43 = arith.constant 0 : i32
    %dma_start3A_44 = tpu.memref_slice %arg6[%dma_start3A_41, %dma_start3A_42, %dma_start3A_43] : memref<2x400x64xf32, #tpu.memory_space<vmem>> -> memref<1x400x64xf32, #tpu.memory_space<vmem>>
    %dma_start3A_45 = tpu.memref_squeeze %dma_start3A_44 : memref<1x400x64xf32, #tpu.memory_space<vmem>> -> memref<400x64xf32, #tpu.memory_space<vmem>>
    %dma_start3A_46 = arith.constant 160 : i32
    %dma_start3A_47 = arith.constant 0 : i32
    %dma_start3A_48 = tpu.memref_slice %dma_start3A_45[%dma_start3A_46, %dma_start3A_47] : memref<400x64xf32, #tpu.memory_space<vmem>> -> memref<80x64xf32, #tpu.memory_space<vmem>>
    %dma_start3A_49 = arith.constant 0 : i32
    %dma_start3A_50 = tpu.memref_slice %arg5[%dma_start3A_40, %dma_start3A_49] : memref<2x400xi32, #tpu.memory_space<vmem>> -> memref<1x400xi32, #tpu.memory_space<vmem>>
    %dma_start3A_51 = tpu.memref_squeeze %dma_start3A_50 : memref<1x400xi32, #tpu.memory_space<vmem>> -> memref<400xi32, #tpu.memory_space<vmem>>
    %dma_start3A_52 = arith.constant 160 : i32
    %dma_start3A_53 = tpu.memref_slice %dma_start3A_51[%dma_start3A_52] : memref<400xi32, #tpu.memory_space<vmem>> -> memref<80xi32, #tpu.memory_space<vmem>>
    %dma_start3A_54 = arith.constant 0 : i32
    %dma_start3A_55 = arith.constant 0 : i32
    %dma_start3A_56 = tpu.memref_slice %arg2[%dma_start3A_54, %dma_start3A_55] : memref<100000x64xf32, #tpu.memory_space<hbm>> -> memref<100000x64xf32, #tpu.memory_space<hbm>>
    tpu.enqueue_indirect_dma source(%dma_start3A_56 : memref<100000x64xf32, #tpu.memory_space<hbm>>) target(%dma_start3A_48 : memref<80x64xf32, #tpu.memory_space<vmem>>) offsets(%dma_start3A_53 : memref<80xi32, #tpu.memory_space<vmem>>) semaphore(%arg7 : memref<!tpu.dma_semaphore, #tpu.memory_space<semaphore_mem>>)
    %dma_start3A_57 = arith.constant 0 : i32
    %dma_start3A_58 = arith.constant 0 : i32
    %dma_start3A_59 = arith.constant 0 : i32
    %dma_start3A_60 = arith.constant 0 : i32
    %dma_start3A_61 = tpu.memref_slice %arg6[%dma_start3A_58, %dma_start3A_59, %dma_start3A_60] : memref<2x400x64xf32, #tpu.memory_space<vmem>> -> memref<1x400x64xf32, #tpu.memory_space<vmem>>
    %dma_start3A_62 = tpu.memref_squeeze %dma_start3A_61 : memref<1x400x64xf32, #tpu.memory_space<vmem>> -> memref<400x64xf32, #tpu.memory_space<vmem>>
    %dma_start3A_63 = arith.constant 240 : i32
    %dma_start3A_64 = arith.constant 0 : i32
    %dma_start3A_65 = tpu.memref_slice %dma_start3A_62[%dma_start3A_63, %dma_start3A_64] : memref<400x64xf32, #tpu.memory_space<vmem>> -> memref<80x64xf32, #tpu.memory_space<vmem>>
    %dma_start3A_66 = arith.constant 0 : i32
    %dma_start3A_67 = tpu.memref_slice %arg5[%dma_start3A_57, %dma_start3A_66] : memref<2x400xi32, #tpu.memory_space<vmem>> -> memref<1x400xi32, #tpu.memory_space<vmem>>
    %dma_start3A_68 = tpu.memref_squeeze %dma_start3A_67 : memref<1x400xi32, #tpu.memory_space<vmem>> -> memref<400xi32, #tpu.memory_space<vmem>>
    %dma_start3A_69 = arith.constant 240 : i32
    %dma_start3A_70 = tpu.memref_slice %dma_start3A_68[%dma_start3A_69] : memref<400xi32, #tpu.memory_space<vmem>> -> memref<80xi32, #tpu.memory_space<vmem>>
    %dma_start3A_71 = arith.constant 0 : i32
    %dma_start3A_72 = arith.constant 0 : i32
    %dma_start3A_73 = tpu.memref_slice %arg2[%dma_start3A_71, %dma_start3A_72] : memref<100000x64xf32, #tpu.memory_space<hbm>> -> memref<100000x64xf32, #tpu.memory_space<hbm>>
    tpu.enqueue_indirect_dma source(%dma_start3A_73 : memref<100000x64xf32, #tpu.memory_space<hbm>>) target(%dma_start3A_65 : memref<80x64xf32, #tpu.memory_space<vmem>>) offsets(%dma_start3A_70 : memref<80xi32, #tpu.memory_space<vmem>>) semaphore(%arg7 : memref<!tpu.dma_semaphore, #tpu.memory_space<semaphore_mem>>)
    %dma_start3A_74 = arith.constant 0 : i32
    %dma_start3A_75 = arith.constant 0 : i32
    %dma_start3A_76 = arith.constant 0 : i32
    %dma_start3A_77 = arith.constant 0 : i32
    %dma_start3A_78 = tpu.memref_slice %arg6[%dma_start3A_75, %dma_start3A_76, %dma_start3A_77] : memref<2x400x64xf32, #tpu.memory_space<vmem>> -> memref<1x400x64xf32, #tpu.memory_space<vmem>>
    %dma_start3A_79 = tpu.memref_squeeze %dma_start3A_78 : memref<1x400x64xf32, #tpu.memory_space<vmem>> -> memref<400x64xf32, #tpu.memory_space<vmem>>
    %dma_start3A_80 = arith.constant 320 : i32
    %dma_start3A_81 = arith.constant 0 : i32
    %dma_start3A_82 = tpu.memref_slice %dma_start3A_79[%dma_start3A_80, %dma_start3A_81] : memref<400x64xf32, #tpu.memory_space<vmem>> -> memref<80x64xf32, #tpu.memory_space<vmem>>
    %dma_start3A_83 = arith.constant 0 : i32
    %dma_start3A_84 = tpu.memref_slice %arg5[%dma_start3A_74, %dma_start3A_83] : memref<2x400xi32, #tpu.memory_space<vmem>> -> memref<1x400xi32, #tpu.memory_space<vmem>>
    %dma_start3A_85 = tpu.memref_squeeze %dma_start3A_84 : memref<1x400xi32, #tpu.memory_space<vmem>> -> memref<400xi32, #tpu.memory_space<vmem>>
    %dma_start3A_86 = arith.constant 320 : i32
    %dma_start3A_87 = tpu.memref_slice %dma_start3A_85[%dma_start3A_86] : memref<400xi32, #tpu.memory_space<vmem>> -> memref<80xi32, #tpu.memory_space<vmem>>
    %dma_start3A_88 = arith.constant 0 : i32
    %dma_start3A_89 = arith.constant 0 : i32
    %dma_start3A_90 = tpu.memref_slice %arg2[%dma_start3A_88, %dma_start3A_89] : memref<100000x64xf32, #tpu.memory_space<hbm>> -> memref<100000x64xf32, #tpu.memory_space<hbm>>
    tpu.enqueue_indirect_dma source(%dma_start3A_90 : memref<100000x64xf32, #tpu.memory_space<hbm>>) target(%dma_start3A_82 : memref<80x64xf32, #tpu.memory_space<vmem>>) offsets(%dma_start3A_87 : memref<80xi32, #tpu.memory_space<vmem>>) semaphore(%arg7 : memref<!tpu.dma_semaphore, #tpu.memory_space<semaphore_mem>>)
    %scan3A = arith.constant 0 : i32
    %scan3A_91 = arith.constant 0 : i32
    %scan3A_92 = arith.constant 32 : i32
    %scan3A_93 = arith.addi %scan3A_91, %scan3A_92 : i32
    %scan3A_94 = arith.constant 1 : i32
    %scan3A_95 = scf.for %scan3A_312 = %scan3A_91 to %scan3A_93 step %scan3A_94 iter_args(%scan3A_313 = %scan3A) -> (i32)  : i32 {
      %mul3A_314 = arith.constant 2 : i32
      %mul3A_315 = arith.muli %mul3A_314, %scan3A_312 : i32
      %add3A_316 = arith.constant 0 : i32
      %add3A_317 = arith.addi %mul3A_315, %add3A_316 : i32
      %ge3A = arith.constant 1 : i32
      %ge3A_318 = arith.cmpi sge, %add3A_317, %ge3A : i32
      %convert_element_type3A = arith.extui %ge3A_318 : i1 to i32
      %cond3A = arith.constant 0 : i32
      %cond3A_319 = arith.cmpi ne, %convert_element_type3A, %cond3A : i32
      scf.if %cond3A_319 {
        %sub3A = arith.constant 1 : i32
        %sub3A_961 = arith.subi %add3A_317, %sub3A : i32
        %mul3A_962 = arith.constant 8 : i32
        %mul3A_963 = arith.muli %sub3A_961, %mul3A_962 : i32
        %add3A_964 = arith.addi %mul3A_4, %mul3A_963 : i32
        %add3A_965 = arith.constant 0 : i32
        %add3A_966 = arith.addi %add3A_964, %add3A_965 : i32
        %mul3A_967 = arith.constant 8 : i32
        %mul3A_968 = arith.muli %sub3A_961, %mul3A_967 : i32
        %add3A_969 = arith.addi %mul3A_4, %mul3A_968 : i32
        %add3A_970 = arith.constant 1 : i32
        %add3A_971 = arith.addi %add3A_969, %add3A_970 : i32
        %mul3A_972 = arith.constant 8 : i32
        %mul3A_973 = arith.muli %sub3A_961, %mul3A_972 : i32
        %add3A_974 = arith.addi %mul3A_4, %mul3A_973 : i32
        %add3A_975 = arith.constant 2 : i32
        %add3A_976 = arith.addi %add3A_974, %add3A_975 : i32
        %mul3A_977 = arith.constant 8 : i32
        %mul3A_978 = arith.muli %sub3A_961, %mul3A_977 : i32
        %add3A_979 = arith.addi %mul3A_4, %mul3A_978 : i32
        %add3A_980 = arith.constant 3 : i32
        %add3A_981 = arith.addi %add3A_979, %add3A_980 : i32
        %mul3A_982 = arith.constant 8 : i32
        %mul3A_983 = arith.muli %sub3A_961, %mul3A_982 : i32
        %add3A_984 = arith.addi %mul3A_4, %mul3A_983 : i32
        %add3A_985 = arith.constant 4 : i32
        %add3A_986 = arith.addi %add3A_984, %add3A_985 : i32
        %mul3A_987 = arith.constant 8 : i32
        %mul3A_988 = arith.muli %sub3A_961, %mul3A_987 : i32
        %add3A_989 = arith.addi %mul3A_4, %mul3A_988 : i32
        %add3A_990 = arith.constant 5 : i32
        %add3A_991 = arith.addi %add3A_989, %add3A_990 : i32
        %mul3A_992 = arith.constant 8 : i32
        %mul3A_993 = arith.muli %sub3A_961, %mul3A_992 : i32
        %add3A_994 = arith.addi %mul3A_4, %mul3A_993 : i32
        %add3A_995 = arith.constant 6 : i32
        %add3A_996 = arith.addi %add3A_994, %add3A_995 : i32
        %mul3A_997 = arith.constant 8 : i32
        %mul3A_998 = arith.muli %sub3A_961, %mul3A_997 : i32
        %add3A_999 = arith.addi %mul3A_4, %mul3A_998 : i32
        %add3A_1000 = arith.constant 7 : i32
        %add3A_1001 = arith.addi %add3A_999, %add3A_1000 : i32
        %dma_wait3A_1002 = arith.constant 1 : i32
        %dma_wait3A_1003 = arith.constant 0 : i32
        %dma_wait3A_1004 = arith.constant 0 : i32
        %dma_wait3A_1005 = tpu.memref_slice %arg6[%dma_wait3A_1002, %dma_wait3A_1003, %dma_wait3A_1004] : memref<2x400x64xf32, #tpu.memory_space<vmem>> -> memref<1x400x64xf32, #tpu.memory_space<vmem>>
        %dma_wait3A_1006 = tpu.memref_squeeze %dma_wait3A_1005 : memref<1x400x64xf32, #tpu.memory_space<vmem>> -> memref<400x64xf32, #tpu.memory_space<vmem>>
        %dma_wait3A_1007 = arith.constant 0 : i32
        %dma_wait3A_1008 = arith.constant 0 : i32
        %dma_wait3A_1009 = tpu.memref_slice %dma_wait3A_1006[%dma_wait3A_1007, %dma_wait3A_1008] : memref<400x64xf32, #tpu.memory_space<vmem>> -> memref<50x64xf32, #tpu.memory_space<vmem>>
        %dma_wait3A_1010 = arith.constant 0 : i32
        %dma_wait3A_1011 = arith.constant 0 : i32
        %dma_wait3A_1012 = tpu.memref_slice %arg4[%add3A_966, %dma_wait3A_1010, %dma_wait3A_1011] : memref<16384x50x64xf32, #tpu.memory_space<hbm>> -> memref<1x50x64xf32, #tpu.memory_space<hbm>>
        %dma_wait3A_1013 = tpu.memref_squeeze %dma_wait3A_1012 : memref<1x50x64xf32, #tpu.memory_space<hbm>> -> memref<50x64xf32, #tpu.memory_space<hbm>>
        %dma_wait3A_1014 = arith.constant 0 : i32
        %dma_wait3A_1015 = arith.constant 0 : i32
        %dma_wait3A_1016 = tpu.memref_slice %arg4[%add3A_966, %dma_wait3A_1014, %dma_wait3A_1015] : memref<16384x50x64xf32, #tpu.memory_space<hbm>> -> memref<1x50x64xf32, #tpu.memory_space<hbm>>
        %dma_wait3A_1017 = tpu.memref_squeeze %dma_wait3A_1016 : memref<1x50x64xf32, #tpu.memory_space<hbm>> -> memref<50x64xf32, #tpu.memory_space<hbm>>
        %dma_wait3A_1018 = arith.constant 0 : i32
        %dma_wait3A_1019 = arith.constant 0 : i32
        %dma_wait3A_1020 = tpu.memref_slice %arg6[%dma_wait3A_1002, %dma_wait3A_1018, %dma_wait3A_1019] : memref<2x400x64xf32, #tpu.memory_space<vmem>> -> memref<1x400x64xf32, #tpu.memory_space<vmem>>
        %dma_wait3A_1021 = tpu.memref_squeeze %dma_wait3A_1020 : memref<1x400x64xf32, #tpu.memory_space<vmem>> -> memref<400x64xf32, #tpu.memory_space<vmem>>
        %dma_wait3A_1022 = arith.constant 0 : i32
        %dma_wait3A_1023 = arith.constant 0 : i32
        %dma_wait3A_1024 = tpu.memref_slice %dma_wait3A_1021[%dma_wait3A_1022, %dma_wait3A_1023] : memref<400x64xf32, #tpu.memory_space<vmem>> -> memref<50x64xf32, #tpu.memory_space<vmem>>
        tpu.wait_dma2 semaphore(%arg8 : memref<!tpu.dma_semaphore, #tpu.memory_space<semaphore_mem>>) src(%dma_wait3A_1024 : memref<50x64xf32, #tpu.memory_space<vmem>>) dst(%dma_wait3A_1017 : memref<50x64xf32, #tpu.memory_space<hbm>>)
        %dma_wait3A_1025 = arith.constant 1 : i32
        %dma_wait3A_1026 = arith.constant 0 : i32
        %dma_wait3A_1027 = arith.constant 0 : i32
        %dma_wait3A_1028 = tpu.memref_slice %arg6[%dma_wait3A_1025, %dma_wait3A_1026, %dma_wait3A_1027] : memref<2x400x64xf32, #tpu.memory_space<vmem>> -> memref<1x400x64xf32, #tpu.memory_space<vmem>>
        %dma_wait3A_1029 = tpu.memref_squeeze %dma_wait3A_1028 : memref<1x400x64xf32, #tpu.memory_space<vmem>> -> memref<400x64xf32, #tpu.memory_space<vmem>>
        %dma_wait3A_1030 = arith.constant 50 : i32
        %dma_wait3A_1031 = arith.constant 0 : i32
        %dma_wait3A_1032 = tpu.memref_slice %dma_wait3A_1029[%dma_wait3A_1030, %dma_wait3A_1031] : memref<400x64xf32, #tpu.memory_space<vmem>> -> memref<50x64xf32, #tpu.memory_space<vmem>>
        %dma_wait3A_1033 = arith.constant 0 : i32
        %dma_wait3A_1034 = arith.constant 0 : i32
        %dma_wait3A_1035 = tpu.memref_slice %arg4[%add3A_971, %dma_wait3A_1033, %dma_wait3A_1034] : memref<16384x50x64xf32, #tpu.memory_space<hbm>> -> memref<1x50x64xf32, #tpu.memory_space<hbm>>
        %dma_wait3A_1036 = tpu.memref_squeeze %dma_wait3A_1035 : memref<1x50x64xf32, #tpu.memory_space<hbm>> -> memref<50x64xf32, #tpu.memory_space<hbm>>
        %dma_wait3A_1037 = arith.constant 0 : i32
        %dma_wait3A_1038 = arith.constant 0 : i32
        %dma_wait3A_1039 = tpu.memref_slice %arg4[%add3A_971, %dma_wait3A_1037, %dma_wait3A_1038] : memref<16384x50x64xf32, #tpu.memory_space<hbm>> -> memref<1x50x64xf32, #tpu.memory_space<hbm>>
        %dma_wait3A_1040 = tpu.memref_squeeze %dma_wait3A_1039 : memref<1x50x64xf32, #tpu.memory_space<hbm>> -> memref<50x64xf32, #tpu.memory_space<hbm>>
        %dma_wait3A_1041 = arith.constant 0 : i32
        %dma_wait3A_1042 = arith.constant 0 : i32
        %dma_wait3A_1043 = tpu.memref_slice %arg6[%dma_wait3A_1025, %dma_wait3A_1041, %dma_wait3A_1042] : memref<2x400x64xf32, #tpu.memory_space<vmem>> -> memref<1x400x64xf32, #tpu.memory_space<vmem>>
        %dma_wait3A_1044 = tpu.memref_squeeze %dma_wait3A_1043 : memref<1x400x64xf32, #tpu.memory_space<vmem>> -> memref<400x64xf32, #tpu.memory_space<vmem>>
        %dma_wait3A_1045 = arith.constant 50 : i32
        %dma_wait3A_1046 = arith.constant 0 : i32
        %dma_wait3A_1047 = tpu.memref_slice %dma_wait3A_1044[%dma_wait3A_1045, %dma_wait3A_1046] : memref<400x64xf32, #tpu.memory_space<vmem>> -> memref<50x64xf32, #tpu.memory_space<vmem>>
        tpu.wait_dma2 semaphore(%arg8 : memref<!tpu.dma_semaphore, #tpu.memory_space<semaphore_mem>>) src(%dma_wait3A_1047 : memref<50x64xf32, #tpu.memory_space<vmem>>) dst(%dma_wait3A_1040 : memref<50x64xf32, #tpu.memory_space<hbm>>)
        %dma_wait3A_1048 = arith.constant 1 : i32
        %dma_wait3A_1049 = arith.constant 0 : i32
        %dma_wait3A_1050 = arith.constant 0 : i32
        %dma_wait3A_1051 = tpu.memref_slice %arg6[%dma_wait3A_1048, %dma_wait3A_1049, %dma_wait3A_1050] : memref<2x400x64xf32, #tpu.memory_space<vmem>> -> memref<1x400x64xf32, #tpu.memory_space<vmem>>
        %dma_wait3A_1052 = tpu.memref_squeeze %dma_wait3A_1051 : memref<1x400x64xf32, #tpu.memory_space<vmem>> -> memref<400x64xf32, #tpu.memory_space<vmem>>
        %dma_wait3A_1053 = arith.constant 100 : i32
        %dma_wait3A_1054 = arith.constant 0 : i32
        %dma_wait3A_1055 = tpu.memref_slice %dma_wait3A_1052[%dma_wait3A_1053, %dma_wait3A_1054] : memref<400x64xf32, #tpu.memory_space<vmem>> -> memref<50x64xf32, #tpu.memory_space<vmem>>
        %dma_wait3A_1056 = arith.constant 0 : i32
        %dma_wait3A_1057 = arith.constant 0 : i32
        %dma_wait3A_1058 = tpu.memref_slice %arg4[%add3A_976, %dma_wait3A_1056, %dma_wait3A_1057] : memref<16384x50x64xf32, #tpu.memory_space<hbm>> -> memref<1x50x64xf32, #tpu.memory_space<hbm>>
        %dma_wait3A_1059 = tpu.memref_squeeze %dma_wait3A_1058 : memref<1x50x64xf32, #tpu.memory_space<hbm>> -> memref<50x64xf32, #tpu.memory_space<hbm>>
        %dma_wait3A_1060 = arith.constant 0 : i32
        %dma_wait3A_1061 = arith.constant 0 : i32
        %dma_wait3A_1062 = tpu.memref_slice %arg4[%add3A_976, %dma_wait3A_1060, %dma_wait3A_1061] : memref<16384x50x64xf32, #tpu.memory_space<hbm>> -> memref<1x50x64xf32, #tpu.memory_space<hbm>>
        %dma_wait3A_1063 = tpu.memref_squeeze %dma_wait3A_1062 : memref<1x50x64xf32, #tpu.memory_space<hbm>> -> memref<50x64xf32, #tpu.memory_space<hbm>>
        %dma_wait3A_1064 = arith.constant 0 : i32
        %dma_wait3A_1065 = arith.constant 0 : i32
        %dma_wait3A_1066 = tpu.memref_slice %arg6[%dma_wait3A_1048, %dma_wait3A_1064, %dma_wait3A_1065] : memref<2x400x64xf32, #tpu.memory_space<vmem>> -> memref<1x400x64xf32, #tpu.memory_space<vmem>>
        %dma_wait3A_1067 = tpu.memref_squeeze %dma_wait3A_1066 : memref<1x400x64xf32, #tpu.memory_space<vmem>> -> memref<400x64xf32, #tpu.memory_space<vmem>>
        %dma_wait3A_1068 = arith.constant 100 : i32
        %dma_wait3A_1069 = arith.constant 0 : i32
        %dma_wait3A_1070 = tpu.memref_slice %dma_wait3A_1067[%dma_wait3A_1068, %dma_wait3A_1069] : memref<400x64xf32, #tpu.memory_space<vmem>> -> memref<50x64xf32, #tpu.memory_space<vmem>>
        tpu.wait_dma2 semaphore(%arg8 : memref<!tpu.dma_semaphore, #tpu.memory_space<semaphore_mem>>) src(%dma_wait3A_1070 : memref<50x64xf32, #tpu.memory_space<vmem>>) dst(%dma_wait3A_1063 : memref<50x64xf32, #tpu.memory_space<hbm>>)
        %dma_wait3A_1071 = arith.constant 1 : i32
        %dma_wait3A_1072 = arith.constant 0 : i32
        %dma_wait3A_1073 = arith.constant 0 : i32
        %dma_wait3A_1074 = tpu.memref_slice %arg6[%dma_wait3A_1071, %dma_wait3A_1072, %dma_wait3A_1073] : memref<2x400x64xf32, #tpu.memory_space<vmem>> -> memref<1x400x64xf32, #tpu.memory_space<vmem>>
        %dma_wait3A_1075 = tpu.memref_squeeze %dma_wait3A_1074 : memref<1x400x64xf32, #tpu.memory_space<vmem>> -> memref<400x64xf32, #tpu.memory_space<vmem>>
        %dma_wait3A_1076 = arith.constant 150 : i32
        %dma_wait3A_1077 = arith.constant 0 : i32
        %dma_wait3A_1078 = tpu.memref_slice %dma_wait3A_1075[%dma_wait3A_1076, %dma_wait3A_1077] : memref<400x64xf32, #tpu.memory_space<vmem>> -> memref<50x64xf32, #tpu.memory_space<vmem>>
        %dma_wait3A_1079 = arith.constant 0 : i32
        %dma_wait3A_1080 = arith.constant 0 : i32
        %dma_wait3A_1081 = tpu.memref_slice %arg4[%add3A_981, %dma_wait3A_1079, %dma_wait3A_1080] : memref<16384x50x64xf32, #tpu.memory_space<hbm>> -> memref<1x50x64xf32, #tpu.memory_space<hbm>>
        %dma_wait3A_1082 = tpu.memref_squeeze %dma_wait3A_1081 : memref<1x50x64xf32, #tpu.memory_space<hbm>> -> memref<50x64xf32, #tpu.memory_space<hbm>>
        %dma_wait3A_1083 = arith.constant 0 : i32
        %dma_wait3A_1084 = arith.constant 0 : i32
        %dma_wait3A_1085 = tpu.memref_slice %arg4[%add3A_981, %dma_wait3A_1083, %dma_wait3A_1084] : memref<16384x50x64xf32, #tpu.memory_space<hbm>> -> memref<1x50x64xf32, #tpu.memory_space<hbm>>
        %dma_wait3A_1086 = tpu.memref_squeeze %dma_wait3A_1085 : memref<1x50x64xf32, #tpu.memory_space<hbm>> -> memref<50x64xf32, #tpu.memory_space<hbm>>
        %dma_wait3A_1087 = arith.constant 0 : i32
        %dma_wait3A_1088 = arith.constant 0 : i32
        %dma_wait3A_1089 = tpu.memref_slice %arg6[%dma_wait3A_1071, %dma_wait3A_1087, %dma_wait3A_1088] : memref<2x400x64xf32, #tpu.memory_space<vmem>> -> memref<1x400x64xf32, #tpu.memory_space<vmem>>
        %dma_wait3A_1090 = tpu.memref_squeeze %dma_wait3A_1089 : memref<1x400x64xf32, #tpu.memory_space<vmem>> -> memref<400x64xf32, #tpu.memory_space<vmem>>
        %dma_wait3A_1091 = arith.constant 150 : i32
        %dma_wait3A_1092 = arith.constant 0 : i32
        %dma_wait3A_1093 = tpu.memref_slice %dma_wait3A_1090[%dma_wait3A_1091, %dma_wait3A_1092] : memref<400x64xf32, #tpu.memory_space<vmem>> -> memref<50x64xf32, #tpu.memory_space<vmem>>
        tpu.wait_dma2 semaphore(%arg8 : memref<!tpu.dma_semaphore, #tpu.memory_space<semaphore_mem>>) src(%dma_wait3A_1093 : memref<50x64xf32, #tpu.memory_space<vmem>>) dst(%dma_wait3A_1086 : memref<50x64xf32, #tpu.memory_space<hbm>>)
        %dma_wait3A_1094 = arith.constant 1 : i32
        %dma_wait3A_1095 = arith.constant 0 : i32
        %dma_wait3A_1096 = arith.constant 0 : i32
        %dma_wait3A_1097 = tpu.memref_slice %arg6[%dma_wait3A_1094, %dma_wait3A_1095, %dma_wait3A_1096] : memref<2x400x64xf32, #tpu.memory_space<vmem>> -> memref<1x400x64xf32, #tpu.memory_space<vmem>>
        %dma_wait3A_1098 = tpu.memref_squeeze %dma_wait3A_1097 : memref<1x400x64xf32, #tpu.memory_space<vmem>> -> memref<400x64xf32, #tpu.memory_space<vmem>>
        %dma_wait3A_1099 = arith.constant 200 : i32
        %dma_wait3A_1100 = arith.constant 0 : i32
        %dma_wait3A_1101 = tpu.memref_slice %dma_wait3A_1098[%dma_wait3A_1099, %dma_wait3A_1100] : memref<400x64xf32, #tpu.memory_space<vmem>> -> memref<50x64xf32, #tpu.memory_space<vmem>>
        %dma_wait3A_1102 = arith.constant 0 : i32
        %dma_wait3A_1103 = arith.constant 0 : i32
        %dma_wait3A_1104 = tpu.memref_slice %arg4[%add3A_986, %dma_wait3A_1102, %dma_wait3A_1103] : memref<16384x50x64xf32, #tpu.memory_space<hbm>> -> memref<1x50x64xf32, #tpu.memory_space<hbm>>
        %dma_wait3A_1105 = tpu.memref_squeeze %dma_wait3A_1104 : memref<1x50x64xf32, #tpu.memory_space<hbm>> -> memref<50x64xf32, #tpu.memory_space<hbm>>
        %dma_wait3A_1106 = arith.constant 0 : i32
        %dma_wait3A_1107 = arith.constant 0 : i32
        %dma_wait3A_1108 = tpu.memref_slice %arg4[%add3A_986, %dma_wait3A_1106, %dma_wait3A_1107] : memref<16384x50x64xf32, #tpu.memory_space<hbm>> -> memref<1x50x64xf32, #tpu.memory_space<hbm>>
        %dma_wait3A_1109 = tpu.memref_squeeze %dma_wait3A_1108 : memref<1x50x64xf32, #tpu.memory_space<hbm>> -> memref<50x64xf32, #tpu.memory_space<hbm>>
        %dma_wait3A_1110 = arith.constant 0 : i32
        %dma_wait3A_1111 = arith.constant 0 : i32
        %dma_wait3A_1112 = tpu.memref_slice %arg6[%dma_wait3A_1094, %dma_wait3A_1110, %dma_wait3A_1111] : memref<2x400x64xf32, #tpu.memory_space<vmem>> -> memref<1x400x64xf32, #tpu.memory_space<vmem>>
        %dma_wait3A_1113 = tpu.memref_squeeze %dma_wait3A_1112 : memref<1x400x64xf32, #tpu.memory_space<vmem>> -> memref<400x64xf32, #tpu.memory_space<vmem>>
        %dma_wait3A_1114 = arith.constant 200 : i32
        %dma_wait3A_1115 = arith.constant 0 : i32
        %dma_wait3A_1116 = tpu.memref_slice %dma_wait3A_1113[%dma_wait3A_1114, %dma_wait3A_1115] : memref<400x64xf32, #tpu.memory_space<vmem>> -> memref<50x64xf32, #tpu.memory_space<vmem>>
        tpu.wait_dma2 semaphore(%arg8 : memref<!tpu.dma_semaphore, #tpu.memory_space<semaphore_mem>>) src(%dma_wait3A_1116 : memref<50x64xf32, #tpu.memory_space<vmem>>) dst(%dma_wait3A_1109 : memref<50x64xf32, #tpu.memory_space<hbm>>)
        %dma_wait3A_1117 = arith.constant 1 : i32
        %dma_wait3A_1118 = arith.constant 0 : i32
        %dma_wait3A_1119 = arith.constant 0 : i32
        %dma_wait3A_1120 = tpu.memref_slice %arg6[%dma_wait3A_1117, %dma_wait3A_1118, %dma_wait3A_1119] : memref<2x400x64xf32, #tpu.memory_space<vmem>> -> memref<1x400x64xf32, #tpu.memory_space<vmem>>
        %dma_wait3A_1121 = tpu.memref_squeeze %dma_wait3A_1120 : memref<1x400x64xf32, #tpu.memory_space<vmem>> -> memref<400x64xf32, #tpu.memory_space<vmem>>
        %dma_wait3A_1122 = arith.constant 250 : i32
        %dma_wait3A_1123 = arith.constant 0 : i32
        %dma_wait3A_1124 = tpu.memref_slice %dma_wait3A_1121[%dma_wait3A_1122, %dma_wait3A_1123] : memref<400x64xf32, #tpu.memory_space<vmem>> -> memref<50x64xf32, #tpu.memory_space<vmem>>
        %dma_wait3A_1125 = arith.constant 0 : i32
        %dma_wait3A_1126 = arith.constant 0 : i32
        %dma_wait3A_1127 = tpu.memref_slice %arg4[%add3A_991, %dma_wait3A_1125, %dma_wait3A_1126] : memref<16384x50x64xf32, #tpu.memory_space<hbm>> -> memref<1x50x64xf32, #tpu.memory_space<hbm>>
        %dma_wait3A_1128 = tpu.memref_squeeze %dma_wait3A_1127 : memref<1x50x64xf32, #tpu.memory_space<hbm>> -> memref<50x64xf32, #tpu.memory_space<hbm>>
        %dma_wait3A_1129 = arith.constant 0 : i32
        %dma_wait3A_1130 = arith.constant 0 : i32
        %dma_wait3A_1131 = tpu.memref_slice %arg4[%add3A_991, %dma_wait3A_1129, %dma_wait3A_1130] : memref<16384x50x64xf32, #tpu.memory_space<hbm>> -> memref<1x50x64xf32, #tpu.memory_space<hbm>>
        %dma_wait3A_1132 = tpu.memref_squeeze %dma_wait3A_1131 : memref<1x50x64xf32, #tpu.memory_space<hbm>> -> memref<50x64xf32, #tpu.memory_space<hbm>>
        %dma_wait3A_1133 = arith.constant 0 : i32
        %dma_wait3A_1134 = arith.constant 0 : i32
        %dma_wait3A_1135 = tpu.memref_slice %arg6[%dma_wait3A_1117, %dma_wait3A_1133, %dma_wait3A_1134] : memref<2x400x64xf32, #tpu.memory_space<vmem>> -> memref<1x400x64xf32, #tpu.memory_space<vmem>>
        %dma_wait3A_1136 = tpu.memref_squeeze %dma_wait3A_1135 : memref<1x400x64xf32, #tpu.memory_space<vmem>> -> memref<400x64xf32, #tpu.memory_space<vmem>>
        %dma_wait3A_1137 = arith.constant 250 : i32
        %dma_wait3A_1138 = arith.constant 0 : i32
        %dma_wait3A_1139 = tpu.memref_slice %dma_wait3A_1136[%dma_wait3A_1137, %dma_wait3A_1138] : memref<400x64xf32, #tpu.memory_space<vmem>> -> memref<50x64xf32, #tpu.memory_space<vmem>>
        tpu.wait_dma2 semaphore(%arg8 : memref<!tpu.dma_semaphore, #tpu.memory_space<semaphore_mem>>) src(%dma_wait3A_1139 : memref<50x64xf32, #tpu.memory_space<vmem>>) dst(%dma_wait3A_1132 : memref<50x64xf32, #tpu.memory_space<hbm>>)
        %dma_wait3A_1140 = arith.constant 1 : i32
        %dma_wait3A_1141 = arith.constant 0 : i32
        %dma_wait3A_1142 = arith.constant 0 : i32
        %dma_wait3A_1143 = tpu.memref_slice %arg6[%dma_wait3A_1140, %dma_wait3A_1141, %dma_wait3A_1142] : memref<2x400x64xf32, #tpu.memory_space<vmem>> -> memref<1x400x64xf32, #tpu.memory_space<vmem>>
        %dma_wait3A_1144 = tpu.memref_squeeze %dma_wait3A_1143 : memref<1x400x64xf32, #tpu.memory_space<vmem>> -> memref<400x64xf32, #tpu.memory_space<vmem>>
        %dma_wait3A_1145 = arith.constant 300 : i32
        %dma_wait3A_1146 = arith.constant 0 : i32
        %dma_wait3A_1147 = tpu.memref_slice %dma_wait3A_1144[%dma_wait3A_1145, %dma_wait3A_1146] : memref<400x64xf32, #tpu.memory_space<vmem>> -> memref<50x64xf32, #tpu.memory_space<vmem>>
        %dma_wait3A_1148 = arith.constant 0 : i32
        %dma_wait3A_1149 = arith.constant 0 : i32
        %dma_wait3A_1150 = tpu.memref_slice %arg4[%add3A_996, %dma_wait3A_1148, %dma_wait3A_1149] : memref<16384x50x64xf32, #tpu.memory_space<hbm>> -> memref<1x50x64xf32, #tpu.memory_space<hbm>>
        %dma_wait3A_1151 = tpu.memref_squeeze %dma_wait3A_1150 : memref<1x50x64xf32, #tpu.memory_space<hbm>> -> memref<50x64xf32, #tpu.memory_space<hbm>>
        %dma_wait3A_1152 = arith.constant 0 : i32
        %dma_wait3A_1153 = arith.constant 0 : i32
        %dma_wait3A_1154 = tpu.memref_slice %arg4[%add3A_996, %dma_wait3A_1152, %dma_wait3A_1153] : memref<16384x50x64xf32, #tpu.memory_space<hbm>> -> memref<1x50x64xf32, #tpu.memory_space<hbm>>
        %dma_wait3A_1155 = tpu.memref_squeeze %dma_wait3A_1154 : memref<1x50x64xf32, #tpu.memory_space<hbm>> -> memref<50x64xf32, #tpu.memory_space<hbm>>
        %dma_wait3A_1156 = arith.constant 0 : i32
        %dma_wait3A_1157 = arith.constant 0 : i32
        %dma_wait3A_1158 = tpu.memref_slice %arg6[%dma_wait3A_1140, %dma_wait3A_1156, %dma_wait3A_1157] : memref<2x400x64xf32, #tpu.memory_space<vmem>> -> memref<1x400x64xf32, #tpu.memory_space<vmem>>
        %dma_wait3A_1159 = tpu.memref_squeeze %dma_wait3A_1158 : memref<1x400x64xf32, #tpu.memory_space<vmem>> -> memref<400x64xf32, #tpu.memory_space<vmem>>
        %dma_wait3A_1160 = arith.constant 300 : i32
        %dma_wait3A_1161 = arith.constant 0 : i32
        %dma_wait3A_1162 = tpu.memref_slice %dma_wait3A_1159[%dma_wait3A_1160, %dma_wait3A_1161] : memref<400x64xf32, #tpu.memory_space<vmem>> -> memref<50x64xf32, #tpu.memory_space<vmem>>
        tpu.wait_dma2 semaphore(%arg8 : memref<!tpu.dma_semaphore, #tpu.memory_space<semaphore_mem>>) src(%dma_wait3A_1162 : memref<50x64xf32, #tpu.memory_space<vmem>>) dst(%dma_wait3A_1155 : memref<50x64xf32, #tpu.memory_space<hbm>>)
        %dma_wait3A_1163 = arith.constant 1 : i32
        %dma_wait3A_1164 = arith.constant 0 : i32
        %dma_wait3A_1165 = arith.constant 0 : i32
        %dma_wait3A_1166 = tpu.memref_slice %arg6[%dma_wait3A_1163, %dma_wait3A_1164, %dma_wait3A_1165] : memref<2x400x64xf32, #tpu.memory_space<vmem>> -> memref<1x400x64xf32, #tpu.memory_space<vmem>>
        %dma_wait3A_1167 = tpu.memref_squeeze %dma_wait3A_1166 : memref<1x400x64xf32, #tpu.memory_space<vmem>> -> memref<400x64xf32, #tpu.memory_space<vmem>>
        %dma_wait3A_1168 = arith.constant 350 : i32
        %dma_wait3A_1169 = arith.constant 0 : i32
        %dma_wait3A_1170 = tpu.memref_slice %dma_wait3A_1167[%dma_wait3A_1168, %dma_wait3A_1169] : memref<400x64xf32, #tpu.memory_space<vmem>> -> memref<50x64xf32, #tpu.memory_space<vmem>>
        %dma_wait3A_1171 = arith.constant 0 : i32
        %dma_wait3A_1172 = arith.constant 0 : i32
        %dma_wait3A_1173 = tpu.memref_slice %arg4[%add3A_1001, %dma_wait3A_1171, %dma_wait3A_1172] : memref<16384x50x64xf32, #tpu.memory_space<hbm>> -> memref<1x50x64xf32, #tpu.memory_space<hbm>>
        %dma_wait3A_1174 = tpu.memref_squeeze %dma_wait3A_1173 : memref<1x50x64xf32, #tpu.memory_space<hbm>> -> memref<50x64xf32, #tpu.memory_space<hbm>>
        %dma_wait3A_1175 = arith.constant 0 : i32
        %dma_wait3A_1176 = arith.constant 0 : i32
        %dma_wait3A_1177 = tpu.memref_slice %arg4[%add3A_1001, %dma_wait3A_1175, %dma_wait3A_1176] : memref<16384x50x64xf32, #tpu.memory_space<hbm>> -> memref<1x50x64xf32, #tpu.memory_space<hbm>>
        %dma_wait3A_1178 = tpu.memref_squeeze %dma_wait3A_1177 : memref<1x50x64xf32, #tpu.memory_space<hbm>> -> memref<50x64xf32, #tpu.memory_space<hbm>>
        %dma_wait3A_1179 = arith.constant 0 : i32
        %dma_wait3A_1180 = arith.constant 0 : i32
        %dma_wait3A_1181 = tpu.memref_slice %arg6[%dma_wait3A_1163, %dma_wait3A_1179, %dma_wait3A_1180] : memref<2x400x64xf32, #tpu.memory_space<vmem>> -> memref<1x400x64xf32, #tpu.memory_space<vmem>>
        %dma_wait3A_1182 = tpu.memref_squeeze %dma_wait3A_1181 : memref<1x400x64xf32, #tpu.memory_space<vmem>> -> memref<400x64xf32, #tpu.memory_space<vmem>>
        %dma_wait3A_1183 = arith.constant 350 : i32
        %dma_wait3A_1184 = arith.constant 0 : i32
        %dma_wait3A_1185 = tpu.memref_slice %dma_wait3A_1182[%dma_wait3A_1183, %dma_wait3A_1184] : memref<400x64xf32, #tpu.memory_space<vmem>> -> memref<50x64xf32, #tpu.memory_space<vmem>>
        tpu.wait_dma2 semaphore(%arg8 : memref<!tpu.dma_semaphore, #tpu.memory_space<semaphore_mem>>) src(%dma_wait3A_1185 : memref<50x64xf32, #tpu.memory_space<vmem>>) dst(%dma_wait3A_1178 : memref<50x64xf32, #tpu.memory_space<hbm>>)
      } else {
      }
      %add3A_320 = arith.constant 1 : i32
      %add3A_321 = arith.addi %add3A_317, %add3A_320 : i32
      %lt3A = arith.constant 64 : i32
      %lt3A_322 = arith.cmpi slt, %add3A_321, %lt3A : i32
      %convert_element_type3A_323 = arith.extui %lt3A_322 : i1 to i32
      %cond3A_324 = arith.constant 0 : i32
      %cond3A_325 = arith.cmpi ne, %convert_element_type3A_323, %cond3A_324 : i32
      scf.if %cond3A_325 {
        %add3A_961 = arith.constant 1 : i32
        %add3A_962 = arith.addi %add3A_317, %add3A_961 : i32
        %mul3A_963 = arith.constant 400 : i32
        %mul3A_964 = arith.muli %add3A_962, %mul3A_963 : i32
        %add3A_965 = arith.addi %mul3A_2, %mul3A_964 : i32
        %run_scoped3A_966 = arith.constant 1 : i32
        "tpu.region"() ({
          %run_scoped3A_1052 = tpu.sem_alloc : memref<!tpu.dma_semaphore, #tpu.memory_space<semaphore_mem>>
          %dma_start3A_1053 = arith.constant 0 : i32
          %dma_start3A_1054 = tpu.memref_slice %arg5[%run_scoped3A_966, %dma_start3A_1053] : memref<2x400xi32, #tpu.memory_space<vmem>> -> memref<1x400xi32, #tpu.memory_space<vmem>>
          %dma_start3A_1055 = tpu.memref_squeeze %dma_start3A_1054 : memref<1x400xi32, #tpu.memory_space<vmem>> -> memref<400xi32, #tpu.memory_space<vmem>>
          %dma_start3A_1056 = tpu.memref_slice %arg3[%add3A_965] : memref<819200xi32, #tpu.memory_space<hbm>> -> memref<400xi32, #tpu.memory_space<hbm>>
          %dma_start3A_1057 = arith.constant 0 : i32
          %dma_start3A_1058 = tpu.memref_slice %arg5[%run_scoped3A_966, %dma_start3A_1057] : memref<2x400xi32, #tpu.memory_space<vmem>> -> memref<1x400xi32, #tpu.memory_space<vmem>>
          %dma_start3A_1059 = tpu.memref_squeeze %dma_start3A_1058 : memref<1x400xi32, #tpu.memory_space<vmem>> -> memref<400xi32, #tpu.memory_space<vmem>>
          %dma_start3A_1060 = tpu.memref_slice %arg3[%add3A_965] : memref<819200xi32, #tpu.memory_space<hbm>> -> memref<400xi32, #tpu.memory_space<hbm>>
          tpu.enqueue_dma source(%dma_start3A_1060 : memref<400xi32, #tpu.memory_space<hbm>>) target(%dma_start3A_1059 : memref<400xi32, #tpu.memory_space<vmem>>) target_semaphore(%run_scoped3A_1052 : memref<!tpu.dma_semaphore, #tpu.memory_space<semaphore_mem>>)
          %dma_wait3A_1061 = arith.constant 0 : i32
          %dma_wait3A_1062 = tpu.memref_slice %arg5[%run_scoped3A_966, %dma_wait3A_1061] : memref<2x400xi32, #tpu.memory_space<vmem>> -> memref<1x400xi32, #tpu.memory_space<vmem>>
          %dma_wait3A_1063 = tpu.memref_squeeze %dma_wait3A_1062 : memref<1x400xi32, #tpu.memory_space<vmem>> -> memref<400xi32, #tpu.memory_space<vmem>>
          %dma_wait3A_1064 = tpu.memref_slice %arg3[%add3A_965] : memref<819200xi32, #tpu.memory_space<hbm>> -> memref<400xi32, #tpu.memory_space<hbm>>
          %dma_wait3A_1065 = arith.constant 0 : i32
          %dma_wait3A_1066 = tpu.memref_slice %arg5[%run_scoped3A_966, %dma_wait3A_1065] : memref<2x400xi32, #tpu.memory_space<vmem>> -> memref<1x400xi32, #tpu.memory_space<vmem>>
          %dma_wait3A_1067 = tpu.memref_squeeze %dma_wait3A_1066 : memref<1x400xi32, #tpu.memory_space<vmem>> -> memref<400xi32, #tpu.memory_space<vmem>>
          %dma_wait3A_1068 = tpu.memref_slice %arg3[%add3A_965] : memref<819200xi32, #tpu.memory_space<hbm>> -> memref<400xi32, #tpu.memory_space<hbm>>
          tpu.wait_dma2 semaphore(%run_scoped3A_1052 : memref<!tpu.dma_semaphore, #tpu.memory_space<semaphore_mem>>) src(%dma_wait3A_1068 : memref<400xi32, #tpu.memory_space<hbm>>) dst(%dma_wait3A_1067 : memref<400xi32, #tpu.memory_space<vmem>>)
          tpu.yield
        }) : () -> ()
        %dma_start3A_967 = arith.constant 1 : i32
        %dma_start3A_968 = arith.constant 1 : i32
        %dma_start3A_969 = arith.constant 0 : i32
        %dma_start3A_970 = arith.constant 0 : i32
        %dma_start3A_971 = tpu.memref_slice %arg6[%dma_start3A_968, %dma_start3A_969, %dma_start3A_970] : memref<2x400x64xf32, #tpu.memory_space<vmem>> -> memref<1x400x64xf32, #tpu.memory_space<vmem>>
        %dma_start3A_972 = tpu.memref_squeeze %dma_start3A_971 : memref<1x400x64xf32, #tpu.memory_space<vmem>> -> memref<400x64xf32, #tpu.memory_space<vmem>>
        %dma_start3A_973 = arith.constant 0 : i32
        %dma_start3A_974 = arith.constant 0 : i32
        %dma_start3A_975 = tpu.memref_slice %dma_start3A_972[%dma_start3A_973, %dma_start3A_974] : memref<400x64xf32, #tpu.memory_space<vmem>> -> memref<80x64xf32, #tpu.memory_space<vmem>>
        %dma_start3A_976 = arith.constant 0 : i32
        %dma_start3A_977 = tpu.memref_slice %arg5[%dma_start3A_967, %dma_start3A_976] : memref<2x400xi32, #tpu.memory_space<vmem>> -> memref<1x400xi32, #tpu.memory_space<vmem>>
        %dma_start3A_978 = tpu.memref_squeeze %dma_start3A_977 : memref<1x400xi32, #tpu.memory_space<vmem>> -> memref<400xi32, #tpu.memory_space<vmem>>
        %dma_start3A_979 = arith.constant 0 : i32
        %dma_start3A_980 = tpu.memref_slice %dma_start3A_978[%dma_start3A_979] : memref<400xi32, #tpu.memory_space<vmem>> -> memref<80xi32, #tpu.memory_space<vmem>>
        %dma_start3A_981 = arith.constant 0 : i32
        %dma_start3A_982 = arith.constant 0 : i32
        %dma_start3A_983 = tpu.memref_slice %arg2[%dma_start3A_981, %dma_start3A_982] : memref<100000x64xf32, #tpu.memory_space<hbm>> -> memref<100000x64xf32, #tpu.memory_space<hbm>>
        tpu.enqueue_indirect_dma source(%dma_start3A_983 : memref<100000x64xf32, #tpu.memory_space<hbm>>) target(%dma_start3A_975 : memref<80x64xf32, #tpu.memory_space<vmem>>) offsets(%dma_start3A_980 : memref<80xi32, #tpu.memory_space<vmem>>) semaphore(%arg7 : memref<!tpu.dma_semaphore, #tpu.memory_space<semaphore_mem>>)
        %dma_start3A_984 = arith.constant 1 : i32
        %dma_start3A_985 = arith.constant 1 : i32
        %dma_start3A_986 = arith.constant 0 : i32
        %dma_start3A_987 = arith.constant 0 : i32
        %dma_start3A_988 = tpu.memref_slice %arg6[%dma_start3A_985, %dma_start3A_986, %dma_start3A_987] : memref<2x400x64xf32, #tpu.memory_space<vmem>> -> memref<1x400x64xf32, #tpu.memory_space<vmem>>
        %dma_start3A_989 = tpu.memref_squeeze %dma_start3A_988 : memref<1x400x64xf32, #tpu.memory_space<vmem>> -> memref<400x64xf32, #tpu.memory_space<vmem>>
        %dma_start3A_990 = arith.constant 80 : i32
        %dma_start3A_991 = arith.constant 0 : i32
        %dma_start3A_992 = tpu.memref_slice %dma_start3A_989[%dma_start3A_990, %dma_start3A_991] : memref<400x64xf32, #tpu.memory_space<vmem>> -> memref<80x64xf32, #tpu.memory_space<vmem>>
        %dma_start3A_993 = arith.constant 0 : i32
        %dma_start3A_994 = tpu.memref_slice %arg5[%dma_start3A_984, %dma_start3A_993] : memref<2x400xi32, #tpu.memory_space<vmem>> -> memref<1x400xi32, #tpu.memory_space<vmem>>
        %dma_start3A_995 = tpu.memref_squeeze %dma_start3A_994 : memref<1x400xi32, #tpu.memory_space<vmem>> -> memref<400xi32, #tpu.memory_space<vmem>>
        %dma_start3A_996 = arith.constant 80 : i32
        %dma_start3A_997 = tpu.memref_slice %dma_start3A_995[%dma_start3A_996] : memref<400xi32, #tpu.memory_space<vmem>> -> memref<80xi32, #tpu.memory_space<vmem>>
        %dma_start3A_998 = arith.constant 0 : i32
        %dma_start3A_999 = arith.constant 0 : i32
        %dma_start3A_1000 = tpu.memref_slice %arg2[%dma_start3A_998, %dma_start3A_999] : memref<100000x64xf32, #tpu.memory_space<hbm>> -> memref<100000x64xf32, #tpu.memory_space<hbm>>
        tpu.enqueue_indirect_dma source(%dma_start3A_1000 : memref<100000x64xf32, #tpu.memory_space<hbm>>) target(%dma_start3A_992 : memref<80x64xf32, #tpu.memory_space<vmem>>) offsets(%dma_start3A_997 : memref<80xi32, #tpu.memory_space<vmem>>) semaphore(%arg7 : memref<!tpu.dma_semaphore, #tpu.memory_space<semaphore_mem>>)
        %dma_start3A_1001 = arith.constant 1 : i32
        %dma_start3A_1002 = arith.constant 1 : i32
        %dma_start3A_1003 = arith.constant 0 : i32
        %dma_start3A_1004 = arith.constant 0 : i32
        %dma_start3A_1005 = tpu.memref_slice %arg6[%dma_start3A_1002, %dma_start3A_1003, %dma_start3A_1004] : memref<2x400x64xf32, #tpu.memory_space<vmem>> -> memref<1x400x64xf32, #tpu.memory_space<vmem>>
        %dma_start3A_1006 = tpu.memref_squeeze %dma_start3A_1005 : memref<1x400x64xf32, #tpu.memory_space<vmem>> -> memref<400x64xf32, #tpu.memory_space<vmem>>
        %dma_start3A_1007 = arith.constant 160 : i32
        %dma_start3A_1008 = arith.constant 0 : i32
        %dma_start3A_1009 = tpu.memref_slice %dma_start3A_1006[%dma_start3A_1007, %dma_start3A_1008] : memref<400x64xf32, #tpu.memory_space<vmem>> -> memref<80x64xf32, #tpu.memory_space<vmem>>
        %dma_start3A_1010 = arith.constant 0 : i32
        %dma_start3A_1011 = tpu.memref_slice %arg5[%dma_start3A_1001, %dma_start3A_1010] : memref<2x400xi32, #tpu.memory_space<vmem>> -> memref<1x400xi32, #tpu.memory_space<vmem>>
        %dma_start3A_1012 = tpu.memref_squeeze %dma_start3A_1011 : memref<1x400xi32, #tpu.memory_space<vmem>> -> memref<400xi32, #tpu.memory_space<vmem>>
        %dma_start3A_1013 = arith.constant 160 : i32
        %dma_start3A_1014 = tpu.memref_slice %dma_start3A_1012[%dma_start3A_1013] : memref<400xi32, #tpu.memory_space<vmem>> -> memref<80xi32, #tpu.memory_space<vmem>>
        %dma_start3A_1015 = arith.constant 0 : i32
        %dma_start3A_1016 = arith.constant 0 : i32
        %dma_start3A_1017 = tpu.memref_slice %arg2[%dma_start3A_1015, %dma_start3A_1016] : memref<100000x64xf32, #tpu.memory_space<hbm>> -> memref<100000x64xf32, #tpu.memory_space<hbm>>
        tpu.enqueue_indirect_dma source(%dma_start3A_1017 : memref<100000x64xf32, #tpu.memory_space<hbm>>) target(%dma_start3A_1009 : memref<80x64xf32, #tpu.memory_space<vmem>>) offsets(%dma_start3A_1014 : memref<80xi32, #tpu.memory_space<vmem>>) semaphore(%arg7 : memref<!tpu.dma_semaphore, #tpu.memory_space<semaphore_mem>>)
        %dma_start3A_1018 = arith.constant 1 : i32
        %dma_start3A_1019 = arith.constant 1 : i32
        %dma_start3A_1020 = arith.constant 0 : i32
        %dma_start3A_1021 = arith.constant 0 : i32
        %dma_start3A_1022 = tpu.memref_slice %arg6[%dma_start3A_1019, %dma_start3A_1020, %dma_start3A_1021] : memref<2x400x64xf32, #tpu.memory_space<vmem>> -> memref<1x400x64xf32, #tpu.memory_space<vmem>>
        %dma_start3A_1023 = tpu.memref_squeeze %dma_start3A_1022 : memref<1x400x64xf32, #tpu.memory_space<vmem>> -> memref<400x64xf32, #tpu.memory_space<vmem>>
        %dma_start3A_1024 = arith.constant 240 : i32
        %dma_start3A_1025 = arith.constant 0 : i32
        %dma_start3A_1026 = tpu.memref_slice %dma_start3A_1023[%dma_start3A_1024, %dma_start3A_1025] : memref<400x64xf32, #tpu.memory_space<vmem>> -> memref<80x64xf32, #tpu.memory_space<vmem>>
        %dma_start3A_1027 = arith.constant 0 : i32
        %dma_start3A_1028 = tpu.memref_slice %arg5[%dma_start3A_1018, %dma_start3A_1027] : memref<2x400xi32, #tpu.memory_space<vmem>> -> memref<1x400xi32, #tpu.memory_space<vmem>>
        %dma_start3A_1029 = tpu.memref_squeeze %dma_start3A_1028 : memref<1x400xi32, #tpu.memory_space<vmem>> -> memref<400xi32, #tpu.memory_space<vmem>>
        %dma_start3A_1030 = arith.constant 240 : i32
        %dma_start3A_1031 = tpu.memref_slice %dma_start3A_1029[%dma_start3A_1030] : memref<400xi32, #tpu.memory_space<vmem>> -> memref<80xi32, #tpu.memory_space<vmem>>
        %dma_start3A_1032 = arith.constant 0 : i32
        %dma_start3A_1033 = arith.constant 0 : i32
        %dma_start3A_1034 = tpu.memref_slice %arg2[%dma_start3A_1032, %dma_start3A_1033] : memref<100000x64xf32, #tpu.memory_space<hbm>> -> memref<100000x64xf32, #tpu.memory_space<hbm>>
        tpu.enqueue_indirect_dma source(%dma_start3A_1034 : memref<100000x64xf32, #tpu.memory_space<hbm>>) target(%dma_start3A_1026 : memref<80x64xf32, #tpu.memory_space<vmem>>) offsets(%dma_start3A_1031 : memref<80xi32, #tpu.memory_space<vmem>>) semaphore(%arg7 : memref<!tpu.dma_semaphore, #tpu.memory_space<semaphore_mem>>)
        %dma_start3A_1035 = arith.constant 1 : i32
        %dma_start3A_1036 = arith.constant 1 : i32
        %dma_start3A_1037 = arith.constant 0 : i32
        %dma_start3A_1038 = arith.constant 0 : i32
        %dma_start3A_1039 = tpu.memref_slice %arg6[%dma_start3A_1036, %dma_start3A_1037, %dma_start3A_1038] : memref<2x400x64xf32, #tpu.memory_space<vmem>> -> memref<1x400x64xf32, #tpu.memory_space<vmem>>
        %dma_start3A_1040 = tpu.memref_squeeze %dma_start3A_1039 : memref<1x400x64xf32, #tpu.memory_space<vmem>> -> memref<400x64xf32, #tpu.memory_space<vmem>>
        %dma_start3A_1041 = arith.constant 320 : i32
        %dma_start3A_1042 = arith.constant 0 : i32
        %dma_start3A_1043 = tpu.memref_slice %dma_start3A_1040[%dma_start3A_1041, %dma_start3A_1042] : memref<400x64xf32, #tpu.memory_space<vmem>> -> memref<80x64xf32, #tpu.memory_space<vmem>>
        %dma_start3A_1044 = arith.constant 0 : i32
        %dma_start3A_1045 = tpu.memref_slice %arg5[%dma_start3A_1035, %dma_start3A_1044] : memref<2x400xi32, #tpu.memory_space<vmem>> -> memref<1x400xi32, #tpu.memory_space<vmem>>
        %dma_start3A_1046 = tpu.memref_squeeze %dma_start3A_1045 : memref<1x400xi32, #tpu.memory_space<vmem>> -> memref<400xi32, #tpu.memory_space<vmem>>
        %dma_start3A_1047 = arith.constant 320 : i32
        %dma_start3A_1048 = tpu.memref_slice %dma_start3A_1046[%dma_start3A_1047] : memref<400xi32, #tpu.memory_space<vmem>> -> memref<80xi32, #tpu.memory_space<vmem>>
        %dma_start3A_1049 = arith.constant 0 : i32
        %dma_start3A_1050 = arith.constant 0 : i32
        %dma_start3A_1051 = tpu.memref_slice %arg2[%dma_start3A_1049, %dma_start3A_1050] : memref<100000x64xf32, #tpu.memory_space<hbm>> -> memref<100000x64xf32, #tpu.memory_space<hbm>>
        tpu.enqueue_indirect_dma source(%dma_start3A_1051 : memref<100000x64xf32, #tpu.memory_space<hbm>>) target(%dma_start3A_1043 : memref<80x64xf32, #tpu.memory_space<vmem>>) offsets(%dma_start3A_1048 : memref<80xi32, #tpu.memory_space<vmem>>) semaphore(%arg7 : memref<!tpu.dma_semaphore, #tpu.memory_space<semaphore_mem>>)
      } else {
      }
      %dma_wait3A_326 = arith.constant 0 : i32
      %dma_wait3A_327 = arith.constant 0 : i32
      %dma_wait3A_328 = arith.constant 0 : i32
      %dma_wait3A_329 = arith.constant 0 : i32
      %dma_wait3A_330 = tpu.memref_slice %arg6[%dma_wait3A_327, %dma_wait3A_328, %dma_wait3A_329] : memref<2x400x64xf32, #tpu.memory_space<vmem>> -> memref<1x400x64xf32, #tpu.memory_space<vmem>>
      %dma_wait3A_331 = tpu.memref_squeeze %dma_wait3A_330 : memref<1x400x64xf32, #tpu.memory_space<vmem>> -> memref<400x64xf32, #tpu.memory_space<vmem>>
      %dma_wait3A_332 = arith.constant 0 : i32
      %dma_wait3A_333 = arith.constant 0 : i32
      %dma_wait3A_334 = tpu.memref_slice %dma_wait3A_331[%dma_wait3A_332, %dma_wait3A_333] : memref<400x64xf32, #tpu.memory_space<vmem>> -> memref<80x64xf32, #tpu.memory_space<vmem>>
      %dma_wait3A_335 = arith.constant 0 : i32
      %dma_wait3A_336 = tpu.memref_slice %arg5[%dma_wait3A_326, %dma_wait3A_335] : memref<2x400xi32, #tpu.memory_space<vmem>> -> memref<1x400xi32, #tpu.memory_space<vmem>>
      %dma_wait3A_337 = tpu.memref_squeeze %dma_wait3A_336 : memref<1x400xi32, #tpu.memory_space<vmem>> -> memref<400xi32, #tpu.memory_space<vmem>>
      %dma_wait3A_338 = arith.constant 0 : i32
      %dma_wait3A_339 = tpu.memref_slice %dma_wait3A_337[%dma_wait3A_338] : memref<400xi32, #tpu.memory_space<vmem>> -> memref<80xi32, #tpu.memory_space<vmem>>
      %dma_wait3A_340 = arith.constant 0 : i32
      %dma_wait3A_341 = arith.constant 0 : i32
      %dma_wait3A_342 = tpu.memref_slice %arg2[%dma_wait3A_340, %dma_wait3A_341] : memref<100000x64xf32, #tpu.memory_space<hbm>> -> memref<100000x64xf32, #tpu.memory_space<hbm>>
      tpu.wait_indirect_dma semaphore(%arg7 : memref<!tpu.dma_semaphore, #tpu.memory_space<semaphore_mem>>) src(%dma_wait3A_342 : memref<100000x64xf32, #tpu.memory_space<hbm>>) dst(%dma_wait3A_334 : memref<80x64xf32, #tpu.memory_space<vmem>>)
      %dma_wait3A_343 = arith.constant 0 : i32
      %dma_wait3A_344 = arith.constant 0 : i32
      %dma_wait3A_345 = arith.constant 0 : i32
      %dma_wait3A_346 = arith.constant 0 : i32
      %dma_wait3A_347 = tpu.memref_slice %arg6[%dma_wait3A_344, %dma_wait3A_345, %dma_wait3A_346] : memref<2x400x64xf32, #tpu.memory_space<vmem>> -> memref<1x400x64xf32, #tpu.memory_space<vmem>>
      %dma_wait3A_348 = tpu.memref_squeeze %dma_wait3A_347 : memref<1x400x64xf32, #tpu.memory_space<vmem>> -> memref<400x64xf32, #tpu.memory_space<vmem>>
      %dma_wait3A_349 = arith.constant 80 : i32
      %dma_wait3A_350 = arith.constant 0 : i32
      %dma_wait3A_351 = tpu.memref_slice %dma_wait3A_348[%dma_wait3A_349, %dma_wait3A_350] : memref<400x64xf32, #tpu.memory_space<vmem>> -> memref<80x64xf32, #tpu.memory_space<vmem>>
      %dma_wait3A_352 = arith.constant 0 : i32
      %dma_wait3A_353 = tpu.memref_slice %arg5[%dma_wait3A_343, %dma_wait3A_352] : memref<2x400xi32, #tpu.memory_space<vmem>> -> memref<1x400xi32, #tpu.memory_space<vmem>>
      %dma_wait3A_354 = tpu.memref_squeeze %dma_wait3A_353 : memref<1x400xi32, #tpu.memory_space<vmem>> -> memref<400xi32, #tpu.memory_space<vmem>>
      %dma_wait3A_355 = arith.constant 80 : i32
      %dma_wait3A_356 = tpu.memref_slice %dma_wait3A_354[%dma_wait3A_355] : memref<400xi32, #tpu.memory_space<vmem>> -> memref<80xi32, #tpu.memory_space<vmem>>
      %dma_wait3A_357 = arith.constant 0 : i32
      %dma_wait3A_358 = arith.constant 0 : i32
      %dma_wait3A_359 = tpu.memref_slice %arg2[%dma_wait3A_357, %dma_wait3A_358] : memref<100000x64xf32, #tpu.memory_space<hbm>> -> memref<100000x64xf32, #tpu.memory_space<hbm>>
      tpu.wait_indirect_dma semaphore(%arg7 : memref<!tpu.dma_semaphore, #tpu.memory_space<semaphore_mem>>) src(%dma_wait3A_359 : memref<100000x64xf32, #tpu.memory_space<hbm>>) dst(%dma_wait3A_351 : memref<80x64xf32, #tpu.memory_space<vmem>>)
      %dma_wait3A_360 = arith.constant 0 : i32
      %dma_wait3A_361 = arith.constant 0 : i32
      %dma_wait3A_362 = arith.constant 0 : i32
      %dma_wait3A_363 = arith.constant 0 : i32
      %dma_wait3A_364 = tpu.memref_slice %arg6[%dma_wait3A_361, %dma_wait3A_362, %dma_wait3A_363] : memref<2x400x64xf32, #tpu.memory_space<vmem>> -> memref<1x400x64xf32, #tpu.memory_space<vmem>>
      %dma_wait3A_365 = tpu.memref_squeeze %dma_wait3A_364 : memref<1x400x64xf32, #tpu.memory_space<vmem>> -> memref<400x64xf32, #tpu.memory_space<vmem>>
      %dma_wait3A_366 = arith.constant 160 : i32
      %dma_wait3A_367 = arith.constant 0 : i32
      %dma_wait3A_368 = tpu.memref_slice %dma_wait3A_365[%dma_wait3A_366, %dma_wait3A_367] : memref<400x64xf32, #tpu.memory_space<vmem>> -> memref<80x64xf32, #tpu.memory_space<vmem>>
      %dma_wait3A_369 = arith.constant 0 : i32
      %dma_wait3A_370 = tpu.memref_slice %arg5[%dma_wait3A_360, %dma_wait3A_369] : memref<2x400xi32, #tpu.memory_space<vmem>> -> memref<1x400xi32, #tpu.memory_space<vmem>>
      %dma_wait3A_371 = tpu.memref_squeeze %dma_wait3A_370 : memref<1x400xi32, #tpu.memory_space<vmem>> -> memref<400xi32, #tpu.memory_space<vmem>>
      %dma_wait3A_372 = arith.constant 160 : i32
      %dma_wait3A_373 = tpu.memref_slice %dma_wait3A_371[%dma_wait3A_372] : memref<400xi32, #tpu.memory_space<vmem>> -> memref<80xi32, #tpu.memory_space<vmem>>
      %dma_wait3A_374 = arith.constant 0 : i32
      %dma_wait3A_375 = arith.constant 0 : i32
      %dma_wait3A_376 = tpu.memref_slice %arg2[%dma_wait3A_374, %dma_wait3A_375] : memref<100000x64xf32, #tpu.memory_space<hbm>> -> memref<100000x64xf32, #tpu.memory_space<hbm>>
      tpu.wait_indirect_dma semaphore(%arg7 : memref<!tpu.dma_semaphore, #tpu.memory_space<semaphore_mem>>) src(%dma_wait3A_376 : memref<100000x64xf32, #tpu.memory_space<hbm>>) dst(%dma_wait3A_368 : memref<80x64xf32, #tpu.memory_space<vmem>>)
      %dma_wait3A_377 = arith.constant 0 : i32
      %dma_wait3A_378 = arith.constant 0 : i32
      %dma_wait3A_379 = arith.constant 0 : i32
      %dma_wait3A_380 = arith.constant 0 : i32
      %dma_wait3A_381 = tpu.memref_slice %arg6[%dma_wait3A_378, %dma_wait3A_379, %dma_wait3A_380] : memref<2x400x64xf32, #tpu.memory_space<vmem>> -> memref<1x400x64xf32, #tpu.memory_space<vmem>>
      %dma_wait3A_382 = tpu.memref_squeeze %dma_wait3A_381 : memref<1x400x64xf32, #tpu.memory_space<vmem>> -> memref<400x64xf32, #tpu.memory_space<vmem>>
      %dma_wait3A_383 = arith.constant 240 : i32
      %dma_wait3A_384 = arith.constant 0 : i32
      %dma_wait3A_385 = tpu.memref_slice %dma_wait3A_382[%dma_wait3A_383, %dma_wait3A_384] : memref<400x64xf32, #tpu.memory_space<vmem>> -> memref<80x64xf32, #tpu.memory_space<vmem>>
      %dma_wait3A_386 = arith.constant 0 : i32
      %dma_wait3A_387 = tpu.memref_slice %arg5[%dma_wait3A_377, %dma_wait3A_386] : memref<2x400xi32, #tpu.memory_space<vmem>> -> memref<1x400xi32, #tpu.memory_space<vmem>>
      %dma_wait3A_388 = tpu.memref_squeeze %dma_wait3A_387 : memref<1x400xi32, #tpu.memory_space<vmem>> -> memref<400xi32, #tpu.memory_space<vmem>>
      %dma_wait3A_389 = arith.constant 240 : i32
      %dma_wait3A_390 = tpu.memref_slice %dma_wait3A_388[%dma_wait3A_389] : memref<400xi32, #tpu.memory_space<vmem>> -> memref<80xi32, #tpu.memory_space<vmem>>
      %dma_wait3A_391 = arith.constant 0 : i32
      %dma_wait3A_392 = arith.constant 0 : i32
      %dma_wait3A_393 = tpu.memref_slice %arg2[%dma_wait3A_391, %dma_wait3A_392] : memref<100000x64xf32, #tpu.memory_space<hbm>> -> memref<100000x64xf32, #tpu.memory_space<hbm>>
      tpu.wait_indirect_dma semaphore(%arg7 : memref<!tpu.dma_semaphore, #tpu.memory_space<semaphore_mem>>) src(%dma_wait3A_393 : memref<100000x64xf32, #tpu.memory_space<hbm>>) dst(%dma_wait3A_385 : memref<80x64xf32, #tpu.memory_space<vmem>>)
      %dma_wait3A_394 = arith.constant 0 : i32
      %dma_wait3A_395 = arith.constant 0 : i32
      %dma_wait3A_396 = arith.constant 0 : i32
      %dma_wait3A_397 = arith.constant 0 : i32
      %dma_wait3A_398 = tpu.memref_slice %arg6[%dma_wait3A_395, %dma_wait3A_396, %dma_wait3A_397] : memref<2x400x64xf32, #tpu.memory_space<vmem>> -> memref<1x400x64xf32, #tpu.memory_space<vmem>>
      %dma_wait3A_399 = tpu.memref_squeeze %dma_wait3A_398 : memref<1x400x64xf32, #tpu.memory_space<vmem>> -> memref<400x64xf32, #tpu.memory_space<vmem>>
      %dma_wait3A_400 = arith.constant 320 : i32
      %dma_wait3A_401 = arith.constant 0 : i32
      %dma_wait3A_402 = tpu.memref_slice %dma_wait3A_399[%dma_wait3A_400, %dma_wait3A_401] : memref<400x64xf32, #tpu.memory_space<vmem>> -> memref<80x64xf32, #tpu.memory_space<vmem>>
      %dma_wait3A_403 = arith.constant 0 : i32
      %dma_wait3A_404 = tpu.memref_slice %arg5[%dma_wait3A_394, %dma_wait3A_403] : memref<2x400xi32, #tpu.memory_space<vmem>> -> memref<1x400xi32, #tpu.memory_space<vmem>>
      %dma_wait3A_405 = tpu.memref_squeeze %dma_wait3A_404 : memref<1x400xi32, #tpu.memory_space<vmem>> -> memref<400xi32, #tpu.memory_space<vmem>>
      %dma_wait3A_406 = arith.constant 320 : i32
      %dma_wait3A_407 = tpu.memref_slice %dma_wait3A_405[%dma_wait3A_406] : memref<400xi32, #tpu.memory_space<vmem>> -> memref<80xi32, #tpu.memory_space<vmem>>
      %dma_wait3A_408 = arith.constant 0 : i32
      %dma_wait3A_409 = arith.constant 0 : i32
      %dma_wait3A_410 = tpu.memref_slice %arg2[%dma_wait3A_408, %dma_wait3A_409] : memref<100000x64xf32, #tpu.memory_space<hbm>> -> memref<100000x64xf32, #tpu.memory_space<hbm>>
      tpu.wait_indirect_dma semaphore(%arg7 : memref<!tpu.dma_semaphore, #tpu.memory_space<semaphore_mem>>) src(%dma_wait3A_410 : memref<100000x64xf32, #tpu.memory_space<hbm>>) dst(%dma_wait3A_402 : memref<80x64xf32, #tpu.memory_space<vmem>>)
      %mul3A_411 = arith.constant 8 : i32
      %mul3A_412 = arith.muli %add3A_317, %mul3A_411 : i32
      %add3A_413 = arith.addi %mul3A_4, %mul3A_412 : i32
      %add3A_414 = arith.constant 0 : i32
      %add3A_415 = arith.addi %add3A_413, %add3A_414 : i32
      %dma_start3A_416 = arith.constant 0 : i32
      %dma_start3A_417 = arith.constant 0 : i32
      %dma_start3A_418 = arith.constant 0 : i32
      %dma_start3A_419 = tpu.memref_slice %arg6[%dma_start3A_416, %dma_start3A_417, %dma_start3A_418] : memref<2x400x64xf32, #tpu.memory_space<vmem>> -> memref<1x400x64xf32, #tpu.memory_space<vmem>>
      %dma_start3A_420 = tpu.memref_squeeze %dma_start3A_419 : memref<1x400x64xf32, #tpu.memory_space<vmem>> -> memref<400x64xf32, #tpu.memory_space<vmem>>
      %dma_start3A_421 = arith.constant 0 : i32
      %dma_start3A_422 = arith.constant 0 : i32
      %dma_start3A_423 = tpu.memref_slice %dma_start3A_420[%dma_start3A_421, %dma_start3A_422] : memref<400x64xf32, #tpu.memory_space<vmem>> -> memref<50x64xf32, #tpu.memory_space<vmem>>
      %dma_start3A_424 = arith.constant 0 : i32
      %dma_start3A_425 = arith.constant 0 : i32
      %dma_start3A_426 = tpu.memref_slice %arg4[%add3A_415, %dma_start3A_424, %dma_start3A_425] : memref<16384x50x64xf32, #tpu.memory_space<hbm>> -> memref<1x50x64xf32, #tpu.memory_space<hbm>>
      %dma_start3A_427 = tpu.memref_squeeze %dma_start3A_426 : memref<1x50x64xf32, #tpu.memory_space<hbm>> -> memref<50x64xf32, #tpu.memory_space<hbm>>
      %dma_start3A_428 = arith.constant 0 : i32
      %dma_start3A_429 = arith.constant 0 : i32
      %dma_start3A_430 = tpu.memref_slice %arg4[%add3A_415, %dma_start3A_428, %dma_start3A_429] : memref<16384x50x64xf32, #tpu.memory_space<hbm>> -> memref<1x50x64xf32, #tpu.memory_space<hbm>>
      %dma_start3A_431 = tpu.memref_squeeze %dma_start3A_430 : memref<1x50x64xf32, #tpu.memory_space<hbm>> -> memref<50x64xf32, #tpu.memory_space<hbm>>
      %dma_start3A_432 = arith.constant 0 : i32
      %dma_start3A_433 = arith.constant 0 : i32
      %dma_start3A_434 = tpu.memref_slice %arg6[%dma_start3A_416, %dma_start3A_432, %dma_start3A_433] : memref<2x400x64xf32, #tpu.memory_space<vmem>> -> memref<1x400x64xf32, #tpu.memory_space<vmem>>
      %dma_start3A_435 = tpu.memref_squeeze %dma_start3A_434 : memref<1x400x64xf32, #tpu.memory_space<vmem>> -> memref<400x64xf32, #tpu.memory_space<vmem>>
      %dma_start3A_436 = arith.constant 0 : i32
      %dma_start3A_437 = arith.constant 0 : i32
      %dma_start3A_438 = tpu.memref_slice %dma_start3A_435[%dma_start3A_436, %dma_start3A_437] : memref<400x64xf32, #tpu.memory_space<vmem>> -> memref<50x64xf32, #tpu.memory_space<vmem>>
      tpu.enqueue_dma source(%dma_start3A_438 : memref<50x64xf32, #tpu.memory_space<vmem>>) target(%dma_start3A_431 : memref<50x64xf32, #tpu.memory_space<hbm>>) target_semaphore(%arg8 : memref<!tpu.dma_semaphore, #tpu.memory_space<semaphore_mem>>)
      %mul3A_439 = arith.constant 8 : i32
      %mul3A_440 = arith.muli %add3A_317, %mul3A_439 : i32
      %add3A_441 = arith.addi %mul3A_4, %mul3A_440 : i32
      %add3A_442 = arith.constant 1 : i32
      %add3A_443 = arith.addi %add3A_441, %add3A_442 : i32
      %dma_start3A_444 = arith.constant 0 : i32
      %dma_start3A_445 = arith.constant 0 : i32
      %dma_start3A_446 = arith.constant 0 : i32
      %dma_start3A_447 = tpu.memref_slice %arg6[%dma_start3A_444, %dma_start3A_445, %dma_start3A_446] : memref<2x400x64xf32, #tpu.memory_space<vmem>> -> memref<1x400x64xf32, #tpu.memory_space<vmem>>
      %dma_start3A_448 = tpu.memref_squeeze %dma_start3A_447 : memref<1x400x64xf32, #tpu.memory_space<vmem>> -> memref<400x64xf32, #tpu.memory_space<vmem>>
      %dma_start3A_449 = arith.constant 50 : i32
      %dma_start3A_450 = arith.constant 0 : i32
      %dma_start3A_451 = tpu.memref_slice %dma_start3A_448[%dma_start3A_449, %dma_start3A_450] : memref<400x64xf32, #tpu.memory_space<vmem>> -> memref<50x64xf32, #tpu.memory_space<vmem>>
      %dma_start3A_452 = arith.constant 0 : i32
      %dma_start3A_453 = arith.constant 0 : i32
      %dma_start3A_454 = tpu.memref_slice %arg4[%add3A_443, %dma_start3A_452, %dma_start3A_453] : memref<16384x50x64xf32, #tpu.memory_space<hbm>> -> memref<1x50x64xf32, #tpu.memory_space<hbm>>
      %dma_start3A_455 = tpu.memref_squeeze %dma_start3A_454 : memref<1x50x64xf32, #tpu.memory_space<hbm>> -> memref<50x64xf32, #tpu.memory_space<hbm>>
      %dma_start3A_456 = arith.constant 0 : i32
      %dma_start3A_457 = arith.constant 0 : i32
      %dma_start3A_458 = tpu.memref_slice %arg4[%add3A_443, %dma_start3A_456, %dma_start3A_457] : memref<16384x50x64xf32, #tpu.memory_space<hbm>> -> memref<1x50x64xf32, #tpu.memory_space<hbm>>
      %dma_start3A_459 = tpu.memref_squeeze %dma_start3A_458 : memref<1x50x64xf32, #tpu.memory_space<hbm>> -> memref<50x64xf32, #tpu.memory_space<hbm>>
      %dma_start3A_460 = arith.constant 0 : i32
      %dma_start3A_461 = arith.constant 0 : i32
      %dma_start3A_462 = tpu.memref_slice %arg6[%dma_start3A_444, %dma_start3A_460, %dma_start3A_461] : memref<2x400x64xf32, #tpu.memory_space<vmem>> -> memref<1x400x64xf32, #tpu.memory_space<vmem>>
      %dma_start3A_463 = tpu.memref_squeeze %dma_start3A_462 : memref<1x400x64xf32, #tpu.memory_space<vmem>> -> memref<400x64xf32, #tpu.memory_space<vmem>>
      %dma_start3A_464 = arith.constant 50 : i32
      %dma_start3A_465 = arith.constant 0 : i32
      %dma_start3A_466 = tpu.memref_slice %dma_start3A_463[%dma_start3A_464, %dma_start3A_465] : memref<400x64xf32, #tpu.memory_space<vmem>> -> memref<50x64xf32, #tpu.memory_space<vmem>>
      tpu.enqueue_dma source(%dma_start3A_466 : memref<50x64xf32, #tpu.memory_space<vmem>>) target(%dma_start3A_459 : memref<50x64xf32, #tpu.memory_space<hbm>>) target_semaphore(%arg8 : memref<!tpu.dma_semaphore, #tpu.memory_space<semaphore_mem>>)
      %mul3A_467 = arith.constant 8 : i32
      %mul3A_468 = arith.muli %add3A_317, %mul3A_467 : i32
      %add3A_469 = arith.addi %mul3A_4, %mul3A_468 : i32
      %add3A_470 = arith.constant 2 : i32
      %add3A_471 = arith.addi %add3A_469, %add3A_470 : i32
      %dma_start3A_472 = arith.constant 0 : i32
      %dma_start3A_473 = arith.constant 0 : i32
      %dma_start3A_474 = arith.constant 0 : i32
      %dma_start3A_475 = tpu.memref_slice %arg6[%dma_start3A_472, %dma_start3A_473, %dma_start3A_474] : memref<2x400x64xf32, #tpu.memory_space<vmem>> -> memref<1x400x64xf32, #tpu.memory_space<vmem>>
      %dma_start3A_476 = tpu.memref_squeeze %dma_start3A_475 : memref<1x400x64xf32, #tpu.memory_space<vmem>> -> memref<400x64xf32, #tpu.memory_space<vmem>>
      %dma_start3A_477 = arith.constant 100 : i32
      %dma_start3A_478 = arith.constant 0 : i32
      %dma_start3A_479 = tpu.memref_slice %dma_start3A_476[%dma_start3A_477, %dma_start3A_478] : memref<400x64xf32, #tpu.memory_space<vmem>> -> memref<50x64xf32, #tpu.memory_space<vmem>>
      %dma_start3A_480 = arith.constant 0 : i32
      %dma_start3A_481 = arith.constant 0 : i32
      %dma_start3A_482 = tpu.memref_slice %arg4[%add3A_471, %dma_start3A_480, %dma_start3A_481] : memref<16384x50x64xf32, #tpu.memory_space<hbm>> -> memref<1x50x64xf32, #tpu.memory_space<hbm>>
      %dma_start3A_483 = tpu.memref_squeeze %dma_start3A_482 : memref<1x50x64xf32, #tpu.memory_space<hbm>> -> memref<50x64xf32, #tpu.memory_space<hbm>>
      %dma_start3A_484 = arith.constant 0 : i32
      %dma_start3A_485 = arith.constant 0 : i32
      %dma_start3A_486 = tpu.memref_slice %arg4[%add3A_471, %dma_start3A_484, %dma_start3A_485] : memref<16384x50x64xf32, #tpu.memory_space<hbm>> -> memref<1x50x64xf32, #tpu.memory_space<hbm>>
      %dma_start3A_487 = tpu.memref_squeeze %dma_start3A_486 : memref<1x50x64xf32, #tpu.memory_space<hbm>> -> memref<50x64xf32, #tpu.memory_space<hbm>>
      %dma_start3A_488 = arith.constant 0 : i32
      %dma_start3A_489 = arith.constant 0 : i32
      %dma_start3A_490 = tpu.memref_slice %arg6[%dma_start3A_472, %dma_start3A_488, %dma_start3A_489] : memref<2x400x64xf32, #tpu.memory_space<vmem>> -> memref<1x400x64xf32, #tpu.memory_space<vmem>>
      %dma_start3A_491 = tpu.memref_squeeze %dma_start3A_490 : memref<1x400x64xf32, #tpu.memory_space<vmem>> -> memref<400x64xf32, #tpu.memory_space<vmem>>
      %dma_start3A_492 = arith.constant 100 : i32
      %dma_start3A_493 = arith.constant 0 : i32
      %dma_start3A_494 = tpu.memref_slice %dma_start3A_491[%dma_start3A_492, %dma_start3A_493] : memref<400x64xf32, #tpu.memory_space<vmem>> -> memref<50x64xf32, #tpu.memory_space<vmem>>
      tpu.enqueue_dma source(%dma_start3A_494 : memref<50x64xf32, #tpu.memory_space<vmem>>) target(%dma_start3A_487 : memref<50x64xf32, #tpu.memory_space<hbm>>) target_semaphore(%arg8 : memref<!tpu.dma_semaphore, #tpu.memory_space<semaphore_mem>>)
      %mul3A_495 = arith.constant 8 : i32
      %mul3A_496 = arith.muli %add3A_317, %mul3A_495 : i32
      %add3A_497 = arith.addi %mul3A_4, %mul3A_496 : i32
      %add3A_498 = arith.constant 3 : i32
      %add3A_499 = arith.addi %add3A_497, %add3A_498 : i32
      %dma_start3A_500 = arith.constant 0 : i32
      %dma_start3A_501 = arith.constant 0 : i32
      %dma_start3A_502 = arith.constant 0 : i32
      %dma_start3A_503 = tpu.memref_slice %arg6[%dma_start3A_500, %dma_start3A_501, %dma_start3A_502] : memref<2x400x64xf32, #tpu.memory_space<vmem>> -> memref<1x400x64xf32, #tpu.memory_space<vmem>>
      %dma_start3A_504 = tpu.memref_squeeze %dma_start3A_503 : memref<1x400x64xf32, #tpu.memory_space<vmem>> -> memref<400x64xf32, #tpu.memory_space<vmem>>
      %dma_start3A_505 = arith.constant 150 : i32
      %dma_start3A_506 = arith.constant 0 : i32
      %dma_start3A_507 = tpu.memref_slice %dma_start3A_504[%dma_start3A_505, %dma_start3A_506] : memref<400x64xf32, #tpu.memory_space<vmem>> -> memref<50x64xf32, #tpu.memory_space<vmem>>
      %dma_start3A_508 = arith.constant 0 : i32
      %dma_start3A_509 = arith.constant 0 : i32
      %dma_start3A_510 = tpu.memref_slice %arg4[%add3A_499, %dma_start3A_508, %dma_start3A_509] : memref<16384x50x64xf32, #tpu.memory_space<hbm>> -> memref<1x50x64xf32, #tpu.memory_space<hbm>>
      %dma_start3A_511 = tpu.memref_squeeze %dma_start3A_510 : memref<1x50x64xf32, #tpu.memory_space<hbm>> -> memref<50x64xf32, #tpu.memory_space<hbm>>
      %dma_start3A_512 = arith.constant 0 : i32
      %dma_start3A_513 = arith.constant 0 : i32
      %dma_start3A_514 = tpu.memref_slice %arg4[%add3A_499, %dma_start3A_512, %dma_start3A_513] : memref<16384x50x64xf32, #tpu.memory_space<hbm>> -> memref<1x50x64xf32, #tpu.memory_space<hbm>>
      %dma_start3A_515 = tpu.memref_squeeze %dma_start3A_514 : memref<1x50x64xf32, #tpu.memory_space<hbm>> -> memref<50x64xf32, #tpu.memory_space<hbm>>
      %dma_start3A_516 = arith.constant 0 : i32
      %dma_start3A_517 = arith.constant 0 : i32
      %dma_start3A_518 = tpu.memref_slice %arg6[%dma_start3A_500, %dma_start3A_516, %dma_start3A_517] : memref<2x400x64xf32, #tpu.memory_space<vmem>> -> memref<1x400x64xf32, #tpu.memory_space<vmem>>
      %dma_start3A_519 = tpu.memref_squeeze %dma_start3A_518 : memref<1x400x64xf32, #tpu.memory_space<vmem>> -> memref<400x64xf32, #tpu.memory_space<vmem>>
      %dma_start3A_520 = arith.constant 150 : i32
      %dma_start3A_521 = arith.constant 0 : i32
      %dma_start3A_522 = tpu.memref_slice %dma_start3A_519[%dma_start3A_520, %dma_start3A_521] : memref<400x64xf32, #tpu.memory_space<vmem>> -> memref<50x64xf32, #tpu.memory_space<vmem>>
      tpu.enqueue_dma source(%dma_start3A_522 : memref<50x64xf32, #tpu.memory_space<vmem>>) target(%dma_start3A_515 : memref<50x64xf32, #tpu.memory_space<hbm>>) target_semaphore(%arg8 : memref<!tpu.dma_semaphore, #tpu.memory_space<semaphore_mem>>)
      %mul3A_523 = arith.constant 8 : i32
      %mul3A_524 = arith.muli %add3A_317, %mul3A_523 : i32
      %add3A_525 = arith.addi %mul3A_4, %mul3A_524 : i32
      %add3A_526 = arith.constant 4 : i32
      %add3A_527 = arith.addi %add3A_525, %add3A_526 : i32
      %dma_start3A_528 = arith.constant 0 : i32
      %dma_start3A_529 = arith.constant 0 : i32
      %dma_start3A_530 = arith.constant 0 : i32
      %dma_start3A_531 = tpu.memref_slice %arg6[%dma_start3A_528, %dma_start3A_529, %dma_start3A_530] : memref<2x400x64xf32, #tpu.memory_space<vmem>> -> memref<1x400x64xf32, #tpu.memory_space<vmem>>
      %dma_start3A_532 = tpu.memref_squeeze %dma_start3A_531 : memref<1x400x64xf32, #tpu.memory_space<vmem>> -> memref<400x64xf32, #tpu.memory_space<vmem>>
      %dma_start3A_533 = arith.constant 200 : i32
      %dma_start3A_534 = arith.constant 0 : i32
      %dma_start3A_535 = tpu.memref_slice %dma_start3A_532[%dma_start3A_533, %dma_start3A_534] : memref<400x64xf32, #tpu.memory_space<vmem>> -> memref<50x64xf32, #tpu.memory_space<vmem>>
      %dma_start3A_536 = arith.constant 0 : i32
      %dma_start3A_537 = arith.constant 0 : i32
      %dma_start3A_538 = tpu.memref_slice %arg4[%add3A_527, %dma_start3A_536, %dma_start3A_537] : memref<16384x50x64xf32, #tpu.memory_space<hbm>> -> memref<1x50x64xf32, #tpu.memory_space<hbm>>
      %dma_start3A_539 = tpu.memref_squeeze %dma_start3A_538 : memref<1x50x64xf32, #tpu.memory_space<hbm>> -> memref<50x64xf32, #tpu.memory_space<hbm>>
      %dma_start3A_540 = arith.constant 0 : i32
      %dma_start3A_541 = arith.constant 0 : i32
      %dma_start3A_542 = tpu.memref_slice %arg4[%add3A_527, %dma_start3A_540, %dma_start3A_541] : memref<16384x50x64xf32, #tpu.memory_space<hbm>> -> memref<1x50x64xf32, #tpu.memory_space<hbm>>
      %dma_start3A_543 = tpu.memref_squeeze %dma_start3A_542 : memref<1x50x64xf32, #tpu.memory_space<hbm>> -> memref<50x64xf32, #tpu.memory_space<hbm>>
      %dma_start3A_544 = arith.constant 0 : i32
      %dma_start3A_545 = arith.constant 0 : i32
      %dma_start3A_546 = tpu.memref_slice %arg6[%dma_start3A_528, %dma_start3A_544, %dma_start3A_545] : memref<2x400x64xf32, #tpu.memory_space<vmem>> -> memref<1x400x64xf32, #tpu.memory_space<vmem>>
      %dma_start3A_547 = tpu.memref_squeeze %dma_start3A_546 : memref<1x400x64xf32, #tpu.memory_space<vmem>> -> memref<400x64xf32, #tpu.memory_space<vmem>>
      %dma_start3A_548 = arith.constant 200 : i32
      %dma_start3A_549 = arith.constant 0 : i32
      %dma_start3A_550 = tpu.memref_slice %dma_start3A_547[%dma_start3A_548, %dma_start3A_549] : memref<400x64xf32, #tpu.memory_space<vmem>> -> memref<50x64xf32, #tpu.memory_space<vmem>>
      tpu.enqueue_dma source(%dma_start3A_550 : memref<50x64xf32, #tpu.memory_space<vmem>>) target(%dma_start3A_543 : memref<50x64xf32, #tpu.memory_space<hbm>>) target_semaphore(%arg8 : memref<!tpu.dma_semaphore, #tpu.memory_space<semaphore_mem>>)
      %mul3A_551 = arith.constant 8 : i32
      %mul3A_552 = arith.muli %add3A_317, %mul3A_551 : i32
      %add3A_553 = arith.addi %mul3A_4, %mul3A_552 : i32
      %add3A_554 = arith.constant 5 : i32
      %add3A_555 = arith.addi %add3A_553, %add3A_554 : i32
      %dma_start3A_556 = arith.constant 0 : i32
      %dma_start3A_557 = arith.constant 0 : i32
      %dma_start3A_558 = arith.constant 0 : i32
      %dma_start3A_559 = tpu.memref_slice %arg6[%dma_start3A_556, %dma_start3A_557, %dma_start3A_558] : memref<2x400x64xf32, #tpu.memory_space<vmem>> -> memref<1x400x64xf32, #tpu.memory_space<vmem>>
      %dma_start3A_560 = tpu.memref_squeeze %dma_start3A_559 : memref<1x400x64xf32, #tpu.memory_space<vmem>> -> memref<400x64xf32, #tpu.memory_space<vmem>>
      %dma_start3A_561 = arith.constant 250 : i32
      %dma_start3A_562 = arith.constant 0 : i32
      %dma_start3A_563 = tpu.memref_slice %dma_start3A_560[%dma_start3A_561, %dma_start3A_562] : memref<400x64xf32, #tpu.memory_space<vmem>> -> memref<50x64xf32, #tpu.memory_space<vmem>>
      %dma_start3A_564 = arith.constant 0 : i32
      %dma_start3A_565 = arith.constant 0 : i32
      %dma_start3A_566 = tpu.memref_slice %arg4[%add3A_555, %dma_start3A_564, %dma_start3A_565] : memref<16384x50x64xf32, #tpu.memory_space<hbm>> -> memref<1x50x64xf32, #tpu.memory_space<hbm>>
      %dma_start3A_567 = tpu.memref_squeeze %dma_start3A_566 : memref<1x50x64xf32, #tpu.memory_space<hbm>> -> memref<50x64xf32, #tpu.memory_space<hbm>>
      %dma_start3A_568 = arith.constant 0 : i32
      %dma_start3A_569 = arith.constant 0 : i32
      %dma_start3A_570 = tpu.memref_slice %arg4[%add3A_555, %dma_start3A_568, %dma_start3A_569] : memref<16384x50x64xf32, #tpu.memory_space<hbm>> -> memref<1x50x64xf32, #tpu.memory_space<hbm>>
      %dma_start3A_571 = tpu.memref_squeeze %dma_start3A_570 : memref<1x50x64xf32, #tpu.memory_space<hbm>> -> memref<50x64xf32, #tpu.memory_space<hbm>>
      %dma_start3A_572 = arith.constant 0 : i32
      %dma_start3A_573 = arith.constant 0 : i32
      %dma_start3A_574 = tpu.memref_slice %arg6[%dma_start3A_556, %dma_start3A_572, %dma_start3A_573] : memref<2x400x64xf32, #tpu.memory_space<vmem>> -> memref<1x400x64xf32, #tpu.memory_space<vmem>>
      %dma_start3A_575 = tpu.memref_squeeze %dma_start3A_574 : memref<1x400x64xf32, #tpu.memory_space<vmem>> -> memref<400x64xf32, #tpu.memory_space<vmem>>
      %dma_start3A_576 = arith.constant 250 : i32
      %dma_start3A_577 = arith.constant 0 : i32
      %dma_start3A_578 = tpu.memref_slice %dma_start3A_575[%dma_start3A_576, %dma_start3A_577] : memref<400x64xf32, #tpu.memory_space<vmem>> -> memref<50x64xf32, #tpu.memory_space<vmem>>
      tpu.enqueue_dma source(%dma_start3A_578 : memref<50x64xf32, #tpu.memory_space<vmem>>) target(%dma_start3A_571 : memref<50x64xf32, #tpu.memory_space<hbm>>) target_semaphore(%arg8 : memref<!tpu.dma_semaphore, #tpu.memory_space<semaphore_mem>>)
      %mul3A_579 = arith.constant 8 : i32
      %mul3A_580 = arith.muli %add3A_317, %mul3A_579 : i32
      %add3A_581 = arith.addi %mul3A_4, %mul3A_580 : i32
      %add3A_582 = arith.constant 6 : i32
      %add3A_583 = arith.addi %add3A_581, %add3A_582 : i32
      %dma_start3A_584 = arith.constant 0 : i32
      %dma_start3A_585 = arith.constant 0 : i32
      %dma_start3A_586 = arith.constant 0 : i32
      %dma_start3A_587 = tpu.memref_slice %arg6[%dma_start3A_584, %dma_start3A_585, %dma_start3A_586] : memref<2x400x64xf32, #tpu.memory_space<vmem>> -> memref<1x400x64xf32, #tpu.memory_space<vmem>>
      %dma_start3A_588 = tpu.memref_squeeze %dma_start3A_587 : memref<1x400x64xf32, #tpu.memory_space<vmem>> -> memref<400x64xf32, #tpu.memory_space<vmem>>
      %dma_start3A_589 = arith.constant 300 : i32
      %dma_start3A_590 = arith.constant 0 : i32
      %dma_start3A_591 = tpu.memref_slice %dma_start3A_588[%dma_start3A_589, %dma_start3A_590] : memref<400x64xf32, #tpu.memory_space<vmem>> -> memref<50x64xf32, #tpu.memory_space<vmem>>
      %dma_start3A_592 = arith.constant 0 : i32
      %dma_start3A_593 = arith.constant 0 : i32
      %dma_start3A_594 = tpu.memref_slice %arg4[%add3A_583, %dma_start3A_592, %dma_start3A_593] : memref<16384x50x64xf32, #tpu.memory_space<hbm>> -> memref<1x50x64xf32, #tpu.memory_space<hbm>>
      %dma_start3A_595 = tpu.memref_squeeze %dma_start3A_594 : memref<1x50x64xf32, #tpu.memory_space<hbm>> -> memref<50x64xf32, #tpu.memory_space<hbm>>
      %dma_start3A_596 = arith.constant 0 : i32
      %dma_start3A_597 = arith.constant 0 : i32
      %dma_start3A_598 = tpu.memref_slice %arg4[%add3A_583, %dma_start3A_596, %dma_start3A_597] : memref<16384x50x64xf32, #tpu.memory_space<hbm>> -> memref<1x50x64xf32, #tpu.memory_space<hbm>>
      %dma_start3A_599 = tpu.memref_squeeze %dma_start3A_598 : memref<1x50x64xf32, #tpu.memory_space<hbm>> -> memref<50x64xf32, #tpu.memory_space<hbm>>
      %dma_start3A_600 = arith.constant 0 : i32
      %dma_start3A_601 = arith.constant 0 : i32
      %dma_start3A_602 = tpu.memref_slice %arg6[%dma_start3A_584, %dma_start3A_600, %dma_start3A_601] : memref<2x400x64xf32, #tpu.memory_space<vmem>> -> memref<1x400x64xf32, #tpu.memory_space<vmem>>
      %dma_start3A_603 = tpu.memref_squeeze %dma_start3A_602 : memref<1x400x64xf32, #tpu.memory_space<vmem>> -> memref<400x64xf32, #tpu.memory_space<vmem>>
      %dma_start3A_604 = arith.constant 300 : i32
      %dma_start3A_605 = arith.constant 0 : i32
      %dma_start3A_606 = tpu.memref_slice %dma_start3A_603[%dma_start3A_604, %dma_start3A_605] : memref<400x64xf32, #tpu.memory_space<vmem>> -> memref<50x64xf32, #tpu.memory_space<vmem>>
      tpu.enqueue_dma source(%dma_start3A_606 : memref<50x64xf32, #tpu.memory_space<vmem>>) target(%dma_start3A_599 : memref<50x64xf32, #tpu.memory_space<hbm>>) target_semaphore(%arg8 : memref<!tpu.dma_semaphore, #tpu.memory_space<semaphore_mem>>)
      %mul3A_607 = arith.constant 8 : i32
      %mul3A_608 = arith.muli %add3A_317, %mul3A_607 : i32
      %add3A_609 = arith.addi %mul3A_4, %mul3A_608 : i32
      %add3A_610 = arith.constant 7 : i32
      %add3A_611 = arith.addi %add3A_609, %add3A_610 : i32
      %dma_start3A_612 = arith.constant 0 : i32
      %dma_start3A_613 = arith.constant 0 : i32
      %dma_start3A_614 = arith.constant 0 : i32
      %dma_start3A_615 = tpu.memref_slice %arg6[%dma_start3A_612, %dma_start3A_613, %dma_start3A_614] : memref<2x400x64xf32, #tpu.memory_space<vmem>> -> memref<1x400x64xf32, #tpu.memory_space<vmem>>
      %dma_start3A_616 = tpu.memref_squeeze %dma_start3A_615 : memref<1x400x64xf32, #tpu.memory_space<vmem>> -> memref<400x64xf32, #tpu.memory_space<vmem>>
      %dma_start3A_617 = arith.constant 350 : i32
      %dma_start3A_618 = arith.constant 0 : i32
      %dma_start3A_619 = tpu.memref_slice %dma_start3A_616[%dma_start3A_617, %dma_start3A_618] : memref<400x64xf32, #tpu.memory_space<vmem>> -> memref<50x64xf32, #tpu.memory_space<vmem>>
      %dma_start3A_620 = arith.constant 0 : i32
      %dma_start3A_621 = arith.constant 0 : i32
      %dma_start3A_622 = tpu.memref_slice %arg4[%add3A_611, %dma_start3A_620, %dma_start3A_621] : memref<16384x50x64xf32, #tpu.memory_space<hbm>> -> memref<1x50x64xf32, #tpu.memory_space<hbm>>
      %dma_start3A_623 = tpu.memref_squeeze %dma_start3A_622 : memref<1x50x64xf32, #tpu.memory_space<hbm>> -> memref<50x64xf32, #tpu.memory_space<hbm>>
      %dma_start3A_624 = arith.constant 0 : i32
      %dma_start3A_625 = arith.constant 0 : i32
      %dma_start3A_626 = tpu.memref_slice %arg4[%add3A_611, %dma_start3A_624, %dma_start3A_625] : memref<16384x50x64xf32, #tpu.memory_space<hbm>> -> memref<1x50x64xf32, #tpu.memory_space<hbm>>
      %dma_start3A_627 = tpu.memref_squeeze %dma_start3A_626 : memref<1x50x64xf32, #tpu.memory_space<hbm>> -> memref<50x64xf32, #tpu.memory_space<hbm>>
      %dma_start3A_628 = arith.constant 0 : i32
      %dma_start3A_629 = arith.constant 0 : i32
      %dma_start3A_630 = tpu.memref_slice %arg6[%dma_start3A_612, %dma_start3A_628, %dma_start3A_629] : memref<2x400x64xf32, #tpu.memory_space<vmem>> -> memref<1x400x64xf32, #tpu.memory_space<vmem>>
      %dma_start3A_631 = tpu.memref_squeeze %dma_start3A_630 : memref<1x400x64xf32, #tpu.memory_space<vmem>> -> memref<400x64xf32, #tpu.memory_space<vmem>>
      %dma_start3A_632 = arith.constant 350 : i32
      %dma_start3A_633 = arith.constant 0 : i32
      %dma_start3A_634 = tpu.memref_slice %dma_start3A_631[%dma_start3A_632, %dma_start3A_633] : memref<400x64xf32, #tpu.memory_space<vmem>> -> memref<50x64xf32, #tpu.memory_space<vmem>>
      tpu.enqueue_dma source(%dma_start3A_634 : memref<50x64xf32, #tpu.memory_space<vmem>>) target(%dma_start3A_627 : memref<50x64xf32, #tpu.memory_space<hbm>>) target_semaphore(%arg8 : memref<!tpu.dma_semaphore, #tpu.memory_space<semaphore_mem>>)
      %mul3A_635 = arith.constant 2 : i32
      %mul3A_636 = arith.muli %mul3A_635, %scan3A_312 : i32
      %add3A_637 = arith.constant 1 : i32
      %add3A_638 = arith.addi %mul3A_636, %add3A_637 : i32
      %ge3A_639 = arith.constant 1 : i32
      %ge3A_640 = arith.cmpi sge, %add3A_638, %ge3A_639 : i32
      %convert_element_type3A_641 = arith.extui %ge3A_640 : i1 to i32
      %cond3A_642 = arith.constant 0 : i32
      %cond3A_643 = arith.cmpi ne, %convert_element_type3A_641, %cond3A_642 : i32
      scf.if %cond3A_643 {
        %sub3A = arith.constant 1 : i32
        %sub3A_961 = arith.subi %add3A_638, %sub3A : i32
        %mul3A_962 = arith.constant 8 : i32
        %mul3A_963 = arith.muli %sub3A_961, %mul3A_962 : i32
        %add3A_964 = arith.addi %mul3A_4, %mul3A_963 : i32
        %add3A_965 = arith.constant 0 : i32
        %add3A_966 = arith.addi %add3A_964, %add3A_965 : i32
        %mul3A_967 = arith.constant 8 : i32
        %mul3A_968 = arith.muli %sub3A_961, %mul3A_967 : i32
        %add3A_969 = arith.addi %mul3A_4, %mul3A_968 : i32
        %add3A_970 = arith.constant 1 : i32
        %add3A_971 = arith.addi %add3A_969, %add3A_970 : i32
        %mul3A_972 = arith.constant 8 : i32
        %mul3A_973 = arith.muli %sub3A_961, %mul3A_972 : i32
        %add3A_974 = arith.addi %mul3A_4, %mul3A_973 : i32
        %add3A_975 = arith.constant 2 : i32
        %add3A_976 = arith.addi %add3A_974, %add3A_975 : i32
        %mul3A_977 = arith.constant 8 : i32
        %mul3A_978 = arith.muli %sub3A_961, %mul3A_977 : i32
        %add3A_979 = arith.addi %mul3A_4, %mul3A_978 : i32
        %add3A_980 = arith.constant 3 : i32
        %add3A_981 = arith.addi %add3A_979, %add3A_980 : i32
        %mul3A_982 = arith.constant 8 : i32
        %mul3A_983 = arith.muli %sub3A_961, %mul3A_982 : i32
        %add3A_984 = arith.addi %mul3A_4, %mul3A_983 : i32
        %add3A_985 = arith.constant 4 : i32
        %add3A_986 = arith.addi %add3A_984, %add3A_985 : i32
        %mul3A_987 = arith.constant 8 : i32
        %mul3A_988 = arith.muli %sub3A_961, %mul3A_987 : i32
        %add3A_989 = arith.addi %mul3A_4, %mul3A_988 : i32
        %add3A_990 = arith.constant 5 : i32
        %add3A_991 = arith.addi %add3A_989, %add3A_990 : i32
        %mul3A_992 = arith.constant 8 : i32
        %mul3A_993 = arith.muli %sub3A_961, %mul3A_992 : i32
        %add3A_994 = arith.addi %mul3A_4, %mul3A_993 : i32
        %add3A_995 = arith.constant 6 : i32
        %add3A_996 = arith.addi %add3A_994, %add3A_995 : i32
        %mul3A_997 = arith.constant 8 : i32
        %mul3A_998 = arith.muli %sub3A_961, %mul3A_997 : i32
        %add3A_999 = arith.addi %mul3A_4, %mul3A_998 : i32
        %add3A_1000 = arith.constant 7 : i32
        %add3A_1001 = arith.addi %add3A_999, %add3A_1000 : i32
        %dma_wait3A_1002 = arith.constant 0 : i32
        %dma_wait3A_1003 = arith.constant 0 : i32
        %dma_wait3A_1004 = arith.constant 0 : i32
        %dma_wait3A_1005 = tpu.memref_slice %arg6[%dma_wait3A_1002, %dma_wait3A_1003, %dma_wait3A_1004] : memref<2x400x64xf32, #tpu.memory_space<vmem>> -> memref<1x400x64xf32, #tpu.memory_space<vmem>>
        %dma_wait3A_1006 = tpu.memref_squeeze %dma_wait3A_1005 : memref<1x400x64xf32, #tpu.memory_space<vmem>> -> memref<400x64xf32, #tpu.memory_space<vmem>>
        %dma_wait3A_1007 = arith.constant 0 : i32
        %dma_wait3A_1008 = arith.constant 0 : i32
        %dma_wait3A_1009 = tpu.memref_slice %dma_wait3A_1006[%dma_wait3A_1007, %dma_wait3A_1008] : memref<400x64xf32, #tpu.memory_space<vmem>> -> memref<50x64xf32, #tpu.memory_space<vmem>>
        %dma_wait3A_1010 = arith.constant 0 : i32
        %dma_wait3A_1011 = arith.constant 0 : i32
        %dma_wait3A_1012 = tpu.memref_slice %arg4[%add3A_966, %dma_wait3A_1010, %dma_wait3A_1011] : memref<16384x50x64xf32, #tpu.memory_space<hbm>> -> memref<1x50x64xf32, #tpu.memory_space<hbm>>
        %dma_wait3A_1013 = tpu.memref_squeeze %dma_wait3A_1012 : memref<1x50x64xf32, #tpu.memory_space<hbm>> -> memref<50x64xf32, #tpu.memory_space<hbm>>
        %dma_wait3A_1014 = arith.constant 0 : i32
        %dma_wait3A_1015 = arith.constant 0 : i32
        %dma_wait3A_1016 = tpu.memref_slice %arg4[%add3A_966, %dma_wait3A_1014, %dma_wait3A_1015] : memref<16384x50x64xf32, #tpu.memory_space<hbm>> -> memref<1x50x64xf32, #tpu.memory_space<hbm>>
        %dma_wait3A_1017 = tpu.memref_squeeze %dma_wait3A_1016 : memref<1x50x64xf32, #tpu.memory_space<hbm>> -> memref<50x64xf32, #tpu.memory_space<hbm>>
        %dma_wait3A_1018 = arith.constant 0 : i32
        %dma_wait3A_1019 = arith.constant 0 : i32
        %dma_wait3A_1020 = tpu.memref_slice %arg6[%dma_wait3A_1002, %dma_wait3A_1018, %dma_wait3A_1019] : memref<2x400x64xf32, #tpu.memory_space<vmem>> -> memref<1x400x64xf32, #tpu.memory_space<vmem>>
        %dma_wait3A_1021 = tpu.memref_squeeze %dma_wait3A_1020 : memref<1x400x64xf32, #tpu.memory_space<vmem>> -> memref<400x64xf32, #tpu.memory_space<vmem>>
        %dma_wait3A_1022 = arith.constant 0 : i32
        %dma_wait3A_1023 = arith.constant 0 : i32
        %dma_wait3A_1024 = tpu.memref_slice %dma_wait3A_1021[%dma_wait3A_1022, %dma_wait3A_1023] : memref<400x64xf32, #tpu.memory_space<vmem>> -> memref<50x64xf32, #tpu.memory_space<vmem>>
        tpu.wait_dma2 semaphore(%arg8 : memref<!tpu.dma_semaphore, #tpu.memory_space<semaphore_mem>>) src(%dma_wait3A_1024 : memref<50x64xf32, #tpu.memory_space<vmem>>) dst(%dma_wait3A_1017 : memref<50x64xf32, #tpu.memory_space<hbm>>)
        %dma_wait3A_1025 = arith.constant 0 : i32
        %dma_wait3A_1026 = arith.constant 0 : i32
        %dma_wait3A_1027 = arith.constant 0 : i32
        %dma_wait3A_1028 = tpu.memref_slice %arg6[%dma_wait3A_1025, %dma_wait3A_1026, %dma_wait3A_1027] : memref<2x400x64xf32, #tpu.memory_space<vmem>> -> memref<1x400x64xf32, #tpu.memory_space<vmem>>
        %dma_wait3A_1029 = tpu.memref_squeeze %dma_wait3A_1028 : memref<1x400x64xf32, #tpu.memory_space<vmem>> -> memref<400x64xf32, #tpu.memory_space<vmem>>
        %dma_wait3A_1030 = arith.constant 50 : i32
        %dma_wait3A_1031 = arith.constant 0 : i32
        %dma_wait3A_1032 = tpu.memref_slice %dma_wait3A_1029[%dma_wait3A_1030, %dma_wait3A_1031] : memref<400x64xf32, #tpu.memory_space<vmem>> -> memref<50x64xf32, #tpu.memory_space<vmem>>
        %dma_wait3A_1033 = arith.constant 0 : i32
        %dma_wait3A_1034 = arith.constant 0 : i32
        %dma_wait3A_1035 = tpu.memref_slice %arg4[%add3A_971, %dma_wait3A_1033, %dma_wait3A_1034] : memref<16384x50x64xf32, #tpu.memory_space<hbm>> -> memref<1x50x64xf32, #tpu.memory_space<hbm>>
        %dma_wait3A_1036 = tpu.memref_squeeze %dma_wait3A_1035 : memref<1x50x64xf32, #tpu.memory_space<hbm>> -> memref<50x64xf32, #tpu.memory_space<hbm>>
        %dma_wait3A_1037 = arith.constant 0 : i32
        %dma_wait3A_1038 = arith.constant 0 : i32
        %dma_wait3A_1039 = tpu.memref_slice %arg4[%add3A_971, %dma_wait3A_1037, %dma_wait3A_1038] : memref<16384x50x64xf32, #tpu.memory_space<hbm>> -> memref<1x50x64xf32, #tpu.memory_space<hbm>>
        %dma_wait3A_1040 = tpu.memref_squeeze %dma_wait3A_1039 : memref<1x50x64xf32, #tpu.memory_space<hbm>> -> memref<50x64xf32, #tpu.memory_space<hbm>>
        %dma_wait3A_1041 = arith.constant 0 : i32
        %dma_wait3A_1042 = arith.constant 0 : i32
        %dma_wait3A_1043 = tpu.memref_slice %arg6[%dma_wait3A_1025, %dma_wait3A_1041, %dma_wait3A_1042] : memref<2x400x64xf32, #tpu.memory_space<vmem>> -> memref<1x400x64xf32, #tpu.memory_space<vmem>>
        %dma_wait3A_1044 = tpu.memref_squeeze %dma_wait3A_1043 : memref<1x400x64xf32, #tpu.memory_space<vmem>> -> memref<400x64xf32, #tpu.memory_space<vmem>>
        %dma_wait3A_1045 = arith.constant 50 : i32
        %dma_wait3A_1046 = arith.constant 0 : i32
        %dma_wait3A_1047 = tpu.memref_slice %dma_wait3A_1044[%dma_wait3A_1045, %dma_wait3A_1046] : memref<400x64xf32, #tpu.memory_space<vmem>> -> memref<50x64xf32, #tpu.memory_space<vmem>>
        tpu.wait_dma2 semaphore(%arg8 : memref<!tpu.dma_semaphore, #tpu.memory_space<semaphore_mem>>) src(%dma_wait3A_1047 : memref<50x64xf32, #tpu.memory_space<vmem>>) dst(%dma_wait3A_1040 : memref<50x64xf32, #tpu.memory_space<hbm>>)
        %dma_wait3A_1048 = arith.constant 0 : i32
        %dma_wait3A_1049 = arith.constant 0 : i32
        %dma_wait3A_1050 = arith.constant 0 : i32
        %dma_wait3A_1051 = tpu.memref_slice %arg6[%dma_wait3A_1048, %dma_wait3A_1049, %dma_wait3A_1050] : memref<2x400x64xf32, #tpu.memory_space<vmem>> -> memref<1x400x64xf32, #tpu.memory_space<vmem>>
        %dma_wait3A_1052 = tpu.memref_squeeze %dma_wait3A_1051 : memref<1x400x64xf32, #tpu.memory_space<vmem>> -> memref<400x64xf32, #tpu.memory_space<vmem>>
        %dma_wait3A_1053 = arith.constant 100 : i32
        %dma_wait3A_1054 = arith.constant 0 : i32
        %dma_wait3A_1055 = tpu.memref_slice %dma_wait3A_1052[%dma_wait3A_1053, %dma_wait3A_1054] : memref<400x64xf32, #tpu.memory_space<vmem>> -> memref<50x64xf32, #tpu.memory_space<vmem>>
        %dma_wait3A_1056 = arith.constant 0 : i32
        %dma_wait3A_1057 = arith.constant 0 : i32
        %dma_wait3A_1058 = tpu.memref_slice %arg4[%add3A_976, %dma_wait3A_1056, %dma_wait3A_1057] : memref<16384x50x64xf32, #tpu.memory_space<hbm>> -> memref<1x50x64xf32, #tpu.memory_space<hbm>>
        %dma_wait3A_1059 = tpu.memref_squeeze %dma_wait3A_1058 : memref<1x50x64xf32, #tpu.memory_space<hbm>> -> memref<50x64xf32, #tpu.memory_space<hbm>>
        %dma_wait3A_1060 = arith.constant 0 : i32
        %dma_wait3A_1061 = arith.constant 0 : i32
        %dma_wait3A_1062 = tpu.memref_slice %arg4[%add3A_976, %dma_wait3A_1060, %dma_wait3A_1061] : memref<16384x50x64xf32, #tpu.memory_space<hbm>> -> memref<1x50x64xf32, #tpu.memory_space<hbm>>
        %dma_wait3A_1063 = tpu.memref_squeeze %dma_wait3A_1062 : memref<1x50x64xf32, #tpu.memory_space<hbm>> -> memref<50x64xf32, #tpu.memory_space<hbm>>
        %dma_wait3A_1064 = arith.constant 0 : i32
        %dma_wait3A_1065 = arith.constant 0 : i32
        %dma_wait3A_1066 = tpu.memref_slice %arg6[%dma_wait3A_1048, %dma_wait3A_1064, %dma_wait3A_1065] : memref<2x400x64xf32, #tpu.memory_space<vmem>> -> memref<1x400x64xf32, #tpu.memory_space<vmem>>
        %dma_wait3A_1067 = tpu.memref_squeeze %dma_wait3A_1066 : memref<1x400x64xf32, #tpu.memory_space<vmem>> -> memref<400x64xf32, #tpu.memory_space<vmem>>
        %dma_wait3A_1068 = arith.constant 100 : i32
        %dma_wait3A_1069 = arith.constant 0 : i32
        %dma_wait3A_1070 = tpu.memref_slice %dma_wait3A_1067[%dma_wait3A_1068, %dma_wait3A_1069] : memref<400x64xf32, #tpu.memory_space<vmem>> -> memref<50x64xf32, #tpu.memory_space<vmem>>
        tpu.wait_dma2 semaphore(%arg8 : memref<!tpu.dma_semaphore, #tpu.memory_space<semaphore_mem>>) src(%dma_wait3A_1070 : memref<50x64xf32, #tpu.memory_space<vmem>>) dst(%dma_wait3A_1063 : memref<50x64xf32, #tpu.memory_space<hbm>>)
        %dma_wait3A_1071 = arith.constant 0 : i32
        %dma_wait3A_1072 = arith.constant 0 : i32
        %dma_wait3A_1073 = arith.constant 0 : i32
        %dma_wait3A_1074 = tpu.memref_slice %arg6[%dma_wait3A_1071, %dma_wait3A_1072, %dma_wait3A_1073] : memref<2x400x64xf32, #tpu.memory_space<vmem>> -> memref<1x400x64xf32, #tpu.memory_space<vmem>>
        %dma_wait3A_1075 = tpu.memref_squeeze %dma_wait3A_1074 : memref<1x400x64xf32, #tpu.memory_space<vmem>> -> memref<400x64xf32, #tpu.memory_space<vmem>>
        %dma_wait3A_1076 = arith.constant 150 : i32
        %dma_wait3A_1077 = arith.constant 0 : i32
        %dma_wait3A_1078 = tpu.memref_slice %dma_wait3A_1075[%dma_wait3A_1076, %dma_wait3A_1077] : memref<400x64xf32, #tpu.memory_space<vmem>> -> memref<50x64xf32, #tpu.memory_space<vmem>>
        %dma_wait3A_1079 = arith.constant 0 : i32
        %dma_wait3A_1080 = arith.constant 0 : i32
        %dma_wait3A_1081 = tpu.memref_slice %arg4[%add3A_981, %dma_wait3A_1079, %dma_wait3A_1080] : memref<16384x50x64xf32, #tpu.memory_space<hbm>> -> memref<1x50x64xf32, #tpu.memory_space<hbm>>
        %dma_wait3A_1082 = tpu.memref_squeeze %dma_wait3A_1081 : memref<1x50x64xf32, #tpu.memory_space<hbm>> -> memref<50x64xf32, #tpu.memory_space<hbm>>
        %dma_wait3A_1083 = arith.constant 0 : i32
        %dma_wait3A_1084 = arith.constant 0 : i32
        %dma_wait3A_1085 = tpu.memref_slice %arg4[%add3A_981, %dma_wait3A_1083, %dma_wait3A_1084] : memref<16384x50x64xf32, #tpu.memory_space<hbm>> -> memref<1x50x64xf32, #tpu.memory_space<hbm>>
        %dma_wait3A_1086 = tpu.memref_squeeze %dma_wait3A_1085 : memref<1x50x64xf32, #tpu.memory_space<hbm>> -> memref<50x64xf32, #tpu.memory_space<hbm>>
        %dma_wait3A_1087 = arith.constant 0 : i32
        %dma_wait3A_1088 = arith.constant 0 : i32
        %dma_wait3A_1089 = tpu.memref_slice %arg6[%dma_wait3A_1071, %dma_wait3A_1087, %dma_wait3A_1088] : memref<2x400x64xf32, #tpu.memory_space<vmem>> -> memref<1x400x64xf32, #tpu.memory_space<vmem>>
        %dma_wait3A_1090 = tpu.memref_squeeze %dma_wait3A_1089 : memref<1x400x64xf32, #tpu.memory_space<vmem>> -> memref<400x64xf32, #tpu.memory_space<vmem>>
        %dma_wait3A_1091 = arith.constant 150 : i32
        %dma_wait3A_1092 = arith.constant 0 : i32
        %dma_wait3A_1093 = tpu.memref_slice %dma_wait3A_1090[%dma_wait3A_1091, %dma_wait3A_1092] : memref<400x64xf32, #tpu.memory_space<vmem>> -> memref<50x64xf32, #tpu.memory_space<vmem>>
        tpu.wait_dma2 semaphore(%arg8 : memref<!tpu.dma_semaphore, #tpu.memory_space<semaphore_mem>>) src(%dma_wait3A_1093 : memref<50x64xf32, #tpu.memory_space<vmem>>) dst(%dma_wait3A_1086 : memref<50x64xf32, #tpu.memory_space<hbm>>)
        %dma_wait3A_1094 = arith.constant 0 : i32
        %dma_wait3A_1095 = arith.constant 0 : i32
        %dma_wait3A_1096 = arith.constant 0 : i32
        %dma_wait3A_1097 = tpu.memref_slice %arg6[%dma_wait3A_1094, %dma_wait3A_1095, %dma_wait3A_1096] : memref<2x400x64xf32, #tpu.memory_space<vmem>> -> memref<1x400x64xf32, #tpu.memory_space<vmem>>
        %dma_wait3A_1098 = tpu.memref_squeeze %dma_wait3A_1097 : memref<1x400x64xf32, #tpu.memory_space<vmem>> -> memref<400x64xf32, #tpu.memory_space<vmem>>
        %dma_wait3A_1099 = arith.constant 200 : i32
        %dma_wait3A_1100 = arith.constant 0 : i32
        %dma_wait3A_1101 = tpu.memref_slice %dma_wait3A_1098[%dma_wait3A_1099, %dma_wait3A_1100] : memref<400x64xf32, #tpu.memory_space<vmem>> -> memref<50x64xf32, #tpu.memory_space<vmem>>
        %dma_wait3A_1102 = arith.constant 0 : i32
        %dma_wait3A_1103 = arith.constant 0 : i32
        %dma_wait3A_1104 = tpu.memref_slice %arg4[%add3A_986, %dma_wait3A_1102, %dma_wait3A_1103] : memref<16384x50x64xf32, #tpu.memory_space<hbm>> -> memref<1x50x64xf32, #tpu.memory_space<hbm>>
        %dma_wait3A_1105 = tpu.memref_squeeze %dma_wait3A_1104 : memref<1x50x64xf32, #tpu.memory_space<hbm>> -> memref<50x64xf32, #tpu.memory_space<hbm>>
        %dma_wait3A_1106 = arith.constant 0 : i32
        %dma_wait3A_1107 = arith.constant 0 : i32
        %dma_wait3A_1108 = tpu.memref_slice %arg4[%add3A_986, %dma_wait3A_1106, %dma_wait3A_1107] : memref<16384x50x64xf32, #tpu.memory_space<hbm>> -> memref<1x50x64xf32, #tpu.memory_space<hbm>>
        %dma_wait3A_1109 = tpu.memref_squeeze %dma_wait3A_1108 : memref<1x50x64xf32, #tpu.memory_space<hbm>> -> memref<50x64xf32, #tpu.memory_space<hbm>>
        %dma_wait3A_1110 = arith.constant 0 : i32
        %dma_wait3A_1111 = arith.constant 0 : i32
        %dma_wait3A_1112 = tpu.memref_slice %arg6[%dma_wait3A_1094, %dma_wait3A_1110, %dma_wait3A_1111] : memref<2x400x64xf32, #tpu.memory_space<vmem>> -> memref<1x400x64xf32, #tpu.memory_space<vmem>>
        %dma_wait3A_1113 = tpu.memref_squeeze %dma_wait3A_1112 : memref<1x400x64xf32, #tpu.memory_space<vmem>> -> memref<400x64xf32, #tpu.memory_space<vmem>>
        %dma_wait3A_1114 = arith.constant 200 : i32
        %dma_wait3A_1115 = arith.constant 0 : i32
        %dma_wait3A_1116 = tpu.memref_slice %dma_wait3A_1113[%dma_wait3A_1114, %dma_wait3A_1115] : memref<400x64xf32, #tpu.memory_space<vmem>> -> memref<50x64xf32, #tpu.memory_space<vmem>>
        tpu.wait_dma2 semaphore(%arg8 : memref<!tpu.dma_semaphore, #tpu.memory_space<semaphore_mem>>) src(%dma_wait3A_1116 : memref<50x64xf32, #tpu.memory_space<vmem>>) dst(%dma_wait3A_1109 : memref<50x64xf32, #tpu.memory_space<hbm>>)
        %dma_wait3A_1117 = arith.constant 0 : i32
        %dma_wait3A_1118 = arith.constant 0 : i32
        %dma_wait3A_1119 = arith.constant 0 : i32
        %dma_wait3A_1120 = tpu.memref_slice %arg6[%dma_wait3A_1117, %dma_wait3A_1118, %dma_wait3A_1119] : memref<2x400x64xf32, #tpu.memory_space<vmem>> -> memref<1x400x64xf32, #tpu.memory_space<vmem>>
        %dma_wait3A_1121 = tpu.memref_squeeze %dma_wait3A_1120 : memref<1x400x64xf32, #tpu.memory_space<vmem>> -> memref<400x64xf32, #tpu.memory_space<vmem>>
        %dma_wait3A_1122 = arith.constant 250 : i32
        %dma_wait3A_1123 = arith.constant 0 : i32
        %dma_wait3A_1124 = tpu.memref_slice %dma_wait3A_1121[%dma_wait3A_1122, %dma_wait3A_1123] : memref<400x64xf32, #tpu.memory_space<vmem>> -> memref<50x64xf32, #tpu.memory_space<vmem>>
        %dma_wait3A_1125 = arith.constant 0 : i32
        %dma_wait3A_1126 = arith.constant 0 : i32
        %dma_wait3A_1127 = tpu.memref_slice %arg4[%add3A_991, %dma_wait3A_1125, %dma_wait3A_1126] : memref<16384x50x64xf32, #tpu.memory_space<hbm>> -> memref<1x50x64xf32, #tpu.memory_space<hbm>>
        %dma_wait3A_1128 = tpu.memref_squeeze %dma_wait3A_1127 : memref<1x50x64xf32, #tpu.memory_space<hbm>> -> memref<50x64xf32, #tpu.memory_space<hbm>>
        %dma_wait3A_1129 = arith.constant 0 : i32
        %dma_wait3A_1130 = arith.constant 0 : i32
        %dma_wait3A_1131 = tpu.memref_slice %arg4[%add3A_991, %dma_wait3A_1129, %dma_wait3A_1130] : memref<16384x50x64xf32, #tpu.memory_space<hbm>> -> memref<1x50x64xf32, #tpu.memory_space<hbm>>
        %dma_wait3A_1132 = tpu.memref_squeeze %dma_wait3A_1131 : memref<1x50x64xf32, #tpu.memory_space<hbm>> -> memref<50x64xf32, #tpu.memory_space<hbm>>
        %dma_wait3A_1133 = arith.constant 0 : i32
        %dma_wait3A_1134 = arith.constant 0 : i32
        %dma_wait3A_1135 = tpu.memref_slice %arg6[%dma_wait3A_1117, %dma_wait3A_1133, %dma_wait3A_1134] : memref<2x400x64xf32, #tpu.memory_space<vmem>> -> memref<1x400x64xf32, #tpu.memory_space<vmem>>
        %dma_wait3A_1136 = tpu.memref_squeeze %dma_wait3A_1135 : memref<1x400x64xf32, #tpu.memory_space<vmem>> -> memref<400x64xf32, #tpu.memory_space<vmem>>
        %dma_wait3A_1137 = arith.constant 250 : i32
        %dma_wait3A_1138 = arith.constant 0 : i32
        %dma_wait3A_1139 = tpu.memref_slice %dma_wait3A_1136[%dma_wait3A_1137, %dma_wait3A_1138] : memref<400x64xf32, #tpu.memory_space<vmem>> -> memref<50x64xf32, #tpu.memory_space<vmem>>
        tpu.wait_dma2 semaphore(%arg8 : memref<!tpu.dma_semaphore, #tpu.memory_space<semaphore_mem>>) src(%dma_wait3A_1139 : memref<50x64xf32, #tpu.memory_space<vmem>>) dst(%dma_wait3A_1132 : memref<50x64xf32, #tpu.memory_space<hbm>>)
        %dma_wait3A_1140 = arith.constant 0 : i32
        %dma_wait3A_1141 = arith.constant 0 : i32
        %dma_wait3A_1142 = arith.constant 0 : i32
        %dma_wait3A_1143 = tpu.memref_slice %arg6[%dma_wait3A_1140, %dma_wait3A_1141, %dma_wait3A_1142] : memref<2x400x64xf32, #tpu.memory_space<vmem>> -> memref<1x400x64xf32, #tpu.memory_space<vmem>>
        %dma_wait3A_1144 = tpu.memref_squeeze %dma_wait3A_1143 : memref<1x400x64xf32, #tpu.memory_space<vmem>> -> memref<400x64xf32, #tpu.memory_space<vmem>>
        %dma_wait3A_1145 = arith.constant 300 : i32
        %dma_wait3A_1146 = arith.constant 0 : i32
        %dma_wait3A_1147 = tpu.memref_slice %dma_wait3A_1144[%dma_wait3A_1145, %dma_wait3A_1146] : memref<400x64xf32, #tpu.memory_space<vmem>> -> memref<50x64xf32, #tpu.memory_space<vmem>>
        %dma_wait3A_1148 = arith.constant 0 : i32
        %dma_wait3A_1149 = arith.constant 0 : i32
        %dma_wait3A_1150 = tpu.memref_slice %arg4[%add3A_996, %dma_wait3A_1148, %dma_wait3A_1149] : memref<16384x50x64xf32, #tpu.memory_space<hbm>> -> memref<1x50x64xf32, #tpu.memory_space<hbm>>
        %dma_wait3A_1151 = tpu.memref_squeeze %dma_wait3A_1150 : memref<1x50x64xf32, #tpu.memory_space<hbm>> -> memref<50x64xf32, #tpu.memory_space<hbm>>
        %dma_wait3A_1152 = arith.constant 0 : i32
        %dma_wait3A_1153 = arith.constant 0 : i32
        %dma_wait3A_1154 = tpu.memref_slice %arg4[%add3A_996, %dma_wait3A_1152, %dma_wait3A_1153] : memref<16384x50x64xf32, #tpu.memory_space<hbm>> -> memref<1x50x64xf32, #tpu.memory_space<hbm>>
        %dma_wait3A_1155 = tpu.memref_squeeze %dma_wait3A_1154 : memref<1x50x64xf32, #tpu.memory_space<hbm>> -> memref<50x64xf32, #tpu.memory_space<hbm>>
        %dma_wait3A_1156 = arith.constant 0 : i32
        %dma_wait3A_1157 = arith.constant 0 : i32
        %dma_wait3A_1158 = tpu.memref_slice %arg6[%dma_wait3A_1140, %dma_wait3A_1156, %dma_wait3A_1157] : memref<2x400x64xf32, #tpu.memory_space<vmem>> -> memref<1x400x64xf32, #tpu.memory_space<vmem>>
        %dma_wait3A_1159 = tpu.memref_squeeze %dma_wait3A_1158 : memref<1x400x64xf32, #tpu.memory_space<vmem>> -> memref<400x64xf32, #tpu.memory_space<vmem>>
        %dma_wait3A_1160 = arith.constant 300 : i32
        %dma_wait3A_1161 = arith.constant 0 : i32
        %dma_wait3A_1162 = tpu.memref_slice %dma_wait3A_1159[%dma_wait3A_1160, %dma_wait3A_1161] : memref<400x64xf32, #tpu.memory_space<vmem>> -> memref<50x64xf32, #tpu.memory_space<vmem>>
        tpu.wait_dma2 semaphore(%arg8 : memref<!tpu.dma_semaphore, #tpu.memory_space<semaphore_mem>>) src(%dma_wait3A_1162 : memref<50x64xf32, #tpu.memory_space<vmem>>) dst(%dma_wait3A_1155 : memref<50x64xf32, #tpu.memory_space<hbm>>)
        %dma_wait3A_1163 = arith.constant 0 : i32
        %dma_wait3A_1164 = arith.constant 0 : i32
        %dma_wait3A_1165 = arith.constant 0 : i32
        %dma_wait3A_1166 = tpu.memref_slice %arg6[%dma_wait3A_1163, %dma_wait3A_1164, %dma_wait3A_1165] : memref<2x400x64xf32, #tpu.memory_space<vmem>> -> memref<1x400x64xf32, #tpu.memory_space<vmem>>
        %dma_wait3A_1167 = tpu.memref_squeeze %dma_wait3A_1166 : memref<1x400x64xf32, #tpu.memory_space<vmem>> -> memref<400x64xf32, #tpu.memory_space<vmem>>
        %dma_wait3A_1168 = arith.constant 350 : i32
        %dma_wait3A_1169 = arith.constant 0 : i32
        %dma_wait3A_1170 = tpu.memref_slice %dma_wait3A_1167[%dma_wait3A_1168, %dma_wait3A_1169] : memref<400x64xf32, #tpu.memory_space<vmem>> -> memref<50x64xf32, #tpu.memory_space<vmem>>
        %dma_wait3A_1171 = arith.constant 0 : i32
        %dma_wait3A_1172 = arith.constant 0 : i32
        %dma_wait3A_1173 = tpu.memref_slice %arg4[%add3A_1001, %dma_wait3A_1171, %dma_wait3A_1172] : memref<16384x50x64xf32, #tpu.memory_space<hbm>> -> memref<1x50x64xf32, #tpu.memory_space<hbm>>
        %dma_wait3A_1174 = tpu.memref_squeeze %dma_wait3A_1173 : memref<1x50x64xf32, #tpu.memory_space<hbm>> -> memref<50x64xf32, #tpu.memory_space<hbm>>
        %dma_wait3A_1175 = arith.constant 0 : i32
        %dma_wait3A_1176 = arith.constant 0 : i32
        %dma_wait3A_1177 = tpu.memref_slice %arg4[%add3A_1001, %dma_wait3A_1175, %dma_wait3A_1176] : memref<16384x50x64xf32, #tpu.memory_space<hbm>> -> memref<1x50x64xf32, #tpu.memory_space<hbm>>
        %dma_wait3A_1178 = tpu.memref_squeeze %dma_wait3A_1177 : memref<1x50x64xf32, #tpu.memory_space<hbm>> -> memref<50x64xf32, #tpu.memory_space<hbm>>
        %dma_wait3A_1179 = arith.constant 0 : i32
        %dma_wait3A_1180 = arith.constant 0 : i32
        %dma_wait3A_1181 = tpu.memref_slice %arg6[%dma_wait3A_1163, %dma_wait3A_1179, %dma_wait3A_1180] : memref<2x400x64xf32, #tpu.memory_space<vmem>> -> memref<1x400x64xf32, #tpu.memory_space<vmem>>
        %dma_wait3A_1182 = tpu.memref_squeeze %dma_wait3A_1181 : memref<1x400x64xf32, #tpu.memory_space<vmem>> -> memref<400x64xf32, #tpu.memory_space<vmem>>
        %dma_wait3A_1183 = arith.constant 350 : i32
        %dma_wait3A_1184 = arith.constant 0 : i32
        %dma_wait3A_1185 = tpu.memref_slice %dma_wait3A_1182[%dma_wait3A_1183, %dma_wait3A_1184] : memref<400x64xf32, #tpu.memory_space<vmem>> -> memref<50x64xf32, #tpu.memory_space<vmem>>
        tpu.wait_dma2 semaphore(%arg8 : memref<!tpu.dma_semaphore, #tpu.memory_space<semaphore_mem>>) src(%dma_wait3A_1185 : memref<50x64xf32, #tpu.memory_space<vmem>>) dst(%dma_wait3A_1178 : memref<50x64xf32, #tpu.memory_space<hbm>>)
      } else {
      }
      %add3A_644 = arith.constant 1 : i32
      %add3A_645 = arith.addi %add3A_638, %add3A_644 : i32
      %lt3A_646 = arith.constant 64 : i32
      %lt3A_647 = arith.cmpi slt, %add3A_645, %lt3A_646 : i32
      %convert_element_type3A_648 = arith.extui %lt3A_647 : i1 to i32
      %cond3A_649 = arith.constant 0 : i32
      %cond3A_650 = arith.cmpi ne, %convert_element_type3A_648, %cond3A_649 : i32
      scf.if %cond3A_650 {
        %add3A_961 = arith.constant 1 : i32
        %add3A_962 = arith.addi %add3A_638, %add3A_961 : i32
        %mul3A_963 = arith.constant 400 : i32
        %mul3A_964 = arith.muli %add3A_962, %mul3A_963 : i32
        %add3A_965 = arith.addi %mul3A_2, %mul3A_964 : i32
        %run_scoped3A_966 = arith.constant 0 : i32
        "tpu.region"() ({
          %run_scoped3A_1052 = tpu.sem_alloc : memref<!tpu.dma_semaphore, #tpu.memory_space<semaphore_mem>>
          %dma_start3A_1053 = arith.constant 0 : i32
          %dma_start3A_1054 = tpu.memref_slice %arg5[%run_scoped3A_966, %dma_start3A_1053] : memref<2x400xi32, #tpu.memory_space<vmem>> -> memref<1x400xi32, #tpu.memory_space<vmem>>
          %dma_start3A_1055 = tpu.memref_squeeze %dma_start3A_1054 : memref<1x400xi32, #tpu.memory_space<vmem>> -> memref<400xi32, #tpu.memory_space<vmem>>
          %dma_start3A_1056 = tpu.memref_slice %arg3[%add3A_965] : memref<819200xi32, #tpu.memory_space<hbm>> -> memref<400xi32, #tpu.memory_space<hbm>>
          %dma_start3A_1057 = arith.constant 0 : i32
          %dma_start3A_1058 = tpu.memref_slice %arg5[%run_scoped3A_966, %dma_start3A_1057] : memref<2x400xi32, #tpu.memory_space<vmem>> -> memref<1x400xi32, #tpu.memory_space<vmem>>
          %dma_start3A_1059 = tpu.memref_squeeze %dma_start3A_1058 : memref<1x400xi32, #tpu.memory_space<vmem>> -> memref<400xi32, #tpu.memory_space<vmem>>
          %dma_start3A_1060 = tpu.memref_slice %arg3[%add3A_965] : memref<819200xi32, #tpu.memory_space<hbm>> -> memref<400xi32, #tpu.memory_space<hbm>>
          tpu.enqueue_dma source(%dma_start3A_1060 : memref<400xi32, #tpu.memory_space<hbm>>) target(%dma_start3A_1059 : memref<400xi32, #tpu.memory_space<vmem>>) target_semaphore(%run_scoped3A_1052 : memref<!tpu.dma_semaphore, #tpu.memory_space<semaphore_mem>>)
          %dma_wait3A_1061 = arith.constant 0 : i32
          %dma_wait3A_1062 = tpu.memref_slice %arg5[%run_scoped3A_966, %dma_wait3A_1061] : memref<2x400xi32, #tpu.memory_space<vmem>> -> memref<1x400xi32, #tpu.memory_space<vmem>>
          %dma_wait3A_1063 = tpu.memref_squeeze %dma_wait3A_1062 : memref<1x400xi32, #tpu.memory_space<vmem>> -> memref<400xi32, #tpu.memory_space<vmem>>
          %dma_wait3A_1064 = tpu.memref_slice %arg3[%add3A_965] : memref<819200xi32, #tpu.memory_space<hbm>> -> memref<400xi32, #tpu.memory_space<hbm>>
          %dma_wait3A_1065 = arith.constant 0 : i32
          %dma_wait3A_1066 = tpu.memref_slice %arg5[%run_scoped3A_966, %dma_wait3A_1065] : memref<2x400xi32, #tpu.memory_space<vmem>> -> memref<1x400xi32, #tpu.memory_space<vmem>>
          %dma_wait3A_1067 = tpu.memref_squeeze %dma_wait3A_1066 : memref<1x400xi32, #tpu.memory_space<vmem>> -> memref<400xi32, #tpu.memory_space<vmem>>
          %dma_wait3A_1068 = tpu.memref_slice %arg3[%add3A_965] : memref<819200xi32, #tpu.memory_space<hbm>> -> memref<400xi32, #tpu.memory_space<hbm>>
          tpu.wait_dma2 semaphore(%run_scoped3A_1052 : memref<!tpu.dma_semaphore, #tpu.memory_space<semaphore_mem>>) src(%dma_wait3A_1068 : memref<400xi32, #tpu.memory_space<hbm>>) dst(%dma_wait3A_1067 : memref<400xi32, #tpu.memory_space<vmem>>)
          tpu.yield
        }) : () -> ()
        %dma_start3A_967 = arith.constant 0 : i32
        %dma_start3A_968 = arith.constant 0 : i32
        %dma_start3A_969 = arith.constant 0 : i32
        %dma_start3A_970 = arith.constant 0 : i32
        %dma_start3A_971 = tpu.memref_slice %arg6[%dma_start3A_968, %dma_start3A_969, %dma_start3A_970] : memref<2x400x64xf32, #tpu.memory_space<vmem>> -> memref<1x400x64xf32, #tpu.memory_space<vmem>>
        %dma_start3A_972 = tpu.memref_squeeze %dma_start3A_971 : memref<1x400x64xf32, #tpu.memory_space<vmem>> -> memref<400x64xf32, #tpu.memory_space<vmem>>
        %dma_start3A_973 = arith.constant 0 : i32
        %dma_start3A_974 = arith.constant 0 : i32
        %dma_start3A_975 = tpu.memref_slice %dma_start3A_972[%dma_start3A_973, %dma_start3A_974] : memref<400x64xf32, #tpu.memory_space<vmem>> -> memref<80x64xf32, #tpu.memory_space<vmem>>
        %dma_start3A_976 = arith.constant 0 : i32
        %dma_start3A_977 = tpu.memref_slice %arg5[%dma_start3A_967, %dma_start3A_976] : memref<2x400xi32, #tpu.memory_space<vmem>> -> memref<1x400xi32, #tpu.memory_space<vmem>>
        %dma_start3A_978 = tpu.memref_squeeze %dma_start3A_977 : memref<1x400xi32, #tpu.memory_space<vmem>> -> memref<400xi32, #tpu.memory_space<vmem>>
        %dma_start3A_979 = arith.constant 0 : i32
        %dma_start3A_980 = tpu.memref_slice %dma_start3A_978[%dma_start3A_979] : memref<400xi32, #tpu.memory_space<vmem>> -> memref<80xi32, #tpu.memory_space<vmem>>
        %dma_start3A_981 = arith.constant 0 : i32
        %dma_start3A_982 = arith.constant 0 : i32
        %dma_start3A_983 = tpu.memref_slice %arg2[%dma_start3A_981, %dma_start3A_982] : memref<100000x64xf32, #tpu.memory_space<hbm>> -> memref<100000x64xf32, #tpu.memory_space<hbm>>
        tpu.enqueue_indirect_dma source(%dma_start3A_983 : memref<100000x64xf32, #tpu.memory_space<hbm>>) target(%dma_start3A_975 : memref<80x64xf32, #tpu.memory_space<vmem>>) offsets(%dma_start3A_980 : memref<80xi32, #tpu.memory_space<vmem>>) semaphore(%arg7 : memref<!tpu.dma_semaphore, #tpu.memory_space<semaphore_mem>>)
        %dma_start3A_984 = arith.constant 0 : i32
        %dma_start3A_985 = arith.constant 0 : i32
        %dma_start3A_986 = arith.constant 0 : i32
        %dma_start3A_987 = arith.constant 0 : i32
        %dma_start3A_988 = tpu.memref_slice %arg6[%dma_start3A_985, %dma_start3A_986, %dma_start3A_987] : memref<2x400x64xf32, #tpu.memory_space<vmem>> -> memref<1x400x64xf32, #tpu.memory_space<vmem>>
        %dma_start3A_989 = tpu.memref_squeeze %dma_start3A_988 : memref<1x400x64xf32, #tpu.memory_space<vmem>> -> memref<400x64xf32, #tpu.memory_space<vmem>>
        %dma_start3A_990 = arith.constant 80 : i32
        %dma_start3A_991 = arith.constant 0 : i32
        %dma_start3A_992 = tpu.memref_slice %dma_start3A_989[%dma_start3A_990, %dma_start3A_991] : memref<400x64xf32, #tpu.memory_space<vmem>> -> memref<80x64xf32, #tpu.memory_space<vmem>>
        %dma_start3A_993 = arith.constant 0 : i32
        %dma_start3A_994 = tpu.memref_slice %arg5[%dma_start3A_984, %dma_start3A_993] : memref<2x400xi32, #tpu.memory_space<vmem>> -> memref<1x400xi32, #tpu.memory_space<vmem>>
        %dma_start3A_995 = tpu.memref_squeeze %dma_start3A_994 : memref<1x400xi32, #tpu.memory_space<vmem>> -> memref<400xi32, #tpu.memory_space<vmem>>
        %dma_start3A_996 = arith.constant 80 : i32
        %dma_start3A_997 = tpu.memref_slice %dma_start3A_995[%dma_start3A_996] : memref<400xi32, #tpu.memory_space<vmem>> -> memref<80xi32, #tpu.memory_space<vmem>>
        %dma_start3A_998 = arith.constant 0 : i32
        %dma_start3A_999 = arith.constant 0 : i32
        %dma_start3A_1000 = tpu.memref_slice %arg2[%dma_start3A_998, %dma_start3A_999] : memref<100000x64xf32, #tpu.memory_space<hbm>> -> memref<100000x64xf32, #tpu.memory_space<hbm>>
        tpu.enqueue_indirect_dma source(%dma_start3A_1000 : memref<100000x64xf32, #tpu.memory_space<hbm>>) target(%dma_start3A_992 : memref<80x64xf32, #tpu.memory_space<vmem>>) offsets(%dma_start3A_997 : memref<80xi32, #tpu.memory_space<vmem>>) semaphore(%arg7 : memref<!tpu.dma_semaphore, #tpu.memory_space<semaphore_mem>>)
        %dma_start3A_1001 = arith.constant 0 : i32
        %dma_start3A_1002 = arith.constant 0 : i32
        %dma_start3A_1003 = arith.constant 0 : i32
        %dma_start3A_1004 = arith.constant 0 : i32
        %dma_start3A_1005 = tpu.memref_slice %arg6[%dma_start3A_1002, %dma_start3A_1003, %dma_start3A_1004] : memref<2x400x64xf32, #tpu.memory_space<vmem>> -> memref<1x400x64xf32, #tpu.memory_space<vmem>>
        %dma_start3A_1006 = tpu.memref_squeeze %dma_start3A_1005 : memref<1x400x64xf32, #tpu.memory_space<vmem>> -> memref<400x64xf32, #tpu.memory_space<vmem>>
        %dma_start3A_1007 = arith.constant 160 : i32
        %dma_start3A_1008 = arith.constant 0 : i32
        %dma_start3A_1009 = tpu.memref_slice %dma_start3A_1006[%dma_start3A_1007, %dma_start3A_1008] : memref<400x64xf32, #tpu.memory_space<vmem>> -> memref<80x64xf32, #tpu.memory_space<vmem>>
        %dma_start3A_1010 = arith.constant 0 : i32
        %dma_start3A_1011 = tpu.memref_slice %arg5[%dma_start3A_1001, %dma_start3A_1010] : memref<2x400xi32, #tpu.memory_space<vmem>> -> memref<1x400xi32, #tpu.memory_space<vmem>>
        %dma_start3A_1012 = tpu.memref_squeeze %dma_start3A_1011 : memref<1x400xi32, #tpu.memory_space<vmem>> -> memref<400xi32, #tpu.memory_space<vmem>>
        %dma_start3A_1013 = arith.constant 160 : i32
        %dma_start3A_1014 = tpu.memref_slice %dma_start3A_1012[%dma_start3A_1013] : memref<400xi32, #tpu.memory_space<vmem>> -> memref<80xi32, #tpu.memory_space<vmem>>
        %dma_start3A_1015 = arith.constant 0 : i32
        %dma_start3A_1016 = arith.constant 0 : i32
        %dma_start3A_1017 = tpu.memref_slice %arg2[%dma_start3A_1015, %dma_start3A_1016] : memref<100000x64xf32, #tpu.memory_space<hbm>> -> memref<100000x64xf32, #tpu.memory_space<hbm>>
        tpu.enqueue_indirect_dma source(%dma_start3A_1017 : memref<100000x64xf32, #tpu.memory_space<hbm>>) target(%dma_start3A_1009 : memref<80x64xf32, #tpu.memory_space<vmem>>) offsets(%dma_start3A_1014 : memref<80xi32, #tpu.memory_space<vmem>>) semaphore(%arg7 : memref<!tpu.dma_semaphore, #tpu.memory_space<semaphore_mem>>)
        %dma_start3A_1018 = arith.constant 0 : i32
        %dma_start3A_1019 = arith.constant 0 : i32
        %dma_start3A_1020 = arith.constant 0 : i32
        %dma_start3A_1021 = arith.constant 0 : i32
        %dma_start3A_1022 = tpu.memref_slice %arg6[%dma_start3A_1019, %dma_start3A_1020, %dma_start3A_1021] : memref<2x400x64xf32, #tpu.memory_space<vmem>> -> memref<1x400x64xf32, #tpu.memory_space<vmem>>
        %dma_start3A_1023 = tpu.memref_squeeze %dma_start3A_1022 : memref<1x400x64xf32, #tpu.memory_space<vmem>> -> memref<400x64xf32, #tpu.memory_space<vmem>>
        %dma_start3A_1024 = arith.constant 240 : i32
        %dma_start3A_1025 = arith.constant 0 : i32
        %dma_start3A_1026 = tpu.memref_slice %dma_start3A_1023[%dma_start3A_1024, %dma_start3A_1025] : memref<400x64xf32, #tpu.memory_space<vmem>> -> memref<80x64xf32, #tpu.memory_space<vmem>>
        %dma_start3A_1027 = arith.constant 0 : i32
        %dma_start3A_1028 = tpu.memref_slice %arg5[%dma_start3A_1018, %dma_start3A_1027] : memref<2x400xi32, #tpu.memory_space<vmem>> -> memref<1x400xi32, #tpu.memory_space<vmem>>
        %dma_start3A_1029 = tpu.memref_squeeze %dma_start3A_1028 : memref<1x400xi32, #tpu.memory_space<vmem>> -> memref<400xi32, #tpu.memory_space<vmem>>
        %dma_start3A_1030 = arith.constant 240 : i32
        %dma_start3A_1031 = tpu.memref_slice %dma_start3A_1029[%dma_start3A_1030] : memref<400xi32, #tpu.memory_space<vmem>> -> memref<80xi32, #tpu.memory_space<vmem>>
        %dma_start3A_1032 = arith.constant 0 : i32
        %dma_start3A_1033 = arith.constant 0 : i32
        %dma_start3A_1034 = tpu.memref_slice %arg2[%dma_start3A_1032, %dma_start3A_1033] : memref<100000x64xf32, #tpu.memory_space<hbm>> -> memref<100000x64xf32, #tpu.memory_space<hbm>>
        tpu.enqueue_indirect_dma source(%dma_start3A_1034 : memref<100000x64xf32, #tpu.memory_space<hbm>>) target(%dma_start3A_1026 : memref<80x64xf32, #tpu.memory_space<vmem>>) offsets(%dma_start3A_1031 : memref<80xi32, #tpu.memory_space<vmem>>) semaphore(%arg7 : memref<!tpu.dma_semaphore, #tpu.memory_space<semaphore_mem>>)
        %dma_start3A_1035 = arith.constant 0 : i32
        %dma_start3A_1036 = arith.constant 0 : i32
        %dma_start3A_1037 = arith.constant 0 : i32
        %dma_start3A_1038 = arith.constant 0 : i32
        %dma_start3A_1039 = tpu.memref_slice %arg6[%dma_start3A_1036, %dma_start3A_1037, %dma_start3A_1038] : memref<2x400x64xf32, #tpu.memory_space<vmem>> -> memref<1x400x64xf32, #tpu.memory_space<vmem>>
        %dma_start3A_1040 = tpu.memref_squeeze %dma_start3A_1039 : memref<1x400x64xf32, #tpu.memory_space<vmem>> -> memref<400x64xf32, #tpu.memory_space<vmem>>
        %dma_start3A_1041 = arith.constant 320 : i32
        %dma_start3A_1042 = arith.constant 0 : i32
        %dma_start3A_1043 = tpu.memref_slice %dma_start3A_1040[%dma_start3A_1041, %dma_start3A_1042] : memref<400x64xf32, #tpu.memory_space<vmem>> -> memref<80x64xf32, #tpu.memory_space<vmem>>
        %dma_start3A_1044 = arith.constant 0 : i32
        %dma_start3A_1045 = tpu.memref_slice %arg5[%dma_start3A_1035, %dma_start3A_1044] : memref<2x400xi32, #tpu.memory_space<vmem>> -> memref<1x400xi32, #tpu.memory_space<vmem>>
        %dma_start3A_1046 = tpu.memref_squeeze %dma_start3A_1045 : memref<1x400xi32, #tpu.memory_space<vmem>> -> memref<400xi32, #tpu.memory_space<vmem>>
        %dma_start3A_1047 = arith.constant 320 : i32
        %dma_start3A_1048 = tpu.memref_slice %dma_start3A_1046[%dma_start3A_1047] : memref<400xi32, #tpu.memory_space<vmem>> -> memref<80xi32, #tpu.memory_space<vmem>>
        %dma_start3A_1049 = arith.constant 0 : i32
        %dma_start3A_1050 = arith.constant 0 : i32
        %dma_start3A_1051 = tpu.memref_slice %arg2[%dma_start3A_1049, %dma_start3A_1050] : memref<100000x64xf32, #tpu.memory_space<hbm>> -> memref<100000x64xf32, #tpu.memory_space<hbm>>
        tpu.enqueue_indirect_dma source(%dma_start3A_1051 : memref<100000x64xf32, #tpu.memory_space<hbm>>) target(%dma_start3A_1043 : memref<80x64xf32, #tpu.memory_space<vmem>>) offsets(%dma_start3A_1048 : memref<80xi32, #tpu.memory_space<vmem>>) semaphore(%arg7 : memref<!tpu.dma_semaphore, #tpu.memory_space<semaphore_mem>>)
      } else {
      }
      %dma_wait3A_651 = arith.constant 1 : i32
      %dma_wait3A_652 = arith.constant 1 : i32
      %dma_wait3A_653 = arith.constant 0 : i32
      %dma_wait3A_654 = arith.constant 0 : i32
      %dma_wait3A_655 = tpu.memref_slice %arg6[%dma_wait3A_652, %dma_wait3A_653, %dma_wait3A_654] : memref<2x400x64xf32, #tpu.memory_space<vmem>> -> memref<1x400x64xf32, #tpu.memory_space<vmem>>
      %dma_wait3A_656 = tpu.memref_squeeze %dma_wait3A_655 : memref<1x400x64xf32, #tpu.memory_space<vmem>> -> memref<400x64xf32, #tpu.memory_space<vmem>>
      %dma_wait3A_657 = arith.constant 0 : i32
      %dma_wait3A_658 = arith.constant 0 : i32
      %dma_wait3A_659 = tpu.memref_slice %dma_wait3A_656[%dma_wait3A_657, %dma_wait3A_658] : memref<400x64xf32, #tpu.memory_space<vmem>> -> memref<80x64xf32, #tpu.memory_space<vmem>>
      %dma_wait3A_660 = arith.constant 0 : i32
      %dma_wait3A_661 = tpu.memref_slice %arg5[%dma_wait3A_651, %dma_wait3A_660] : memref<2x400xi32, #tpu.memory_space<vmem>> -> memref<1x400xi32, #tpu.memory_space<vmem>>
      %dma_wait3A_662 = tpu.memref_squeeze %dma_wait3A_661 : memref<1x400xi32, #tpu.memory_space<vmem>> -> memref<400xi32, #tpu.memory_space<vmem>>
      %dma_wait3A_663 = arith.constant 0 : i32
      %dma_wait3A_664 = tpu.memref_slice %dma_wait3A_662[%dma_wait3A_663] : memref<400xi32, #tpu.memory_space<vmem>> -> memref<80xi32, #tpu.memory_space<vmem>>
      %dma_wait3A_665 = arith.constant 0 : i32
      %dma_wait3A_666 = arith.constant 0 : i32
      %dma_wait3A_667 = tpu.memref_slice %arg2[%dma_wait3A_665, %dma_wait3A_666] : memref<100000x64xf32, #tpu.memory_space<hbm>> -> memref<100000x64xf32, #tpu.memory_space<hbm>>
      tpu.wait_indirect_dma semaphore(%arg7 : memref<!tpu.dma_semaphore, #tpu.memory_space<semaphore_mem>>) src(%dma_wait3A_667 : memref<100000x64xf32, #tpu.memory_space<hbm>>) dst(%dma_wait3A_659 : memref<80x64xf32, #tpu.memory_space<vmem>>)
      %dma_wait3A_668 = arith.constant 1 : i32
      %dma_wait3A_669 = arith.constant 1 : i32
      %dma_wait3A_670 = arith.constant 0 : i32
      %dma_wait3A_671 = arith.constant 0 : i32
      %dma_wait3A_672 = tpu.memref_slice %arg6[%dma_wait3A_669, %dma_wait3A_670, %dma_wait3A_671] : memref<2x400x64xf32, #tpu.memory_space<vmem>> -> memref<1x400x64xf32, #tpu.memory_space<vmem>>
      %dma_wait3A_673 = tpu.memref_squeeze %dma_wait3A_672 : memref<1x400x64xf32, #tpu.memory_space<vmem>> -> memref<400x64xf32, #tpu.memory_space<vmem>>
      %dma_wait3A_674 = arith.constant 80 : i32
      %dma_wait3A_675 = arith.constant 0 : i32
      %dma_wait3A_676 = tpu.memref_slice %dma_wait3A_673[%dma_wait3A_674, %dma_wait3A_675] : memref<400x64xf32, #tpu.memory_space<vmem>> -> memref<80x64xf32, #tpu.memory_space<vmem>>
      %dma_wait3A_677 = arith.constant 0 : i32
      %dma_wait3A_678 = tpu.memref_slice %arg5[%dma_wait3A_668, %dma_wait3A_677] : memref<2x400xi32, #tpu.memory_space<vmem>> -> memref<1x400xi32, #tpu.memory_space<vmem>>
      %dma_wait3A_679 = tpu.memref_squeeze %dma_wait3A_678 : memref<1x400xi32, #tpu.memory_space<vmem>> -> memref<400xi32, #tpu.memory_space<vmem>>
      %dma_wait3A_680 = arith.constant 80 : i32
      %dma_wait3A_681 = tpu.memref_slice %dma_wait3A_679[%dma_wait3A_680] : memref<400xi32, #tpu.memory_space<vmem>> -> memref<80xi32, #tpu.memory_space<vmem>>
      %dma_wait3A_682 = arith.constant 0 : i32
      %dma_wait3A_683 = arith.constant 0 : i32
      %dma_wait3A_684 = tpu.memref_slice %arg2[%dma_wait3A_682, %dma_wait3A_683] : memref<100000x64xf32, #tpu.memory_space<hbm>> -> memref<100000x64xf32, #tpu.memory_space<hbm>>
      tpu.wait_indirect_dma semaphore(%arg7 : memref<!tpu.dma_semaphore, #tpu.memory_space<semaphore_mem>>) src(%dma_wait3A_684 : memref<100000x64xf32, #tpu.memory_space<hbm>>) dst(%dma_wait3A_676 : memref<80x64xf32, #tpu.memory_space<vmem>>)
      %dma_wait3A_685 = arith.constant 1 : i32
      %dma_wait3A_686 = arith.constant 1 : i32
      %dma_wait3A_687 = arith.constant 0 : i32
      %dma_wait3A_688 = arith.constant 0 : i32
      %dma_wait3A_689 = tpu.memref_slice %arg6[%dma_wait3A_686, %dma_wait3A_687, %dma_wait3A_688] : memref<2x400x64xf32, #tpu.memory_space<vmem>> -> memref<1x400x64xf32, #tpu.memory_space<vmem>>
      %dma_wait3A_690 = tpu.memref_squeeze %dma_wait3A_689 : memref<1x400x64xf32, #tpu.memory_space<vmem>> -> memref<400x64xf32, #tpu.memory_space<vmem>>
      %dma_wait3A_691 = arith.constant 160 : i32
      %dma_wait3A_692 = arith.constant 0 : i32
      %dma_wait3A_693 = tpu.memref_slice %dma_wait3A_690[%dma_wait3A_691, %dma_wait3A_692] : memref<400x64xf32, #tpu.memory_space<vmem>> -> memref<80x64xf32, #tpu.memory_space<vmem>>
      %dma_wait3A_694 = arith.constant 0 : i32
      %dma_wait3A_695 = tpu.memref_slice %arg5[%dma_wait3A_685, %dma_wait3A_694] : memref<2x400xi32, #tpu.memory_space<vmem>> -> memref<1x400xi32, #tpu.memory_space<vmem>>
      %dma_wait3A_696 = tpu.memref_squeeze %dma_wait3A_695 : memref<1x400xi32, #tpu.memory_space<vmem>> -> memref<400xi32, #tpu.memory_space<vmem>>
      %dma_wait3A_697 = arith.constant 160 : i32
      %dma_wait3A_698 = tpu.memref_slice %dma_wait3A_696[%dma_wait3A_697] : memref<400xi32, #tpu.memory_space<vmem>> -> memref<80xi32, #tpu.memory_space<vmem>>
      %dma_wait3A_699 = arith.constant 0 : i32
      %dma_wait3A_700 = arith.constant 0 : i32
      %dma_wait3A_701 = tpu.memref_slice %arg2[%dma_wait3A_699, %dma_wait3A_700] : memref<100000x64xf32, #tpu.memory_space<hbm>> -> memref<100000x64xf32, #tpu.memory_space<hbm>>
      tpu.wait_indirect_dma semaphore(%arg7 : memref<!tpu.dma_semaphore, #tpu.memory_space<semaphore_mem>>) src(%dma_wait3A_701 : memref<100000x64xf32, #tpu.memory_space<hbm>>) dst(%dma_wait3A_693 : memref<80x64xf32, #tpu.memory_space<vmem>>)
      %dma_wait3A_702 = arith.constant 1 : i32
      %dma_wait3A_703 = arith.constant 1 : i32
      %dma_wait3A_704 = arith.constant 0 : i32
      %dma_wait3A_705 = arith.constant 0 : i32
      %dma_wait3A_706 = tpu.memref_slice %arg6[%dma_wait3A_703, %dma_wait3A_704, %dma_wait3A_705] : memref<2x400x64xf32, #tpu.memory_space<vmem>> -> memref<1x400x64xf32, #tpu.memory_space<vmem>>
      %dma_wait3A_707 = tpu.memref_squeeze %dma_wait3A_706 : memref<1x400x64xf32, #tpu.memory_space<vmem>> -> memref<400x64xf32, #tpu.memory_space<vmem>>
      %dma_wait3A_708 = arith.constant 240 : i32
      %dma_wait3A_709 = arith.constant 0 : i32
      %dma_wait3A_710 = tpu.memref_slice %dma_wait3A_707[%dma_wait3A_708, %dma_wait3A_709] : memref<400x64xf32, #tpu.memory_space<vmem>> -> memref<80x64xf32, #tpu.memory_space<vmem>>
      %dma_wait3A_711 = arith.constant 0 : i32
      %dma_wait3A_712 = tpu.memref_slice %arg5[%dma_wait3A_702, %dma_wait3A_711] : memref<2x400xi32, #tpu.memory_space<vmem>> -> memref<1x400xi32, #tpu.memory_space<vmem>>
      %dma_wait3A_713 = tpu.memref_squeeze %dma_wait3A_712 : memref<1x400xi32, #tpu.memory_space<vmem>> -> memref<400xi32, #tpu.memory_space<vmem>>
      %dma_wait3A_714 = arith.constant 240 : i32
      %dma_wait3A_715 = tpu.memref_slice %dma_wait3A_713[%dma_wait3A_714] : memref<400xi32, #tpu.memory_space<vmem>> -> memref<80xi32, #tpu.memory_space<vmem>>
      %dma_wait3A_716 = arith.constant 0 : i32
      %dma_wait3A_717 = arith.constant 0 : i32
      %dma_wait3A_718 = tpu.memref_slice %arg2[%dma_wait3A_716, %dma_wait3A_717] : memref<100000x64xf32, #tpu.memory_space<hbm>> -> memref<100000x64xf32, #tpu.memory_space<hbm>>
      tpu.wait_indirect_dma semaphore(%arg7 : memref<!tpu.dma_semaphore, #tpu.memory_space<semaphore_mem>>) src(%dma_wait3A_718 : memref<100000x64xf32, #tpu.memory_space<hbm>>) dst(%dma_wait3A_710 : memref<80x64xf32, #tpu.memory_space<vmem>>)
      %dma_wait3A_719 = arith.constant 1 : i32
      %dma_wait3A_720 = arith.constant 1 : i32
      %dma_wait3A_721 = arith.constant 0 : i32
      %dma_wait3A_722 = arith.constant 0 : i32
      %dma_wait3A_723 = tpu.memref_slice %arg6[%dma_wait3A_720, %dma_wait3A_721, %dma_wait3A_722] : memref<2x400x64xf32, #tpu.memory_space<vmem>> -> memref<1x400x64xf32, #tpu.memory_space<vmem>>
      %dma_wait3A_724 = tpu.memref_squeeze %dma_wait3A_723 : memref<1x400x64xf32, #tpu.memory_space<vmem>> -> memref<400x64xf32, #tpu.memory_space<vmem>>
      %dma_wait3A_725 = arith.constant 320 : i32
      %dma_wait3A_726 = arith.constant 0 : i32
      %dma_wait3A_727 = tpu.memref_slice %dma_wait3A_724[%dma_wait3A_725, %dma_wait3A_726] : memref<400x64xf32, #tpu.memory_space<vmem>> -> memref<80x64xf32, #tpu.memory_space<vmem>>
      %dma_wait3A_728 = arith.constant 0 : i32
      %dma_wait3A_729 = tpu.memref_slice %arg5[%dma_wait3A_719, %dma_wait3A_728] : memref<2x400xi32, #tpu.memory_space<vmem>> -> memref<1x400xi32, #tpu.memory_space<vmem>>
      %dma_wait3A_730 = tpu.memref_squeeze %dma_wait3A_729 : memref<1x400xi32, #tpu.memory_space<vmem>> -> memref<400xi32, #tpu.memory_space<vmem>>
      %dma_wait3A_731 = arith.constant 320 : i32
      %dma_wait3A_732 = tpu.memref_slice %dma_wait3A_730[%dma_wait3A_731] : memref<400xi32, #tpu.memory_space<vmem>> -> memref<80xi32, #tpu.memory_space<vmem>>
      %dma_wait3A_733 = arith.constant 0 : i32
      %dma_wait3A_734 = arith.constant 0 : i32
      %dma_wait3A_735 = tpu.memref_slice %arg2[%dma_wait3A_733, %dma_wait3A_734] : memref<100000x64xf32, #tpu.memory_space<hbm>> -> memref<100000x64xf32, #tpu.memory_space<hbm>>
      tpu.wait_indirect_dma semaphore(%arg7 : memref<!tpu.dma_semaphore, #tpu.memory_space<semaphore_mem>>) src(%dma_wait3A_735 : memref<100000x64xf32, #tpu.memory_space<hbm>>) dst(%dma_wait3A_727 : memref<80x64xf32, #tpu.memory_space<vmem>>)
      %mul3A_736 = arith.constant 8 : i32
      %mul3A_737 = arith.muli %add3A_638, %mul3A_736 : i32
      %add3A_738 = arith.addi %mul3A_4, %mul3A_737 : i32
      %add3A_739 = arith.constant 0 : i32
      %add3A_740 = arith.addi %add3A_738, %add3A_739 : i32
      %dma_start3A_741 = arith.constant 1 : i32
      %dma_start3A_742 = arith.constant 0 : i32
      %dma_start3A_743 = arith.constant 0 : i32
      %dma_start3A_744 = tpu.memref_slice %arg6[%dma_start3A_741, %dma_start3A_742, %dma_start3A_743] : memref<2x400x64xf32, #tpu.memory_space<vmem>> -> memref<1x400x64xf32, #tpu.memory_space<vmem>>
      %dma_start3A_745 = tpu.memref_squeeze %dma_start3A_744 : memref<1x400x64xf32, #tpu.memory_space<vmem>> -> memref<400x64xf32, #tpu.memory_space<vmem>>
      %dma_start3A_746 = arith.constant 0 : i32
      %dma_start3A_747 = arith.constant 0 : i32
      %dma_start3A_748 = tpu.memref_slice %dma_start3A_745[%dma_start3A_746, %dma_start3A_747] : memref<400x64xf32, #tpu.memory_space<vmem>> -> memref<50x64xf32, #tpu.memory_space<vmem>>
      %dma_start3A_749 = arith.constant 0 : i32
      %dma_start3A_750 = arith.constant 0 : i32
      %dma_start3A_751 = tpu.memref_slice %arg4[%add3A_740, %dma_start3A_749, %dma_start3A_750] : memref<16384x50x64xf32, #tpu.memory_space<hbm>> -> memref<1x50x64xf32, #tpu.memory_space<hbm>>
      %dma_start3A_752 = tpu.memref_squeeze %dma_start3A_751 : memref<1x50x64xf32, #tpu.memory_space<hbm>> -> memref<50x64xf32, #tpu.memory_space<hbm>>
      %dma_start3A_753 = arith.constant 0 : i32
      %dma_start3A_754 = arith.constant 0 : i32
      %dma_start3A_755 = tpu.memref_slice %arg4[%add3A_740, %dma_start3A_753, %dma_start3A_754] : memref<16384x50x64xf32, #tpu.memory_space<hbm>> -> memref<1x50x64xf32, #tpu.memory_space<hbm>>
      %dma_start3A_756 = tpu.memref_squeeze %dma_start3A_755 : memref<1x50x64xf32, #tpu.memory_space<hbm>> -> memref<50x64xf32, #tpu.memory_space<hbm>>
      %dma_start3A_757 = arith.constant 0 : i32
      %dma_start3A_758 = arith.constant 0 : i32
      %dma_start3A_759 = tpu.memref_slice %arg6[%dma_start3A_741, %dma_start3A_757, %dma_start3A_758] : memref<2x400x64xf32, #tpu.memory_space<vmem>> -> memref<1x400x64xf32, #tpu.memory_space<vmem>>
      %dma_start3A_760 = tpu.memref_squeeze %dma_start3A_759 : memref<1x400x64xf32, #tpu.memory_space<vmem>> -> memref<400x64xf32, #tpu.memory_space<vmem>>
      %dma_start3A_761 = arith.constant 0 : i32
      %dma_start3A_762 = arith.constant 0 : i32
      %dma_start3A_763 = tpu.memref_slice %dma_start3A_760[%dma_start3A_761, %dma_start3A_762] : memref<400x64xf32, #tpu.memory_space<vmem>> -> memref<50x64xf32, #tpu.memory_space<vmem>>
      tpu.enqueue_dma source(%dma_start3A_763 : memref<50x64xf32, #tpu.memory_space<vmem>>) target(%dma_start3A_756 : memref<50x64xf32, #tpu.memory_space<hbm>>) target_semaphore(%arg8 : memref<!tpu.dma_semaphore, #tpu.memory_space<semaphore_mem>>)
      %mul3A_764 = arith.constant 8 : i32
      %mul3A_765 = arith.muli %add3A_638, %mul3A_764 : i32
      %add3A_766 = arith.addi %mul3A_4, %mul3A_765 : i32
      %add3A_767 = arith.constant 1 : i32
      %add3A_768 = arith.addi %add3A_766, %add3A_767 : i32
      %dma_start3A_769 = arith.constant 1 : i32
      %dma_start3A_770 = arith.constant 0 : i32
      %dma_start3A_771 = arith.constant 0 : i32
      %dma_start3A_772 = tpu.memref_slice %arg6[%dma_start3A_769, %dma_start3A_770, %dma_start3A_771] : memref<2x400x64xf32, #tpu.memory_space<vmem>> -> memref<1x400x64xf32, #tpu.memory_space<vmem>>
      %dma_start3A_773 = tpu.memref_squeeze %dma_start3A_772 : memref<1x400x64xf32, #tpu.memory_space<vmem>> -> memref<400x64xf32, #tpu.memory_space<vmem>>
      %dma_start3A_774 = arith.constant 50 : i32
      %dma_start3A_775 = arith.constant 0 : i32
      %dma_start3A_776 = tpu.memref_slice %dma_start3A_773[%dma_start3A_774, %dma_start3A_775] : memref<400x64xf32, #tpu.memory_space<vmem>> -> memref<50x64xf32, #tpu.memory_space<vmem>>
      %dma_start3A_777 = arith.constant 0 : i32
      %dma_start3A_778 = arith.constant 0 : i32
      %dma_start3A_779 = tpu.memref_slice %arg4[%add3A_768, %dma_start3A_777, %dma_start3A_778] : memref<16384x50x64xf32, #tpu.memory_space<hbm>> -> memref<1x50x64xf32, #tpu.memory_space<hbm>>
      %dma_start3A_780 = tpu.memref_squeeze %dma_start3A_779 : memref<1x50x64xf32, #tpu.memory_space<hbm>> -> memref<50x64xf32, #tpu.memory_space<hbm>>
      %dma_start3A_781 = arith.constant 0 : i32
      %dma_start3A_782 = arith.constant 0 : i32
      %dma_start3A_783 = tpu.memref_slice %arg4[%add3A_768, %dma_start3A_781, %dma_start3A_782] : memref<16384x50x64xf32, #tpu.memory_space<hbm>> -> memref<1x50x64xf32, #tpu.memory_space<hbm>>
      %dma_start3A_784 = tpu.memref_squeeze %dma_start3A_783 : memref<1x50x64xf32, #tpu.memory_space<hbm>> -> memref<50x64xf32, #tpu.memory_space<hbm>>
      %dma_start3A_785 = arith.constant 0 : i32
      %dma_start3A_786 = arith.constant 0 : i32
      %dma_start3A_787 = tpu.memref_slice %arg6[%dma_start3A_769, %dma_start3A_785, %dma_start3A_786] : memref<2x400x64xf32, #tpu.memory_space<vmem>> -> memref<1x400x64xf32, #tpu.memory_space<vmem>>
      %dma_start3A_788 = tpu.memref_squeeze %dma_start3A_787 : memref<1x400x64xf32, #tpu.memory_space<vmem>> -> memref<400x64xf32, #tpu.memory_space<vmem>>
      %dma_start3A_789 = arith.constant 50 : i32
      %dma_start3A_790 = arith.constant 0 : i32
      %dma_start3A_791 = tpu.memref_slice %dma_start3A_788[%dma_start3A_789, %dma_start3A_790] : memref<400x64xf32, #tpu.memory_space<vmem>> -> memref<50x64xf32, #tpu.memory_space<vmem>>
      tpu.enqueue_dma source(%dma_start3A_791 : memref<50x64xf32, #tpu.memory_space<vmem>>) target(%dma_start3A_784 : memref<50x64xf32, #tpu.memory_space<hbm>>) target_semaphore(%arg8 : memref<!tpu.dma_semaphore, #tpu.memory_space<semaphore_mem>>)
      %mul3A_792 = arith.constant 8 : i32
      %mul3A_793 = arith.muli %add3A_638, %mul3A_792 : i32
      %add3A_794 = arith.addi %mul3A_4, %mul3A_793 : i32
      %add3A_795 = arith.constant 2 : i32
      %add3A_796 = arith.addi %add3A_794, %add3A_795 : i32
      %dma_start3A_797 = arith.constant 1 : i32
      %dma_start3A_798 = arith.constant 0 : i32
      %dma_start3A_799 = arith.constant 0 : i32
      %dma_start3A_800 = tpu.memref_slice %arg6[%dma_start3A_797, %dma_start3A_798, %dma_start3A_799] : memref<2x400x64xf32, #tpu.memory_space<vmem>> -> memref<1x400x64xf32, #tpu.memory_space<vmem>>
      %dma_start3A_801 = tpu.memref_squeeze %dma_start3A_800 : memref<1x400x64xf32, #tpu.memory_space<vmem>> -> memref<400x64xf32, #tpu.memory_space<vmem>>
      %dma_start3A_802 = arith.constant 100 : i32
      %dma_start3A_803 = arith.constant 0 : i32
      %dma_start3A_804 = tpu.memref_slice %dma_start3A_801[%dma_start3A_802, %dma_start3A_803] : memref<400x64xf32, #tpu.memory_space<vmem>> -> memref<50x64xf32, #tpu.memory_space<vmem>>
      %dma_start3A_805 = arith.constant 0 : i32
      %dma_start3A_806 = arith.constant 0 : i32
      %dma_start3A_807 = tpu.memref_slice %arg4[%add3A_796, %dma_start3A_805, %dma_start3A_806] : memref<16384x50x64xf32, #tpu.memory_space<hbm>> -> memref<1x50x64xf32, #tpu.memory_space<hbm>>
      %dma_start3A_808 = tpu.memref_squeeze %dma_start3A_807 : memref<1x50x64xf32, #tpu.memory_space<hbm>> -> memref<50x64xf32, #tpu.memory_space<hbm>>
      %dma_start3A_809 = arith.constant 0 : i32
      %dma_start3A_810 = arith.constant 0 : i32
      %dma_start3A_811 = tpu.memref_slice %arg4[%add3A_796, %dma_start3A_809, %dma_start3A_810] : memref<16384x50x64xf32, #tpu.memory_space<hbm>> -> memref<1x50x64xf32, #tpu.memory_space<hbm>>
      %dma_start3A_812 = tpu.memref_squeeze %dma_start3A_811 : memref<1x50x64xf32, #tpu.memory_space<hbm>> -> memref<50x64xf32, #tpu.memory_space<hbm>>
      %dma_start3A_813 = arith.constant 0 : i32
      %dma_start3A_814 = arith.constant 0 : i32
      %dma_start3A_815 = tpu.memref_slice %arg6[%dma_start3A_797, %dma_start3A_813, %dma_start3A_814] : memref<2x400x64xf32, #tpu.memory_space<vmem>> -> memref<1x400x64xf32, #tpu.memory_space<vmem>>
      %dma_start3A_816 = tpu.memref_squeeze %dma_start3A_815 : memref<1x400x64xf32, #tpu.memory_space<vmem>> -> memref<400x64xf32, #tpu.memory_space<vmem>>
      %dma_start3A_817 = arith.constant 100 : i32
      %dma_start3A_818 = arith.constant 0 : i32
      %dma_start3A_819 = tpu.memref_slice %dma_start3A_816[%dma_start3A_817, %dma_start3A_818] : memref<400x64xf32, #tpu.memory_space<vmem>> -> memref<50x64xf32, #tpu.memory_space<vmem>>
      tpu.enqueue_dma source(%dma_start3A_819 : memref<50x64xf32, #tpu.memory_space<vmem>>) target(%dma_start3A_812 : memref<50x64xf32, #tpu.memory_space<hbm>>) target_semaphore(%arg8 : memref<!tpu.dma_semaphore, #tpu.memory_space<semaphore_mem>>)
      %mul3A_820 = arith.constant 8 : i32
      %mul3A_821 = arith.muli %add3A_638, %mul3A_820 : i32
      %add3A_822 = arith.addi %mul3A_4, %mul3A_821 : i32
      %add3A_823 = arith.constant 3 : i32
      %add3A_824 = arith.addi %add3A_822, %add3A_823 : i32
      %dma_start3A_825 = arith.constant 1 : i32
      %dma_start3A_826 = arith.constant 0 : i32
      %dma_start3A_827 = arith.constant 0 : i32
      %dma_start3A_828 = tpu.memref_slice %arg6[%dma_start3A_825, %dma_start3A_826, %dma_start3A_827] : memref<2x400x64xf32, #tpu.memory_space<vmem>> -> memref<1x400x64xf32, #tpu.memory_space<vmem>>
      %dma_start3A_829 = tpu.memref_squeeze %dma_start3A_828 : memref<1x400x64xf32, #tpu.memory_space<vmem>> -> memref<400x64xf32, #tpu.memory_space<vmem>>
      %dma_start3A_830 = arith.constant 150 : i32
      %dma_start3A_831 = arith.constant 0 : i32
      %dma_start3A_832 = tpu.memref_slice %dma_start3A_829[%dma_start3A_830, %dma_start3A_831] : memref<400x64xf32, #tpu.memory_space<vmem>> -> memref<50x64xf32, #tpu.memory_space<vmem>>
      %dma_start3A_833 = arith.constant 0 : i32
      %dma_start3A_834 = arith.constant 0 : i32
      %dma_start3A_835 = tpu.memref_slice %arg4[%add3A_824, %dma_start3A_833, %dma_start3A_834] : memref<16384x50x64xf32, #tpu.memory_space<hbm>> -> memref<1x50x64xf32, #tpu.memory_space<hbm>>
      %dma_start3A_836 = tpu.memref_squeeze %dma_start3A_835 : memref<1x50x64xf32, #tpu.memory_space<hbm>> -> memref<50x64xf32, #tpu.memory_space<hbm>>
      %dma_start3A_837 = arith.constant 0 : i32
      %dma_start3A_838 = arith.constant 0 : i32
      %dma_start3A_839 = tpu.memref_slice %arg4[%add3A_824, %dma_start3A_837, %dma_start3A_838] : memref<16384x50x64xf32, #tpu.memory_space<hbm>> -> memref<1x50x64xf32, #tpu.memory_space<hbm>>
      %dma_start3A_840 = tpu.memref_squeeze %dma_start3A_839 : memref<1x50x64xf32, #tpu.memory_space<hbm>> -> memref<50x64xf32, #tpu.memory_space<hbm>>
      %dma_start3A_841 = arith.constant 0 : i32
      %dma_start3A_842 = arith.constant 0 : i32
      %dma_start3A_843 = tpu.memref_slice %arg6[%dma_start3A_825, %dma_start3A_841, %dma_start3A_842] : memref<2x400x64xf32, #tpu.memory_space<vmem>> -> memref<1x400x64xf32, #tpu.memory_space<vmem>>
      %dma_start3A_844 = tpu.memref_squeeze %dma_start3A_843 : memref<1x400x64xf32, #tpu.memory_space<vmem>> -> memref<400x64xf32, #tpu.memory_space<vmem>>
      %dma_start3A_845 = arith.constant 150 : i32
      %dma_start3A_846 = arith.constant 0 : i32
      %dma_start3A_847 = tpu.memref_slice %dma_start3A_844[%dma_start3A_845, %dma_start3A_846] : memref<400x64xf32, #tpu.memory_space<vmem>> -> memref<50x64xf32, #tpu.memory_space<vmem>>
      tpu.enqueue_dma source(%dma_start3A_847 : memref<50x64xf32, #tpu.memory_space<vmem>>) target(%dma_start3A_840 : memref<50x64xf32, #tpu.memory_space<hbm>>) target_semaphore(%arg8 : memref<!tpu.dma_semaphore, #tpu.memory_space<semaphore_mem>>)
      %mul3A_848 = arith.constant 8 : i32
      %mul3A_849 = arith.muli %add3A_638, %mul3A_848 : i32
      %add3A_850 = arith.addi %mul3A_4, %mul3A_849 : i32
      %add3A_851 = arith.constant 4 : i32
      %add3A_852 = arith.addi %add3A_850, %add3A_851 : i32
      %dma_start3A_853 = arith.constant 1 : i32
      %dma_start3A_854 = arith.constant 0 : i32
      %dma_start3A_855 = arith.constant 0 : i32
      %dma_start3A_856 = tpu.memref_slice %arg6[%dma_start3A_853, %dma_start3A_854, %dma_start3A_855] : memref<2x400x64xf32, #tpu.memory_space<vmem>> -> memref<1x400x64xf32, #tpu.memory_space<vmem>>
      %dma_start3A_857 = tpu.memref_squeeze %dma_start3A_856 : memref<1x400x64xf32, #tpu.memory_space<vmem>> -> memref<400x64xf32, #tpu.memory_space<vmem>>
      %dma_start3A_858 = arith.constant 200 : i32
      %dma_start3A_859 = arith.constant 0 : i32
      %dma_start3A_860 = tpu.memref_slice %dma_start3A_857[%dma_start3A_858, %dma_start3A_859] : memref<400x64xf32, #tpu.memory_space<vmem>> -> memref<50x64xf32, #tpu.memory_space<vmem>>
      %dma_start3A_861 = arith.constant 0 : i32
      %dma_start3A_862 = arith.constant 0 : i32
      %dma_start3A_863 = tpu.memref_slice %arg4[%add3A_852, %dma_start3A_861, %dma_start3A_862] : memref<16384x50x64xf32, #tpu.memory_space<hbm>> -> memref<1x50x64xf32, #tpu.memory_space<hbm>>
      %dma_start3A_864 = tpu.memref_squeeze %dma_start3A_863 : memref<1x50x64xf32, #tpu.memory_space<hbm>> -> memref<50x64xf32, #tpu.memory_space<hbm>>
      %dma_start3A_865 = arith.constant 0 : i32
      %dma_start3A_866 = arith.constant 0 : i32
      %dma_start3A_867 = tpu.memref_slice %arg4[%add3A_852, %dma_start3A_865, %dma_start3A_866] : memref<16384x50x64xf32, #tpu.memory_space<hbm>> -> memref<1x50x64xf32, #tpu.memory_space<hbm>>
      %dma_start3A_868 = tpu.memref_squeeze %dma_start3A_867 : memref<1x50x64xf32, #tpu.memory_space<hbm>> -> memref<50x64xf32, #tpu.memory_space<hbm>>
      %dma_start3A_869 = arith.constant 0 : i32
      %dma_start3A_870 = arith.constant 0 : i32
      %dma_start3A_871 = tpu.memref_slice %arg6[%dma_start3A_853, %dma_start3A_869, %dma_start3A_870] : memref<2x400x64xf32, #tpu.memory_space<vmem>> -> memref<1x400x64xf32, #tpu.memory_space<vmem>>
      %dma_start3A_872 = tpu.memref_squeeze %dma_start3A_871 : memref<1x400x64xf32, #tpu.memory_space<vmem>> -> memref<400x64xf32, #tpu.memory_space<vmem>>
      %dma_start3A_873 = arith.constant 200 : i32
      %dma_start3A_874 = arith.constant 0 : i32
      %dma_start3A_875 = tpu.memref_slice %dma_start3A_872[%dma_start3A_873, %dma_start3A_874] : memref<400x64xf32, #tpu.memory_space<vmem>> -> memref<50x64xf32, #tpu.memory_space<vmem>>
      tpu.enqueue_dma source(%dma_start3A_875 : memref<50x64xf32, #tpu.memory_space<vmem>>) target(%dma_start3A_868 : memref<50x64xf32, #tpu.memory_space<hbm>>) target_semaphore(%arg8 : memref<!tpu.dma_semaphore, #tpu.memory_space<semaphore_mem>>)
      %mul3A_876 = arith.constant 8 : i32
      %mul3A_877 = arith.muli %add3A_638, %mul3A_876 : i32
      %add3A_878 = arith.addi %mul3A_4, %mul3A_877 : i32
      %add3A_879 = arith.constant 5 : i32
      %add3A_880 = arith.addi %add3A_878, %add3A_879 : i32
      %dma_start3A_881 = arith.constant 1 : i32
      %dma_start3A_882 = arith.constant 0 : i32
      %dma_start3A_883 = arith.constant 0 : i32
      %dma_start3A_884 = tpu.memref_slice %arg6[%dma_start3A_881, %dma_start3A_882, %dma_start3A_883] : memref<2x400x64xf32, #tpu.memory_space<vmem>> -> memref<1x400x64xf32, #tpu.memory_space<vmem>>
      %dma_start3A_885 = tpu.memref_squeeze %dma_start3A_884 : memref<1x400x64xf32, #tpu.memory_space<vmem>> -> memref<400x64xf32, #tpu.memory_space<vmem>>
      %dma_start3A_886 = arith.constant 250 : i32
      %dma_start3A_887 = arith.constant 0 : i32
      %dma_start3A_888 = tpu.memref_slice %dma_start3A_885[%dma_start3A_886, %dma_start3A_887] : memref<400x64xf32, #tpu.memory_space<vmem>> -> memref<50x64xf32, #tpu.memory_space<vmem>>
      %dma_start3A_889 = arith.constant 0 : i32
      %dma_start3A_890 = arith.constant 0 : i32
      %dma_start3A_891 = tpu.memref_slice %arg4[%add3A_880, %dma_start3A_889, %dma_start3A_890] : memref<16384x50x64xf32, #tpu.memory_space<hbm>> -> memref<1x50x64xf32, #tpu.memory_space<hbm>>
      %dma_start3A_892 = tpu.memref_squeeze %dma_start3A_891 : memref<1x50x64xf32, #tpu.memory_space<hbm>> -> memref<50x64xf32, #tpu.memory_space<hbm>>
      %dma_start3A_893 = arith.constant 0 : i32
      %dma_start3A_894 = arith.constant 0 : i32
      %dma_start3A_895 = tpu.memref_slice %arg4[%add3A_880, %dma_start3A_893, %dma_start3A_894] : memref<16384x50x64xf32, #tpu.memory_space<hbm>> -> memref<1x50x64xf32, #tpu.memory_space<hbm>>
      %dma_start3A_896 = tpu.memref_squeeze %dma_start3A_895 : memref<1x50x64xf32, #tpu.memory_space<hbm>> -> memref<50x64xf32, #tpu.memory_space<hbm>>
      %dma_start3A_897 = arith.constant 0 : i32
      %dma_start3A_898 = arith.constant 0 : i32
      %dma_start3A_899 = tpu.memref_slice %arg6[%dma_start3A_881, %dma_start3A_897, %dma_start3A_898] : memref<2x400x64xf32, #tpu.memory_space<vmem>> -> memref<1x400x64xf32, #tpu.memory_space<vmem>>
      %dma_start3A_900 = tpu.memref_squeeze %dma_start3A_899 : memref<1x400x64xf32, #tpu.memory_space<vmem>> -> memref<400x64xf32, #tpu.memory_space<vmem>>
      %dma_start3A_901 = arith.constant 250 : i32
      %dma_start3A_902 = arith.constant 0 : i32
      %dma_start3A_903 = tpu.memref_slice %dma_start3A_900[%dma_start3A_901, %dma_start3A_902] : memref<400x64xf32, #tpu.memory_space<vmem>> -> memref<50x64xf32, #tpu.memory_space<vmem>>
      tpu.enqueue_dma source(%dma_start3A_903 : memref<50x64xf32, #tpu.memory_space<vmem>>) target(%dma_start3A_896 : memref<50x64xf32, #tpu.memory_space<hbm>>) target_semaphore(%arg8 : memref<!tpu.dma_semaphore, #tpu.memory_space<semaphore_mem>>)
      %mul3A_904 = arith.constant 8 : i32
      %mul3A_905 = arith.muli %add3A_638, %mul3A_904 : i32
      %add3A_906 = arith.addi %mul3A_4, %mul3A_905 : i32
      %add3A_907 = arith.constant 6 : i32
      %add3A_908 = arith.addi %add3A_906, %add3A_907 : i32
      %dma_start3A_909 = arith.constant 1 : i32
      %dma_start3A_910 = arith.constant 0 : i32
      %dma_start3A_911 = arith.constant 0 : i32
      %dma_start3A_912 = tpu.memref_slice %arg6[%dma_start3A_909, %dma_start3A_910, %dma_start3A_911] : memref<2x400x64xf32, #tpu.memory_space<vmem>> -> memref<1x400x64xf32, #tpu.memory_space<vmem>>
      %dma_start3A_913 = tpu.memref_squeeze %dma_start3A_912 : memref<1x400x64xf32, #tpu.memory_space<vmem>> -> memref<400x64xf32, #tpu.memory_space<vmem>>
      %dma_start3A_914 = arith.constant 300 : i32
      %dma_start3A_915 = arith.constant 0 : i32
      %dma_start3A_916 = tpu.memref_slice %dma_start3A_913[%dma_start3A_914, %dma_start3A_915] : memref<400x64xf32, #tpu.memory_space<vmem>> -> memref<50x64xf32, #tpu.memory_space<vmem>>
      %dma_start3A_917 = arith.constant 0 : i32
      %dma_start3A_918 = arith.constant 0 : i32
      %dma_start3A_919 = tpu.memref_slice %arg4[%add3A_908, %dma_start3A_917, %dma_start3A_918] : memref<16384x50x64xf32, #tpu.memory_space<hbm>> -> memref<1x50x64xf32, #tpu.memory_space<hbm>>
      %dma_start3A_920 = tpu.memref_squeeze %dma_start3A_919 : memref<1x50x64xf32, #tpu.memory_space<hbm>> -> memref<50x64xf32, #tpu.memory_space<hbm>>
      %dma_start3A_921 = arith.constant 0 : i32
      %dma_start3A_922 = arith.constant 0 : i32
      %dma_start3A_923 = tpu.memref_slice %arg4[%add3A_908, %dma_start3A_921, %dma_start3A_922] : memref<16384x50x64xf32, #tpu.memory_space<hbm>> -> memref<1x50x64xf32, #tpu.memory_space<hbm>>
      %dma_start3A_924 = tpu.memref_squeeze %dma_start3A_923 : memref<1x50x64xf32, #tpu.memory_space<hbm>> -> memref<50x64xf32, #tpu.memory_space<hbm>>
      %dma_start3A_925 = arith.constant 0 : i32
      %dma_start3A_926 = arith.constant 0 : i32
      %dma_start3A_927 = tpu.memref_slice %arg6[%dma_start3A_909, %dma_start3A_925, %dma_start3A_926] : memref<2x400x64xf32, #tpu.memory_space<vmem>> -> memref<1x400x64xf32, #tpu.memory_space<vmem>>
      %dma_start3A_928 = tpu.memref_squeeze %dma_start3A_927 : memref<1x400x64xf32, #tpu.memory_space<vmem>> -> memref<400x64xf32, #tpu.memory_space<vmem>>
      %dma_start3A_929 = arith.constant 300 : i32
      %dma_start3A_930 = arith.constant 0 : i32
      %dma_start3A_931 = tpu.memref_slice %dma_start3A_928[%dma_start3A_929, %dma_start3A_930] : memref<400x64xf32, #tpu.memory_space<vmem>> -> memref<50x64xf32, #tpu.memory_space<vmem>>
      tpu.enqueue_dma source(%dma_start3A_931 : memref<50x64xf32, #tpu.memory_space<vmem>>) target(%dma_start3A_924 : memref<50x64xf32, #tpu.memory_space<hbm>>) target_semaphore(%arg8 : memref<!tpu.dma_semaphore, #tpu.memory_space<semaphore_mem>>)
      %mul3A_932 = arith.constant 8 : i32
      %mul3A_933 = arith.muli %add3A_638, %mul3A_932 : i32
      %add3A_934 = arith.addi %mul3A_4, %mul3A_933 : i32
      %add3A_935 = arith.constant 7 : i32
      %add3A_936 = arith.addi %add3A_934, %add3A_935 : i32
      %dma_start3A_937 = arith.constant 1 : i32
      %dma_start3A_938 = arith.constant 0 : i32
      %dma_start3A_939 = arith.constant 0 : i32
      %dma_start3A_940 = tpu.memref_slice %arg6[%dma_start3A_937, %dma_start3A_938, %dma_start3A_939] : memref<2x400x64xf32, #tpu.memory_space<vmem>> -> memref<1x400x64xf32, #tpu.memory_space<vmem>>
      %dma_start3A_941 = tpu.memref_squeeze %dma_start3A_940 : memref<1x400x64xf32, #tpu.memory_space<vmem>> -> memref<400x64xf32, #tpu.memory_space<vmem>>
      %dma_start3A_942 = arith.constant 350 : i32
      %dma_start3A_943 = arith.constant 0 : i32
      %dma_start3A_944 = tpu.memref_slice %dma_start3A_941[%dma_start3A_942, %dma_start3A_943] : memref<400x64xf32, #tpu.memory_space<vmem>> -> memref<50x64xf32, #tpu.memory_space<vmem>>
      %dma_start3A_945 = arith.constant 0 : i32
      %dma_start3A_946 = arith.constant 0 : i32
      %dma_start3A_947 = tpu.memref_slice %arg4[%add3A_936, %dma_start3A_945, %dma_start3A_946] : memref<16384x50x64xf32, #tpu.memory_space<hbm>> -> memref<1x50x64xf32, #tpu.memory_space<hbm>>
      %dma_start3A_948 = tpu.memref_squeeze %dma_start3A_947 : memref<1x50x64xf32, #tpu.memory_space<hbm>> -> memref<50x64xf32, #tpu.memory_space<hbm>>
      %dma_start3A_949 = arith.constant 0 : i32
      %dma_start3A_950 = arith.constant 0 : i32
      %dma_start3A_951 = tpu.memref_slice %arg4[%add3A_936, %dma_start3A_949, %dma_start3A_950] : memref<16384x50x64xf32, #tpu.memory_space<hbm>> -> memref<1x50x64xf32, #tpu.memory_space<hbm>>
      %dma_start3A_952 = tpu.memref_squeeze %dma_start3A_951 : memref<1x50x64xf32, #tpu.memory_space<hbm>> -> memref<50x64xf32, #tpu.memory_space<hbm>>
      %dma_start3A_953 = arith.constant 0 : i32
      %dma_start3A_954 = arith.constant 0 : i32
      %dma_start3A_955 = tpu.memref_slice %arg6[%dma_start3A_937, %dma_start3A_953, %dma_start3A_954] : memref<2x400x64xf32, #tpu.memory_space<vmem>> -> memref<1x400x64xf32, #tpu.memory_space<vmem>>
      %dma_start3A_956 = tpu.memref_squeeze %dma_start3A_955 : memref<1x400x64xf32, #tpu.memory_space<vmem>> -> memref<400x64xf32, #tpu.memory_space<vmem>>
      %dma_start3A_957 = arith.constant 350 : i32
      %dma_start3A_958 = arith.constant 0 : i32
      %dma_start3A_959 = tpu.memref_slice %dma_start3A_956[%dma_start3A_957, %dma_start3A_958] : memref<400x64xf32, #tpu.memory_space<vmem>> -> memref<50x64xf32, #tpu.memory_space<vmem>>
      tpu.enqueue_dma source(%dma_start3A_959 : memref<50x64xf32, #tpu.memory_space<vmem>>) target(%dma_start3A_952 : memref<50x64xf32, #tpu.memory_space<hbm>>) target_semaphore(%arg8 : memref<!tpu.dma_semaphore, #tpu.memory_space<semaphore_mem>>)
      %scan3A_960 = arith.constant 0 : i32
      scf.yield %scan3A_960 : i32
    }
    %scan3A_96 = arith.constant 32 : i32
    %add3A_97 = arith.constant 504 : i32
    %add3A_98 = arith.addi %mul3A_4, %add3A_97 : i32
    %add3A_99 = arith.constant 0 : i32
    %add3A_100 = arith.addi %add3A_98, %add3A_99 : i32
    %add3A_101 = arith.constant 504 : i32
    %add3A_102 = arith.addi %mul3A_4, %add3A_101 : i32
    %add3A_103 = arith.constant 1 : i32
    %add3A_104 = arith.addi %add3A_102, %add3A_103 : i32
    %add3A_105 = arith.constant 504 : i32
    %add3A_106 = arith.addi %mul3A_4, %add3A_105 : i32
    %add3A_107 = arith.constant 2 : i32
    %add3A_108 = arith.addi %add3A_106, %add3A_107 : i32
    %add3A_109 = arith.constant 504 : i32
    %add3A_110 = arith.addi %mul3A_4, %add3A_109 : i32
    %add3A_111 = arith.constant 3 : i32
    %add3A_112 = arith.addi %add3A_110, %add3A_111 : i32
    %add3A_113 = arith.constant 504 : i32
    %add3A_114 = arith.addi %mul3A_4, %add3A_113 : i32
    %add3A_115 = arith.constant 4 : i32
    %add3A_116 = arith.addi %add3A_114, %add3A_115 : i32
    %add3A_117 = arith.constant 504 : i32
    %add3A_118 = arith.addi %mul3A_4, %add3A_117 : i32
    %add3A_119 = arith.constant 5 : i32
    %add3A_120 = arith.addi %add3A_118, %add3A_119 : i32
    %add3A_121 = arith.constant 504 : i32
    %add3A_122 = arith.addi %mul3A_4, %add3A_121 : i32
    %add3A_123 = arith.constant 6 : i32
    %add3A_124 = arith.addi %add3A_122, %add3A_123 : i32
    %add3A_125 = arith.constant 504 : i32
    %add3A_126 = arith.addi %mul3A_4, %add3A_125 : i32
    %add3A_127 = arith.constant 7 : i32
    %add3A_128 = arith.addi %add3A_126, %add3A_127 : i32
    %dma_wait3A = arith.constant 1 : i32
    %dma_wait3A_129 = arith.constant 0 : i32
    %dma_wait3A_130 = arith.constant 0 : i32
    %dma_wait3A_131 = tpu.memref_slice %arg6[%dma_wait3A, %dma_wait3A_129, %dma_wait3A_130] : memref<2x400x64xf32, #tpu.memory_space<vmem>> -> memref<1x400x64xf32, #tpu.memory_space<vmem>>
    %dma_wait3A_132 = tpu.memref_squeeze %dma_wait3A_131 : memref<1x400x64xf32, #tpu.memory_space<vmem>> -> memref<400x64xf32, #tpu.memory_space<vmem>>
    %dma_wait3A_133 = arith.constant 0 : i32
    %dma_wait3A_134 = arith.constant 0 : i32
    %dma_wait3A_135 = tpu.memref_slice %dma_wait3A_132[%dma_wait3A_133, %dma_wait3A_134] : memref<400x64xf32, #tpu.memory_space<vmem>> -> memref<50x64xf32, #tpu.memory_space<vmem>>
    %dma_wait3A_136 = arith.constant 0 : i32
    %dma_wait3A_137 = arith.constant 0 : i32
    %dma_wait3A_138 = tpu.memref_slice %arg4[%add3A_100, %dma_wait3A_136, %dma_wait3A_137] : memref<16384x50x64xf32, #tpu.memory_space<hbm>> -> memref<1x50x64xf32, #tpu.memory_space<hbm>>
    %dma_wait3A_139 = tpu.memref_squeeze %dma_wait3A_138 : memref<1x50x64xf32, #tpu.memory_space<hbm>> -> memref<50x64xf32, #tpu.memory_space<hbm>>
    %dma_wait3A_140 = arith.constant 0 : i32
    %dma_wait3A_141 = arith.constant 0 : i32
    %dma_wait3A_142 = tpu.memref_slice %arg4[%add3A_100, %dma_wait3A_140, %dma_wait3A_141] : memref<16384x50x64xf32, #tpu.memory_space<hbm>> -> memref<1x50x64xf32, #tpu.memory_space<hbm>>
    %dma_wait3A_143 = tpu.memref_squeeze %dma_wait3A_142 : memref<1x50x64xf32, #tpu.memory_space<hbm>> -> memref<50x64xf32, #tpu.memory_space<hbm>>
    %dma_wait3A_144 = arith.constant 0 : i32
    %dma_wait3A_145 = arith.constant 0 : i32
    %dma_wait3A_146 = tpu.memref_slice %arg6[%dma_wait3A, %dma_wait3A_144, %dma_wait3A_145] : memref<2x400x64xf32, #tpu.memory_space<vmem>> -> memref<1x400x64xf32, #tpu.memory_space<vmem>>
    %dma_wait3A_147 = tpu.memref_squeeze %dma_wait3A_146 : memref<1x400x64xf32, #tpu.memory_space<vmem>> -> memref<400x64xf32, #tpu.memory_space<vmem>>
    %dma_wait3A_148 = arith.constant 0 : i32
    %dma_wait3A_149 = arith.constant 0 : i32
    %dma_wait3A_150 = tpu.memref_slice %dma_wait3A_147[%dma_wait3A_148, %dma_wait3A_149] : memref<400x64xf32, #tpu.memory_space<vmem>> -> memref<50x64xf32, #tpu.memory_space<vmem>>
    tpu.wait_dma2 semaphore(%arg8 : memref<!tpu.dma_semaphore, #tpu.memory_space<semaphore_mem>>) src(%dma_wait3A_150 : memref<50x64xf32, #tpu.memory_space<vmem>>) dst(%dma_wait3A_143 : memref<50x64xf32, #tpu.memory_space<hbm>>)
    %dma_wait3A_151 = arith.constant 1 : i32
    %dma_wait3A_152 = arith.constant 0 : i32
    %dma_wait3A_153 = arith.constant 0 : i32
    %dma_wait3A_154 = tpu.memref_slice %arg6[%dma_wait3A_151, %dma_wait3A_152, %dma_wait3A_153] : memref<2x400x64xf32, #tpu.memory_space<vmem>> -> memref<1x400x64xf32, #tpu.memory_space<vmem>>
    %dma_wait3A_155 = tpu.memref_squeeze %dma_wait3A_154 : memref<1x400x64xf32, #tpu.memory_space<vmem>> -> memref<400x64xf32, #tpu.memory_space<vmem>>
    %dma_wait3A_156 = arith.constant 50 : i32
    %dma_wait3A_157 = arith.constant 0 : i32
    %dma_wait3A_158 = tpu.memref_slice %dma_wait3A_155[%dma_wait3A_156, %dma_wait3A_157] : memref<400x64xf32, #tpu.memory_space<vmem>> -> memref<50x64xf32, #tpu.memory_space<vmem>>
    %dma_wait3A_159 = arith.constant 0 : i32
    %dma_wait3A_160 = arith.constant 0 : i32
    %dma_wait3A_161 = tpu.memref_slice %arg4[%add3A_104, %dma_wait3A_159, %dma_wait3A_160] : memref<16384x50x64xf32, #tpu.memory_space<hbm>> -> memref<1x50x64xf32, #tpu.memory_space<hbm>>
    %dma_wait3A_162 = tpu.memref_squeeze %dma_wait3A_161 : memref<1x50x64xf32, #tpu.memory_space<hbm>> -> memref<50x64xf32, #tpu.memory_space<hbm>>
    %dma_wait3A_163 = arith.constant 0 : i32
    %dma_wait3A_164 = arith.constant 0 : i32
    %dma_wait3A_165 = tpu.memref_slice %arg4[%add3A_104, %dma_wait3A_163, %dma_wait3A_164] : memref<16384x50x64xf32, #tpu.memory_space<hbm>> -> memref<1x50x64xf32, #tpu.memory_space<hbm>>
    %dma_wait3A_166 = tpu.memref_squeeze %dma_wait3A_165 : memref<1x50x64xf32, #tpu.memory_space<hbm>> -> memref<50x64xf32, #tpu.memory_space<hbm>>
    %dma_wait3A_167 = arith.constant 0 : i32
    %dma_wait3A_168 = arith.constant 0 : i32
    %dma_wait3A_169 = tpu.memref_slice %arg6[%dma_wait3A_151, %dma_wait3A_167, %dma_wait3A_168] : memref<2x400x64xf32, #tpu.memory_space<vmem>> -> memref<1x400x64xf32, #tpu.memory_space<vmem>>
    %dma_wait3A_170 = tpu.memref_squeeze %dma_wait3A_169 : memref<1x400x64xf32, #tpu.memory_space<vmem>> -> memref<400x64xf32, #tpu.memory_space<vmem>>
    %dma_wait3A_171 = arith.constant 50 : i32
    %dma_wait3A_172 = arith.constant 0 : i32
    %dma_wait3A_173 = tpu.memref_slice %dma_wait3A_170[%dma_wait3A_171, %dma_wait3A_172] : memref<400x64xf32, #tpu.memory_space<vmem>> -> memref<50x64xf32, #tpu.memory_space<vmem>>
    tpu.wait_dma2 semaphore(%arg8 : memref<!tpu.dma_semaphore, #tpu.memory_space<semaphore_mem>>) src(%dma_wait3A_173 : memref<50x64xf32, #tpu.memory_space<vmem>>) dst(%dma_wait3A_166 : memref<50x64xf32, #tpu.memory_space<hbm>>)
    %dma_wait3A_174 = arith.constant 1 : i32
    %dma_wait3A_175 = arith.constant 0 : i32
    %dma_wait3A_176 = arith.constant 0 : i32
    %dma_wait3A_177 = tpu.memref_slice %arg6[%dma_wait3A_174, %dma_wait3A_175, %dma_wait3A_176] : memref<2x400x64xf32, #tpu.memory_space<vmem>> -> memref<1x400x64xf32, #tpu.memory_space<vmem>>
    %dma_wait3A_178 = tpu.memref_squeeze %dma_wait3A_177 : memref<1x400x64xf32, #tpu.memory_space<vmem>> -> memref<400x64xf32, #tpu.memory_space<vmem>>
    %dma_wait3A_179 = arith.constant 100 : i32
    %dma_wait3A_180 = arith.constant 0 : i32
    %dma_wait3A_181 = tpu.memref_slice %dma_wait3A_178[%dma_wait3A_179, %dma_wait3A_180] : memref<400x64xf32, #tpu.memory_space<vmem>> -> memref<50x64xf32, #tpu.memory_space<vmem>>
    %dma_wait3A_182 = arith.constant 0 : i32
    %dma_wait3A_183 = arith.constant 0 : i32
    %dma_wait3A_184 = tpu.memref_slice %arg4[%add3A_108, %dma_wait3A_182, %dma_wait3A_183] : memref<16384x50x64xf32, #tpu.memory_space<hbm>> -> memref<1x50x64xf32, #tpu.memory_space<hbm>>
    %dma_wait3A_185 = tpu.memref_squeeze %dma_wait3A_184 : memref<1x50x64xf32, #tpu.memory_space<hbm>> -> memref<50x64xf32, #tpu.memory_space<hbm>>
    %dma_wait3A_186 = arith.constant 0 : i32
    %dma_wait3A_187 = arith.constant 0 : i32
    %dma_wait3A_188 = tpu.memref_slice %arg4[%add3A_108, %dma_wait3A_186, %dma_wait3A_187] : memref<16384x50x64xf32, #tpu.memory_space<hbm>> -> memref<1x50x64xf32, #tpu.memory_space<hbm>>
    %dma_wait3A_189 = tpu.memref_squeeze %dma_wait3A_188 : memref<1x50x64xf32, #tpu.memory_space<hbm>> -> memref<50x64xf32, #tpu.memory_space<hbm>>
    %dma_wait3A_190 = arith.constant 0 : i32
    %dma_wait3A_191 = arith.constant 0 : i32
    %dma_wait3A_192 = tpu.memref_slice %arg6[%dma_wait3A_174, %dma_wait3A_190, %dma_wait3A_191] : memref<2x400x64xf32, #tpu.memory_space<vmem>> -> memref<1x400x64xf32, #tpu.memory_space<vmem>>
    %dma_wait3A_193 = tpu.memref_squeeze %dma_wait3A_192 : memref<1x400x64xf32, #tpu.memory_space<vmem>> -> memref<400x64xf32, #tpu.memory_space<vmem>>
    %dma_wait3A_194 = arith.constant 100 : i32
    %dma_wait3A_195 = arith.constant 0 : i32
    %dma_wait3A_196 = tpu.memref_slice %dma_wait3A_193[%dma_wait3A_194, %dma_wait3A_195] : memref<400x64xf32, #tpu.memory_space<vmem>> -> memref<50x64xf32, #tpu.memory_space<vmem>>
    tpu.wait_dma2 semaphore(%arg8 : memref<!tpu.dma_semaphore, #tpu.memory_space<semaphore_mem>>) src(%dma_wait3A_196 : memref<50x64xf32, #tpu.memory_space<vmem>>) dst(%dma_wait3A_189 : memref<50x64xf32, #tpu.memory_space<hbm>>)
    %dma_wait3A_197 = arith.constant 1 : i32
    %dma_wait3A_198 = arith.constant 0 : i32
    %dma_wait3A_199 = arith.constant 0 : i32
    %dma_wait3A_200 = tpu.memref_slice %arg6[%dma_wait3A_197, %dma_wait3A_198, %dma_wait3A_199] : memref<2x400x64xf32, #tpu.memory_space<vmem>> -> memref<1x400x64xf32, #tpu.memory_space<vmem>>
    %dma_wait3A_201 = tpu.memref_squeeze %dma_wait3A_200 : memref<1x400x64xf32, #tpu.memory_space<vmem>> -> memref<400x64xf32, #tpu.memory_space<vmem>>
    %dma_wait3A_202 = arith.constant 150 : i32
    %dma_wait3A_203 = arith.constant 0 : i32
    %dma_wait3A_204 = tpu.memref_slice %dma_wait3A_201[%dma_wait3A_202, %dma_wait3A_203] : memref<400x64xf32, #tpu.memory_space<vmem>> -> memref<50x64xf32, #tpu.memory_space<vmem>>
    %dma_wait3A_205 = arith.constant 0 : i32
    %dma_wait3A_206 = arith.constant 0 : i32
    %dma_wait3A_207 = tpu.memref_slice %arg4[%add3A_112, %dma_wait3A_205, %dma_wait3A_206] : memref<16384x50x64xf32, #tpu.memory_space<hbm>> -> memref<1x50x64xf32, #tpu.memory_space<hbm>>
    %dma_wait3A_208 = tpu.memref_squeeze %dma_wait3A_207 : memref<1x50x64xf32, #tpu.memory_space<hbm>> -> memref<50x64xf32, #tpu.memory_space<hbm>>
    %dma_wait3A_209 = arith.constant 0 : i32
    %dma_wait3A_210 = arith.constant 0 : i32
    %dma_wait3A_211 = tpu.memref_slice %arg4[%add3A_112, %dma_wait3A_209, %dma_wait3A_210] : memref<16384x50x64xf32, #tpu.memory_space<hbm>> -> memref<1x50x64xf32, #tpu.memory_space<hbm>>
    %dma_wait3A_212 = tpu.memref_squeeze %dma_wait3A_211 : memref<1x50x64xf32, #tpu.memory_space<hbm>> -> memref<50x64xf32, #tpu.memory_space<hbm>>
    %dma_wait3A_213 = arith.constant 0 : i32
    %dma_wait3A_214 = arith.constant 0 : i32
    %dma_wait3A_215 = tpu.memref_slice %arg6[%dma_wait3A_197, %dma_wait3A_213, %dma_wait3A_214] : memref<2x400x64xf32, #tpu.memory_space<vmem>> -> memref<1x400x64xf32, #tpu.memory_space<vmem>>
    %dma_wait3A_216 = tpu.memref_squeeze %dma_wait3A_215 : memref<1x400x64xf32, #tpu.memory_space<vmem>> -> memref<400x64xf32, #tpu.memory_space<vmem>>
    %dma_wait3A_217 = arith.constant 150 : i32
    %dma_wait3A_218 = arith.constant 0 : i32
    %dma_wait3A_219 = tpu.memref_slice %dma_wait3A_216[%dma_wait3A_217, %dma_wait3A_218] : memref<400x64xf32, #tpu.memory_space<vmem>> -> memref<50x64xf32, #tpu.memory_space<vmem>>
    tpu.wait_dma2 semaphore(%arg8 : memref<!tpu.dma_semaphore, #tpu.memory_space<semaphore_mem>>) src(%dma_wait3A_219 : memref<50x64xf32, #tpu.memory_space<vmem>>) dst(%dma_wait3A_212 : memref<50x64xf32, #tpu.memory_space<hbm>>)
    %dma_wait3A_220 = arith.constant 1 : i32
    %dma_wait3A_221 = arith.constant 0 : i32
    %dma_wait3A_222 = arith.constant 0 : i32
    %dma_wait3A_223 = tpu.memref_slice %arg6[%dma_wait3A_220, %dma_wait3A_221, %dma_wait3A_222] : memref<2x400x64xf32, #tpu.memory_space<vmem>> -> memref<1x400x64xf32, #tpu.memory_space<vmem>>
    %dma_wait3A_224 = tpu.memref_squeeze %dma_wait3A_223 : memref<1x400x64xf32, #tpu.memory_space<vmem>> -> memref<400x64xf32, #tpu.memory_space<vmem>>
    %dma_wait3A_225 = arith.constant 200 : i32
    %dma_wait3A_226 = arith.constant 0 : i32
    %dma_wait3A_227 = tpu.memref_slice %dma_wait3A_224[%dma_wait3A_225, %dma_wait3A_226] : memref<400x64xf32, #tpu.memory_space<vmem>> -> memref<50x64xf32, #tpu.memory_space<vmem>>
    %dma_wait3A_228 = arith.constant 0 : i32
    %dma_wait3A_229 = arith.constant 0 : i32
    %dma_wait3A_230 = tpu.memref_slice %arg4[%add3A_116, %dma_wait3A_228, %dma_wait3A_229] : memref<16384x50x64xf32, #tpu.memory_space<hbm>> -> memref<1x50x64xf32, #tpu.memory_space<hbm>>
    %dma_wait3A_231 = tpu.memref_squeeze %dma_wait3A_230 : memref<1x50x64xf32, #tpu.memory_space<hbm>> -> memref<50x64xf32, #tpu.memory_space<hbm>>
    %dma_wait3A_232 = arith.constant 0 : i32
    %dma_wait3A_233 = arith.constant 0 : i32
    %dma_wait3A_234 = tpu.memref_slice %arg4[%add3A_116, %dma_wait3A_232, %dma_wait3A_233] : memref<16384x50x64xf32, #tpu.memory_space<hbm>> -> memref<1x50x64xf32, #tpu.memory_space<hbm>>
    %dma_wait3A_235 = tpu.memref_squeeze %dma_wait3A_234 : memref<1x50x64xf32, #tpu.memory_space<hbm>> -> memref<50x64xf32, #tpu.memory_space<hbm>>
    %dma_wait3A_236 = arith.constant 0 : i32
    %dma_wait3A_237 = arith.constant 0 : i32
    %dma_wait3A_238 = tpu.memref_slice %arg6[%dma_wait3A_220, %dma_wait3A_236, %dma_wait3A_237] : memref<2x400x64xf32, #tpu.memory_space<vmem>> -> memref<1x400x64xf32, #tpu.memory_space<vmem>>
    %dma_wait3A_239 = tpu.memref_squeeze %dma_wait3A_238 : memref<1x400x64xf32, #tpu.memory_space<vmem>> -> memref<400x64xf32, #tpu.memory_space<vmem>>
    %dma_wait3A_240 = arith.constant 200 : i32
    %dma_wait3A_241 = arith.constant 0 : i32
    %dma_wait3A_242 = tpu.memref_slice %dma_wait3A_239[%dma_wait3A_240, %dma_wait3A_241] : memref<400x64xf32, #tpu.memory_space<vmem>> -> memref<50x64xf32, #tpu.memory_space<vmem>>
    tpu.wait_dma2 semaphore(%arg8 : memref<!tpu.dma_semaphore, #tpu.memory_space<semaphore_mem>>) src(%dma_wait3A_242 : memref<50x64xf32, #tpu.memory_space<vmem>>) dst(%dma_wait3A_235 : memref<50x64xf32, #tpu.memory_space<hbm>>)
    %dma_wait3A_243 = arith.constant 1 : i32
    %dma_wait3A_244 = arith.constant 0 : i32
    %dma_wait3A_245 = arith.constant 0 : i32
    %dma_wait3A_246 = tpu.memref_slice %arg6[%dma_wait3A_243, %dma_wait3A_244, %dma_wait3A_245] : memref<2x400x64xf32, #tpu.memory_space<vmem>> -> memref<1x400x64xf32, #tpu.memory_space<vmem>>
    %dma_wait3A_247 = tpu.memref_squeeze %dma_wait3A_246 : memref<1x400x64xf32, #tpu.memory_space<vmem>> -> memref<400x64xf32, #tpu.memory_space<vmem>>
    %dma_wait3A_248 = arith.constant 250 : i32
    %dma_wait3A_249 = arith.constant 0 : i32
    %dma_wait3A_250 = tpu.memref_slice %dma_wait3A_247[%dma_wait3A_248, %dma_wait3A_249] : memref<400x64xf32, #tpu.memory_space<vmem>> -> memref<50x64xf32, #tpu.memory_space<vmem>>
    %dma_wait3A_251 = arith.constant 0 : i32
    %dma_wait3A_252 = arith.constant 0 : i32
    %dma_wait3A_253 = tpu.memref_slice %arg4[%add3A_120, %dma_wait3A_251, %dma_wait3A_252] : memref<16384x50x64xf32, #tpu.memory_space<hbm>> -> memref<1x50x64xf32, #tpu.memory_space<hbm>>
    %dma_wait3A_254 = tpu.memref_squeeze %dma_wait3A_253 : memref<1x50x64xf32, #tpu.memory_space<hbm>> -> memref<50x64xf32, #tpu.memory_space<hbm>>
    %dma_wait3A_255 = arith.constant 0 : i32
    %dma_wait3A_256 = arith.constant 0 : i32
    %dma_wait3A_257 = tpu.memref_slice %arg4[%add3A_120, %dma_wait3A_255, %dma_wait3A_256] : memref<16384x50x64xf32, #tpu.memory_space<hbm>> -> memref<1x50x64xf32, #tpu.memory_space<hbm>>
    %dma_wait3A_258 = tpu.memref_squeeze %dma_wait3A_257 : memref<1x50x64xf32, #tpu.memory_space<hbm>> -> memref<50x64xf32, #tpu.memory_space<hbm>>
    %dma_wait3A_259 = arith.constant 0 : i32
    %dma_wait3A_260 = arith.constant 0 : i32
    %dma_wait3A_261 = tpu.memref_slice %arg6[%dma_wait3A_243, %dma_wait3A_259, %dma_wait3A_260] : memref<2x400x64xf32, #tpu.memory_space<vmem>> -> memref<1x400x64xf32, #tpu.memory_space<vmem>>
    %dma_wait3A_262 = tpu.memref_squeeze %dma_wait3A_261 : memref<1x400x64xf32, #tpu.memory_space<vmem>> -> memref<400x64xf32, #tpu.memory_space<vmem>>
    %dma_wait3A_263 = arith.constant 250 : i32
    %dma_wait3A_264 = arith.constant 0 : i32
    %dma_wait3A_265 = tpu.memref_slice %dma_wait3A_262[%dma_wait3A_263, %dma_wait3A_264] : memref<400x64xf32, #tpu.memory_space<vmem>> -> memref<50x64xf32, #tpu.memory_space<vmem>>
    tpu.wait_dma2 semaphore(%arg8 : memref<!tpu.dma_semaphore, #tpu.memory_space<semaphore_mem>>) src(%dma_wait3A_265 : memref<50x64xf32, #tpu.memory_space<vmem>>) dst(%dma_wait3A_258 : memref<50x64xf32, #tpu.memory_space<hbm>>)
    %dma_wait3A_266 = arith.constant 1 : i32
    %dma_wait3A_267 = arith.constant 0 : i32
    %dma_wait3A_268 = arith.constant 0 : i32
    %dma_wait3A_269 = tpu.memref_slice %arg6[%dma_wait3A_266, %dma_wait3A_267, %dma_wait3A_268] : memref<2x400x64xf32, #tpu.memory_space<vmem>> -> memref<1x400x64xf32, #tpu.memory_space<vmem>>
    %dma_wait3A_270 = tpu.memref_squeeze %dma_wait3A_269 : memref<1x400x64xf32, #tpu.memory_space<vmem>> -> memref<400x64xf32, #tpu.memory_space<vmem>>
    %dma_wait3A_271 = arith.constant 300 : i32
    %dma_wait3A_272 = arith.constant 0 : i32
    %dma_wait3A_273 = tpu.memref_slice %dma_wait3A_270[%dma_wait3A_271, %dma_wait3A_272] : memref<400x64xf32, #tpu.memory_space<vmem>> -> memref<50x64xf32, #tpu.memory_space<vmem>>
    %dma_wait3A_274 = arith.constant 0 : i32
    %dma_wait3A_275 = arith.constant 0 : i32
    %dma_wait3A_276 = tpu.memref_slice %arg4[%add3A_124, %dma_wait3A_274, %dma_wait3A_275] : memref<16384x50x64xf32, #tpu.memory_space<hbm>> -> memref<1x50x64xf32, #tpu.memory_space<hbm>>
    %dma_wait3A_277 = tpu.memref_squeeze %dma_wait3A_276 : memref<1x50x64xf32, #tpu.memory_space<hbm>> -> memref<50x64xf32, #tpu.memory_space<hbm>>
    %dma_wait3A_278 = arith.constant 0 : i32
    %dma_wait3A_279 = arith.constant 0 : i32
    %dma_wait3A_280 = tpu.memref_slice %arg4[%add3A_124, %dma_wait3A_278, %dma_wait3A_279] : memref<16384x50x64xf32, #tpu.memory_space<hbm>> -> memref<1x50x64xf32, #tpu.memory_space<hbm>>
    %dma_wait3A_281 = tpu.memref_squeeze %dma_wait3A_280 : memref<1x50x64xf32, #tpu.memory_space<hbm>> -> memref<50x64xf32, #tpu.memory_space<hbm>>
    %dma_wait3A_282 = arith.constant 0 : i32
    %dma_wait3A_283 = arith.constant 0 : i32
    %dma_wait3A_284 = tpu.memref_slice %arg6[%dma_wait3A_266, %dma_wait3A_282, %dma_wait3A_283] : memref<2x400x64xf32, #tpu.memory_space<vmem>> -> memref<1x400x64xf32, #tpu.memory_space<vmem>>
    %dma_wait3A_285 = tpu.memref_squeeze %dma_wait3A_284 : memref<1x400x64xf32, #tpu.memory_space<vmem>> -> memref<400x64xf32, #tpu.memory_space<vmem>>
    %dma_wait3A_286 = arith.constant 300 : i32
    %dma_wait3A_287 = arith.constant 0 : i32
    %dma_wait3A_288 = tpu.memref_slice %dma_wait3A_285[%dma_wait3A_286, %dma_wait3A_287] : memref<400x64xf32, #tpu.memory_space<vmem>> -> memref<50x64xf32, #tpu.memory_space<vmem>>
    tpu.wait_dma2 semaphore(%arg8 : memref<!tpu.dma_semaphore, #tpu.memory_space<semaphore_mem>>) src(%dma_wait3A_288 : memref<50x64xf32, #tpu.memory_space<vmem>>) dst(%dma_wait3A_281 : memref<50x64xf32, #tpu.memory_space<hbm>>)
    %dma_wait3A_289 = arith.constant 1 : i32
    %dma_wait3A_290 = arith.constant 0 : i32
    %dma_wait3A_291 = arith.constant 0 : i32
    %dma_wait3A_292 = tpu.memref_slice %arg6[%dma_wait3A_289, %dma_wait3A_290, %dma_wait3A_291] : memref<2x400x64xf32, #tpu.memory_space<vmem>> -> memref<1x400x64xf32, #tpu.memory_space<vmem>>
    %dma_wait3A_293 = tpu.memref_squeeze %dma_wait3A_292 : memref<1x400x64xf32, #tpu.memory_space<vmem>> -> memref<400x64xf32, #tpu.memory_space<vmem>>
    %dma_wait3A_294 = arith.constant 350 : i32
    %dma_wait3A_295 = arith.constant 0 : i32
    %dma_wait3A_296 = tpu.memref_slice %dma_wait3A_293[%dma_wait3A_294, %dma_wait3A_295] : memref<400x64xf32, #tpu.memory_space<vmem>> -> memref<50x64xf32, #tpu.memory_space<vmem>>
    %dma_wait3A_297 = arith.constant 0 : i32
    %dma_wait3A_298 = arith.constant 0 : i32
    %dma_wait3A_299 = tpu.memref_slice %arg4[%add3A_128, %dma_wait3A_297, %dma_wait3A_298] : memref<16384x50x64xf32, #tpu.memory_space<hbm>> -> memref<1x50x64xf32, #tpu.memory_space<hbm>>
    %dma_wait3A_300 = tpu.memref_squeeze %dma_wait3A_299 : memref<1x50x64xf32, #tpu.memory_space<hbm>> -> memref<50x64xf32, #tpu.memory_space<hbm>>
    %dma_wait3A_301 = arith.constant 0 : i32
    %dma_wait3A_302 = arith.constant 0 : i32
    %dma_wait3A_303 = tpu.memref_slice %arg4[%add3A_128, %dma_wait3A_301, %dma_wait3A_302] : memref<16384x50x64xf32, #tpu.memory_space<hbm>> -> memref<1x50x64xf32, #tpu.memory_space<hbm>>
    %dma_wait3A_304 = tpu.memref_squeeze %dma_wait3A_303 : memref<1x50x64xf32, #tpu.memory_space<hbm>> -> memref<50x64xf32, #tpu.memory_space<hbm>>
    %dma_wait3A_305 = arith.constant 0 : i32
    %dma_wait3A_306 = arith.constant 0 : i32
    %dma_wait3A_307 = tpu.memref_slice %arg6[%dma_wait3A_289, %dma_wait3A_305, %dma_wait3A_306] : memref<2x400x64xf32, #tpu.memory_space<vmem>> -> memref<1x400x64xf32, #tpu.memory_space<vmem>>
    %dma_wait3A_308 = tpu.memref_squeeze %dma_wait3A_307 : memref<1x400x64xf32, #tpu.memory_space<vmem>> -> memref<400x64xf32, #tpu.memory_space<vmem>>
    %dma_wait3A_309 = arith.constant 350 : i32
    %dma_wait3A_310 = arith.constant 0 : i32
    %dma_wait3A_311 = tpu.memref_slice %dma_wait3A_308[%dma_wait3A_309, %dma_wait3A_310] : memref<400x64xf32, #tpu.memory_space<vmem>> -> memref<50x64xf32, #tpu.memory_space<vmem>>
    tpu.wait_dma2 semaphore(%arg8 : memref<!tpu.dma_semaphore, #tpu.memory_space<semaphore_mem>>) src(%dma_wait3A_311 : memref<50x64xf32, #tpu.memory_space<vmem>>) dst(%dma_wait3A_304 : memref<50x64xf32, #tpu.memory_space<hbm>>)
    return
  }
}

module attributes {stable_mosaic.version = 14 : i64} {
  func.func @_ln_table_body(%arg0: i32, %arg1: memref<1000x64xf32, #tpu.memory_space<vmem>>, %arg2: memref<1x64xf32, #tpu.memory_space<vmem>>, %arg3: memref<1x64xf32, #tpu.memory_space<vmem>>, %arg4: memref<1000x64xf32, #tpu.memory_space<vmem>>) attributes {dimension_semantics = [#tpu.dimension_semantics<arbitrary>], iteration_bounds = array<i64: 100>, scalar_prefetch = 0 : i64, scratch_operands = 0 : i64, tpu.core_type = #tpu.core_type<tc>, window_params = [{transform_indices = @transform_0, window_bounds = array<i64: 1000, 64>}, {pipeline_mode = #tpu.pipeline_mode<synchronous>, transform_indices = @transform_1, window_bounds = array<i64: 1, 64>}, {pipeline_mode = #tpu.pipeline_mode<synchronous>, transform_indices = @transform_2, window_bounds = array<i64: 1, 64>}, {transform_indices = @transform_3, window_bounds = array<i64: 1000, 64>}]} {
    %get3A = arith.constant 0 : index
    %get3A_0 = arith.constant 0 : index
    %get3A_1 = vector.load %arg1[%get3A, %get3A_0] : memref<1000x64xf32, #tpu.memory_space<vmem>>, vector<1000x64xf32>
    %reduce_sum3A = arith.constant dense<0.000000e+00> : vector<1000xf32>
    %reduce_sum3A_2 = vector.multi_reduction <add>, %get3A_1, %reduce_sum3A [1] : vector<1000x64xf32> to vector<1000xf32>
    %broadcast_in_dim3A = vector.shape_cast %reduce_sum3A_2 : vector<1000xf32> to vector<1000x1xf32>
    %div3A = arith.constant 6.400000e+01 : f32
    %div3A_3 = vector.broadcast %div3A : f32 to vector<1000x1xf32>
    %div3A_4 = arith.divf %broadcast_in_dim3A, %div3A_3 : vector<1000x1xf32>
    %sub3A = vector.broadcast %div3A_4 : vector<1000x1xf32> to vector<1000x64xf32>
    %sub3A_5 = arith.subf %get3A_1, %sub3A : vector<1000x64xf32>
    %sub3A_6 = vector.broadcast %div3A_4 : vector<1000x1xf32> to vector<1000x64xf32>
    %sub3A_7 = arith.subf %get3A_1, %sub3A_6 : vector<1000x64xf32>
    %mul3A = arith.mulf %sub3A_5, %sub3A_7 : vector<1000x64xf32>
    %reduce_sum3A_8 = arith.constant dense<0.000000e+00> : vector<1000xf32>
    %reduce_sum3A_9 = vector.multi_reduction <add>, %mul3A, %reduce_sum3A_8 [1] : vector<1000x64xf32> to vector<1000xf32>
    %broadcast_in_dim3A_10 = vector.shape_cast %reduce_sum3A_9 : vector<1000xf32> to vector<1000x1xf32>
    %div3A_11 = arith.constant 6.400000e+01 : f32
    %div3A_12 = vector.broadcast %div3A_11 : f32 to vector<1000x1xf32>
    %div3A_13 = arith.divf %broadcast_in_dim3A_10, %div3A_12 : vector<1000x1xf32>
    %sub3A_14 = vector.broadcast %div3A_4 : vector<1000x1xf32> to vector<1000x64xf32>
    %sub3A_15 = arith.subf %get3A_1, %sub3A_14 : vector<1000x64xf32>
    %add3A = arith.constant 9.99999974E-6 : f32
    %add3A_16 = vector.broadcast %add3A : f32 to vector<1000x1xf32>
    %add3A_17 = arith.addf %div3A_13, %add3A_16 : vector<1000x1xf32>
    %rsqrt3A = math.rsqrt %add3A_17 : vector<1000x1xf32>
    %mul3A_18 = vector.broadcast %rsqrt3A : vector<1000x1xf32> to vector<1000x64xf32>
    %mul3A_19 = arith.mulf %sub3A_15, %mul3A_18 : vector<1000x64xf32>
    %get3A_20 = arith.constant 0 : index
    %get3A_21 = arith.constant 0 : index
    %get3A_22 = vector.load %arg2[%get3A_20, %get3A_21] : memref<1x64xf32, #tpu.memory_space<vmem>>, vector<1x64xf32>
    %mul3A_23 = vector.broadcast %get3A_22 : vector<1x64xf32> to vector<1000x64xf32>
    %mul3A_24 = arith.mulf %mul3A_19, %mul3A_23 : vector<1000x64xf32>
    %get3A_25 = arith.constant 0 : index
    %get3A_26 = arith.constant 0 : index
    %get3A_27 = vector.load %arg3[%get3A_25, %get3A_26] : memref<1x64xf32, #tpu.memory_space<vmem>>, vector<1x64xf32>
    %add3A_28 = vector.broadcast %get3A_27 : vector<1x64xf32> to vector<1000x64xf32>
    %add3A_29 = arith.addf %mul3A_24, %add3A_28 : vector<1000x64xf32>
    %swap3A = arith.constant 0 : index
    %swap3A_30 = arith.constant 0 : index
    %swap3A_31 = vector.load %arg4[%swap3A, %swap3A_30] : memref<1000x64xf32, #tpu.memory_space<vmem>>, vector<1000x64xf32>
    tpu.vector_store %arg4[%swap3A, %swap3A_30], %add3A_29 {strides = array<i32>} : memref<1000x64xf32, #tpu.memory_space<vmem>>, vector<1000x64xf32>,
    return
  }
  func.func @transform_0(%arg0: i32) -> (i32, i32) {
    %c0_i32 = arith.constant 0 : i32
    %c0_i32_0 = arith.constant 0 : i32
    return %arg0, %c0_i32 : i32, i32
  }
  func.func @transform_1(%arg0: i32) -> (i32, i32) {
    %c0_i32 = arith.constant 0 : i32
    %c0_i32_0 = arith.constant 0 : i32
    %c0_i32_1 = arith.constant 0 : i32
    return %c0_i32, %c0_i32_0 : i32, i32
  }
  func.func @transform_2(%arg0: i32) -> (i32, i32) {
    %c0_i32 = arith.constant 0 : i32
    %c0_i32_0 = arith.constant 0 : i32
    %c0_i32_1 = arith.constant 0 : i32
    return %c0_i32, %c0_i32_0 : i32, i32
  }
  func.func @transform_3(%arg0: i32) -> (i32, i32) {
    %c0_i32 = arith.constant 0 : i32
    %c0_i32_0 = arith.constant 0 : i32
    return %arg0, %c0_i32 : i32, i32
  }
}

</mosaic_0001>

<sc_bundles>
// kernel: _run.4.cloned.1.call-start
scs
__scs_entry_jumppad:
0x0: {  	(pc) =	sbr.rel $0x88, $3  }
0x1: {  	(tag) =	ssettag $0x0;
	lr =	simm.s32 $0x1  }
0x2: {  	[smem:$0x3F9D] =	sst lr;
	_ =	strace $0xD0000000  }
0x3: {  	_ = 	snop  }
0x4: {  	_ = 	snop  }
0x5: {  	_ = 	snop  }
0x6: {  	_ = 	snop  }
0x7: {  	_ = 	snop  }
__scs_overlays_trampoline_lowered:
0x8: {  	[smem:$0x3FAC] =	sst s0  }
0x9: {  	[smem:$0x3FAD] =	sst s1  }
0xa: {  	[smem:$0x3FAE] =	sst s2  }
0xb: {  	[smem:$0x3FAF] =	sst s3  }
0xc: {  	[smem:$0x3FB0] =	sst s4  }
0xd: {  	[smem:$0x3FB1] =	sst s5  }
0xe: {  	[smem:$0x3FB2] =	sst s6  }
0xf: {  	[smem:$0x3FB3] =	sst s7  }
0x10: {  	[smem:$0x3FB4] =	sst s8  }
0x11: {  	[smem:$0x3FB5] =	sst s9;
	s0 =	simm.s32 @!p0 $0x0  }
0x12: {  	s1 =	sld [smem:$0x3F9B];
	s0 =	simm.s32 @p0 $0x1  }
0x13: {  	[smem:$0x3FB6] =	sst s0;
	s0 =	simm.s32 @!p1 $0x0  }
0x14: {  	s2 =	sld [smem:$0x3F9A];
	s0 =	simm.s32 @p1 $0x1  }
0x15: {  	[smem:$0x3FB7] =	sst s0;
	s0 =	simm.s32 @!p2 $0x0  }
0x16: {  	s3 =	sld [smem:$0x3FDB];
	s0 =	simm.s32 @p2 $0x1  }
0x17: {  	s4 =	simm.s32 $0x1BF5;
	[smem:$0x3FB9] =	sst s0  }
0x18: {  	s0 =	sld [smem:$0x3F9C];
	_ =	swait.ge [sflag:s4], $0x0  }
0x19: {  	s7 =	sld [smem:$0x3F9D]  }
0x1a: {  	s8 =	sadd.s32 $0xFFFFE003, lr  }
0x1b: {  	s9 =	sadd.s32 $0xFFFFFEF7, lr;
	s5 =	simm.s32 $0xFFFFFFFF;
	p2 =	slt.u32 s8, $0xFFFFF086  }
0x1c: {  	p1 =	slt.u32 s9, $0xF7A;
	s5 =	simm.s32 @!p2 $0x0  }
0x1d: {  	s5 =	simm.s32 @p1 $0x1;
	p0 =	seq.s32 s7, s2  }
0x1e: {  	s7 =	smul.u32 @!p0 $0xF7A, s2;
	p2 =	seq.s32 @!p0 s5, $0x0  }
0x1f: {  	s9 =	smul.u32 $0xF7A, s1;
	s8 =	simm.s32 @!p0 $0x1BF5;
	p2 =	por !p2, p0  }
0x20: {  	[sflag:s8] =	ssyncset.s32 @!p0 $0xFFFFF086;
	s6 =	sadd.s32 @!p0 s3, s7;
	s7 =	simm.s32 @!p0 $0x108  }
0x21: {  	s3 =	sadd.s32 s3, s9;
	s6 =	sadd.s32 @!p0 $0x88, s6;
	s7 =	simm.s32 @p2 $0x1082  }
0x22: {  	[simem:s7], [sflag:s8] =	dma.local @!p0 [hbm:s6], $0xF7A  }
0x23: {  	s9 =	sor.u32 $0xD0000000, s2;
	s6 =	simm.s32 $0x108;
	_ =	swait.ge @!p0 [sflag:s8], $0x0  }
0x24: {  	s3 =	sadd.s32 $0x88, s3;
	s6 =	simm.s32 @!p1 $0x1082;
	[sflag:s4] =	ssyncset.s32 $0xFFFFF086  }
0x25: {  	[simem:s6], [sflag:s4] =	dma.local [hbm:s3], $0xF7A  }
0x26: {  	[smem:$0x3F9D] =	sst s1;
	(tag) =	ssettag s2;
	_ =	strace s9  }
0x27: {  	s1 =	sld [smem:$0x3FAD]  }
0x28: {  	s2 =	sld [smem:$0x3FAE]  }
0x29: {  	s4 =	sld [smem:$0x3FB0]  }
0x2a: {  	p0 =	seq.s32 s5, $0x0;
	s5 =	sld [smem:$0x3FB1]  }
0x2b: {  	s6 =	sld [smem:$0x3FB2]  }
0x2c: {  	s7 =	sld [smem:$0x3FB3]  }
0x2d: {  	s3 =	simm.s32 $0x108;
	s8 =	sld [smem:$0x3FB4]  }
0x2e: {  	s3 =	simm.s32 @!p0 $0x1082;
	s9 =	sld [smem:$0x3FB5]  }
0x2f: {  	lr =	sadd.s32 s0, s3;
	s0 =	sld [smem:$0x3FAC]  }
0x30: {  	s3 =	sld [smem:$0x3FAF]  }
0x31: {  	[smem:$0x3FB8] =	sst s10  }
0x32: {  	s10 =	sld [smem:$0x3FB6];
	_ =	sdelay $0x3  }
0x33: {  	p0 =	seq.s32 s10, $0x1;
	s10 =	sld [smem:$0x3FB8];
	_ =	sdelay $0x3  }
0x34: {  	[smem:$0x3FB8] =	sst s10  }
0x35: {  	s10 =	sld [smem:$0x3FB7];
	_ =	sdelay $0x3  }
0x36: {  	p1 =	seq.s32 s10, $0x1;
	s10 =	sld [smem:$0x3FB8];
	_ =	sdelay $0x3  }
0x37: {  	[smem:$0x3FB8] =	sst s10  }
0x38: {  	s10 =	sld [smem:$0x3FB9]  }
0x39: {  	_ = 	snop;
	(pc) =	sbr.ind lr, $3  }
0x3a: {  	_ = 	snop  }
0x3b: {  	_ = 	snop  }
0x3c: {  	p2 =	seq.s32 s10, $0x1;
	s10 =	sld [smem:$0x3FB8]  }
0x3d: {  	_ =	shalt  }
0x3e: {  	_ =	shalt  }
0x3f: {  	_ =	shalt  }
0x40: {  	_ =	shalt  }
0x41: {  	_ =	shalt  }
0x42: {  	_ =	shalt  }
0x43: {  	_ =	shalt  }
0x44: {  	_ =	shalt  }
0x45: {  	_ =	shalt  }
0x46: {  	_ =	shalt  }
0x47: {  	_ =	shalt  }
0x48: {  	_ =	shalt  }
0x49: {  	_ =	shalt  }
0x4a: {  	_ =	shalt  }
0x4b: {  	_ =	shalt  }
0x4c: {  	_ =	shalt  }
0x4d: {  	_ =	shalt  }
0x4e: {  	_ =	shalt  }
0x4f: {  	_ =	shalt  }
0x50: {  	_ =	shalt  }
0x51: {  	_ =	shalt  }
0x52: {  	_ =	shalt  }
0x53: {  	_ =	shalt  }
0x54: {  	_ =	shalt  }
0x55: {  	_ =	shalt  }
0x56: {  	_ =	shalt  }
0x57: {  	_ =	shalt  }
0x58: {  	_ =	shalt  }
0x59: {  	_ =	shalt  }
0x5a: {  	_ =	shalt  }
0x5b: {  	_ =	shalt  }
0x5c: {  	_ =	shalt  }
0x5d: {  	_ =	shalt  }
0x5e: {  	_ =	shalt  }
0x5f: {  	_ =	shalt  }
0x60: {  	_ =	shalt  }
0x61: {  	_ =	shalt  }
0x62: {  	_ =	shalt  }
0x63: {  	_ =	shalt  }
0x64: {  	_ =	shalt  }
0x65: {  	_ =	shalt  }
0x66: {  	_ =	shalt  }
0x67: {  	_ =	shalt  }
0x68: {  	_ =	shalt  }
0x69: {  	_ =	shalt  }
0x6a: {  	_ =	shalt  }
0x6b: {  	_ =	shalt  }
0x6c: {  	_ =	shalt  }
0x6d: {  	_ =	shalt  }
0x6e: {  	_ =	shalt  }
0x6f: {  	_ =	shalt  }
0x70: {  	_ =	shalt  }
0x71: {  	_ =	shalt  }
0x72: {  	_ =	shalt  }
0x73: {  	_ =	shalt  }
0x74: {  	_ =	shalt  }
0x75: {  	_ =	shalt  }
0x76: {  	_ =	shalt  }
0x77: {  	_ =	shalt  }
0x78: {  	_ =	shalt  }
0x79: {  	_ =	shalt  }
0x7a: {  	_ =	shalt  }
0x7b: {  	_ =	shalt  }
0x7c: {  	_ =	shalt  }
0x7d: {  	_ =	shalt  }
0x7e: {  	_ =	shalt  }
0x7f: {  	_ =	shalt  }
0x80: {  	_ =	shalt  }
0x81: {  	_ =	shalt  }
0x82: {  	_ =	shalt  }
0x83: {  	_ =	shalt  }
0x84: {  	_ =	shalt  }
0x85: {  	_ =	shalt  }
0x86: {  	_ =	shalt  }
0x87: {  	_ =	shalt  }
.Lfunc_end0:
.L_simem_size_0:
called_computation.1_lowered:
.L_overlay_start_0:
0x88: {  	s2 =	sld [smem:$0x3FD9]  }
0x89: {  	s3 =	sld [smem:$0x3FFE];
	_ =	sdelay $0x1  }
0x8a: {  	s1 =	srdreg.scid  }
0x8b: {  	s0 =	sand.u32 $0x1, s1  }
0x8c: {  	s17 =	sshll.u32 s0, $0xA;
	s2 =	sadd.s32 s3, s2  }
0x8d: {  	s2 =	sadd.s32 s2, s17  }
0x8e: {  	[smem:$0x3FC4] =	sst s2  }
0x8f: {  	_ = 	snop  }
0x90: {  	s2 =	sld [smem:$0x3FD0];
	(tm) =	ssettm $0x1  }
0x91: {  	s18 =	sld [smem:$0x3FFB];
	_ =	sdelay $0x3  }
0x92: {  	_ =	strace s18  }
0x93: {  	s3 =	sld [smem:$0x3FFC];
	_ =	sdelay $0x3  }
0x94: {  	_ =	strace s3  }
0x95: {  	s3 =	sld [smem:$0x3FFD];
	_ =	sdelay $0x3  }
0x96: {  	_ =	strace s3  }
0x97: {  	_ =	strace $0x8FFFFFFF  }
0x98: {  	s19 =	sld [smem:$0x3FDB];
	_ =	sdelay $0x1  }
0x99: {  	s4 =	simm.s32 $_scs_section_size  }
0x9a: {  	s5 =	simm.s32 $_size__tile_overlayer_lowered;
	s6 =	simm.s32 $_tile_overlayer_lowered  }
0x9b: {  	s22 =	simm.s32 $0x1BFF;
	s21 =	sshll.u32 s6, $0x1;
	s3 =	sadd.s32 s4, s19  }
0x9c: {  	s7 =	simm.s32 $0x0;
	s20 =	sshll.u32 s5, $0x1;
	s5 =	sadd.s32 s21, s3  }
0x9d: {  	[timem:s7], [sflag:s22] =	dma.local [hbm:s5], s20  }
0x9e: {  	_ =	swait.ge [sflag:s22], s20  }
0x9f: {  	s4 =	ssub.s32 $0x0, s20;
	[sflag:s22] =	ssyncset.done $0x0  }
0xa0: {  	[sflag:s22] =	ssyncadd.s32 s4;
	_ =	sdelay $0x1  }
0xa1: {  	s23 =	simm.s32 $0x1B8B  }
0xa2: {  	_ =	swait.ge [sflag:s23], $0x1  }
0xa3: {  	[sflag:s23] =	ssyncset.done $0x0  }
0xa4: {  	s25 =	simm.s32 $0x1B8E;
	s24 =	sld [smem:$0x3FFE];
	[sflag:s23] =	ssyncadd.s32 $0xFFFFFFFF  }
0xa5: {  	s26 =	simm.s32 $execute0_lowered;
	[smem:$0x3FD2] =	sst s25  }
0xa6: {  	s5 =	sshll.u32 s26, $0x1;
	_ =	strace $0x80000046;
	[dreg:$0x1] =	wrdreg $0xFFFFFFFF  }
0xa7: {  	s28 =	simm.s32 $_size_execute0_lowered;
	s3 =	sadd.s32 s3, s5;
	[dreg:$0x0] =	wrdreg $0x0  }
0xa8: {  	s5 =	sshll.u32 s28, $0x1;
	[dreg:$0x2] =	wrdreg s3  }
0xa9: {  	[dreg:$0x3] =	wrdreg s5  }
0xaa: {  	[dreg:$0x4] =	wrdreg $0xC0  }
0xab: {  	_ =	task [dreg:s7], $0x5FFFF  }
0xac: {  	[dreg:$0x1] =	wrdreg $0xFFFFFFFF  }
0xad: {  	[dreg:$0x0] =	wrdreg $0x60  }
0xae: {  	[dreg:$0x2] =	wrdreg s24  }
0xaf: {  	[dreg:$0x3] =	wrdreg s2  }
0xb0: {  	[dreg:$0x4] =	wrdreg $0x9  }
0xb1: {  	_ =	task.clear_ibuf [dreg:s7], $0x5FFFF;
	_ =	strace $0x90000046  }
0xb2: {  	s29 =	simm.s32 $0x9;
	_ =	strace $0x80000048  }
0xb3: {  	_ =	swait.ge [sflag:s29], $0x1  }
0xb4: {  	[sflag:s29] =	ssyncadd.s32 $0xFFFFFFFF  }
0xb5: {  	_ =	strace $0x90000048  }
0xb6: {  	_ =	sfence  }
0xb7: {  	s30 =	sld [smem:$0x0];
	_ =	sdelay $0x2  }
0xb8: {  	s31 =	sshll.u32 s1, $0xD;
	s1 =	sshrl.u32 s1, $0x2  }
0xb9: {  	s3 =	sand.u32 $0x4000, s31;
	s1 =	sadd.s32 s1, s30  }
0xba: {  	s0 =	sor.u32 s3, s0;
	s1 =	sshll.u32 s1, $0x11  }
0xbb: {  	s0 =	sor.u32 s1, s0  }
0xbc: {  	s0 =	sadd.s32 $0x8F2B, s0  }
0xbd: {  	[sflag:s0] =	ssyncadd.remote.s32 $0x1  }
0xbe: {  	_ =	sfence.sel $0xFFFF  }
0xbf: {  	[dreg:$0x0] =	wrdreg $0xFFFFFFFF;
	(pc) =	sbr.abs _section_cstart, $3  }
0xc0: {  	[dreg:$0x1] =	wrdreg $0xFFFFFFFF  }
0xc1: {  	_ =	task.clear_ibuf [dreg:s7], $0x2FFFF;
	_ =	strace $0x9FFFFFFF  }
0xc2: {  	(tm) =	ssettm $0x7FFFFFFF  }
0xc3: {  	_ =	shalt  }
tec
execute0_lowered:
.L_overlay_start_1:
0x0: {  	(tag) =	ssettag $0x1  }
0x1: {  	s0 =	rddreg [dreg:$0x0]  }
0x2: {  	s5 =	rddreg [dreg:$0x1]  }
0x3: {  	s2 =	simm.s32 $0x0;
	s1 =	srdreg.scid;
	s12 =	stileid.u32  }
0x4: {  	[smem:$0x7FF] =	sst s2;
	s6 =	sand.u32 $0x1, s1;
	s16 =	smul.u32 $0x320000, s12  }
0x5: {  	s3 =	sadd.s32 $0x1A0600, s0;
	s7 =	sadd.s32 $0xC00, s0;
	s31 =	smul.u32 $0x64000, s12  }
0x6: {  	s17 =	sshll.u32 s12, $0x1;
	_ =	strace $0x80000047;
	s4 =	smul.u32 $0x190000, s6  }
0x7: {  	s8 =	ssub.s32 $0x2, s6;
	s0 =	sor.u32 s6, s17;
	s13 =	smul.u32 $0x32000, s6  }
0x8: {  	s18 =	sshrl.u32 s8, $0x1;
	s0 =	smul.u32 $0x6400, s0;
	s1 =	sadd.s32 s4, s16  }
0x9: {  	s8 =	ssub.s32 s8, s18;
	s9 =	sor.u32 $0x5780, s1;
	s20 =	sor.u32 $0x4B00, s1  }
0xa: {  	s0 =	sshrl.u32 s0, $0x3;
	s22 =	sor.u32 $0x3E80, s1;
	s24 =	sor.u32 $0x3200, s1  }
0xb: {  	s10 =	sor.u32 $0x2580, s1;
	s28 =	sor.u32 $0x1900, s1;
	s30 =	sor.u32 $0xC80, s1  }
0xc: {  	s17 =	sor.u32 $0xAF00, s1;
	s19 =	sshrl.u32 s9, $0x3;
	s26 =	sshrl.u32 s10, $0x3  }
0xd: {  	s10 =	sadd.s32 s31, s5;
	s31 =	smul.u32 $0x6400, s6;
	s6 =	simm.s32 $0x1E0  }
0xe: {  	s18 =	sshrl.u32 s17, $0x3;
	s17 =	simm.s32 $0xFA0;
	[dreg:$0x12] =	wrdreg s6  }
0xf: {  	s9 =	sshrl.u32 s20, $0x3;
	s4 =	sadd.s32 s19, s5;
	[dreg:$0x1a] =	wrdreg s17  }
0x10: {  	s23 =	sshrl.u32 s22, $0x3;
	s21 =	sadd.s32 s9, s5;
	[dreg:$0x3] =	wrdreg s4  }
0x11: {  	s29 =	sshrl.u32 s28, $0x3;
	s14 =	sadd.s32 s13, s10;
	[dreg:$0x4] =	wrdreg s21  }
0x12: {  	s11 =	sshrl.u32 s30, $0x3;
	s10 =	simm.s32 $0x230;
	[dreg:$0xa] =	wrdreg s14  }
0x13: {  	s20 =	sor.u32 $0x9600, s1;
	s13 =	simm.s32 $0x280;
	[dreg:$0x14] =	wrdreg s10  }
0x14: {  	s22 =	sshrl.u32 s20, $0x3;
	s20 =	simm.s32 $0x3520;
	[dreg:$0x16] =	wrdreg s13  }
0x15: {  	s9 =	sshrl.u32 s24, $0x3;
	s4 =	sadd.s32 s23, s5;
	[dreg:$0x1d] =	wrdreg s20  }
0x16: {  	s19 =	sor.u32 $0xA280, s1;
	s25 =	sadd.s32 s9, s5;
	[dreg:$0x5] =	wrdreg s4  }
0x17: {  	s24 =	sor.u32 $0x8980, s1;
	s9 =	sadd.s32 s26, s5;
	[dreg:$0x6] =	wrdreg s25  }
0x18: {  	s17 =	simm.s32 $0x5320;
	s23 =	sadd.s32 s22, s5;
	[dreg:$0x7] =	wrdreg s9  }
0x19: {  	s26 =	sor.u32 $0x7D00, s1;
	s14 =	simm.s32 $0xA320;
	[dreg:$0xe] =	wrdreg s23  }
0x1a: {  	s10 =	simm.s32 $0x320;
	s22 =	simm.s32 $0x4E20;
	[dreg:$0x17] =	wrdreg s14  }
0x1b: {  	s4 =	sadd.s32 s7, s0;
	s0 =	sadd.s32 s29, s5;
	[dreg:$0x1f] =	wrdreg s22  }
0x1c: {  	s29 =	smul.u32 $0xC800, s12;
	s12 =	simm.s32 $0x8F20;
	[dreg:$0x8] =	wrdreg s0  }
0x1d: {  	s9 =	sshrl.u32 s19, $0x3;
	s19 =	simm.s32 $0x28A0;
	[dreg:$0x15] =	wrdreg s12  }
0x1e: {  	s20 =	simm.s32 $0x1;
	s23 =	simm.s32 $0x5AA0;
	[dreg:$0x1c] =	wrdreg s19  }
0x1f: {  	s25 =	sshrl.u32 s24, $0x3;
	s24 =	simm.s32 $0x73A0;
	[smem:$0x7F6] =	sst s23  }
0x20: {  	s22 =	simm.s32 $0x0;
	s0 =	sadd.s32 s11, s5;
	[smem:$0x7F7] =	sst s24  }
0x21: {  	s11 =	sor.u32 $0xBB80, s1;
	s21 =	sadd.s32 s9, s5;
	[dreg:$0x9] =	wrdreg s0  }
0x22: {  	s9 =	sshrl.u32 s26, $0x3;
	s26 =	simm.s32 $0x8CA0;
	[dreg:$0xd] =	wrdreg s21  }
0x23: {  	s1 =	sor.u32 $0x7080, s1;
	s0 =	sadd.s32 s18, s5;
	[smem:$0x7F9] =	sst s26  }
0x24: {  	s19 =	simm.s32 $0x6720;
	s28 =	sadd.s32 s9, s5;
	[dreg:$0xc] =	wrdreg s0  }
0x25: {  	s15 =	sshrl.u32 s11, $0x3;
	s18 =	simm.s32 $0x1C20;
	[dreg:$0x10] =	wrdreg s28  }
0x26: {  	s1 =	sshrl.u32 s1, $0x3;
	s21 =	simm.s32 $0x41A0;
	[dreg:$0x1b] =	wrdreg s18  }
0x27: {  	s9 =	simm.s32 $0x50;
	s16 =	sadd.s32 s15, s5;
	[dreg:$0x1e] =	wrdreg s21  }
0x28: {  	s0 =	sadd.s32 s25, s5;
	s30 =	sadd.s32 s1, s5;
	[dreg:$0xb] =	wrdreg s16  }
0x29: {  	s5 =	smax.u32 s8, $0x1;
	s8 =	simm.s32 $0x7B20;
	[dreg:$0xf] =	wrdreg s0  }
0x2a: {  	s1 =	sadd.s32 s31, s29;
	s15 =	simm.s32 $0x2D0;
	[dreg:$0x11] =	wrdreg s30  }
0x2b: {  	s25 =	simm.s32 $0x8020;
	s28 =	simm.s32 $0x9920;
	[dreg:$0x13] =	wrdreg s8  }
0x2c: {  	s18 =	simm.s32 $0x190;
	s29 =	simm.s32 $0xA5A0;
	[dreg:$0x18] =	wrdreg s15  }
0x2d: {  	s31 =	simm.s32 $0xBEA0;
	s21 =	simm.s32 $0x2;
	[smem:$0x7F8] =	sst s25  }
0x2e: {  	s11 =	sor.u32 $0x320, s1;
	s1 =	sor.u32 $0x190, s1;
	[smem:$0x7FA] =	sst s28  }
0x2f: {  	s16 =	simm.s32 $0xB720;
	s8 =	simm.s32 $0x3;
	[smem:$0x7FB] =	sst s29  }
0x30: {  	s30 =	simm.s32 $0xB220;
	[smem:$0x7FD] =	sst s31;
	s6 =	sshrl.u32 s11, $0x3  }
0x31: {  	s1 =	sshrl.u32 s1, $0x3;
	[dreg:$0x19] =	wrdreg s16;
	s16 =	simm.s32 $0x140  }
0x32: {  	[smem:$0x7FC] =	sst s30;
	s6 =	sadd.s32 s6, s7;
	s7 =	sadd.s32 s1, s7  }
.LBB2_1:
0x33: {  	[tilespmem:s2], [sflag:$0x3] =	stream.linear.gather [hbm4b:s4+s2], $0x190, $0x38;
	[tilespmem:$0xCB20] =	vst v63  }
0x34: {  	_ =	swait.ge [sflag:s8], $0x190  }
0x35: {  	[sflag:s8] =	ssyncset.done $0x0  }
0x36: {  	[sflag:s8] =	ssyncadd.s32 $0xFFFFFE70  }
0x37: {  	[tilespmem:s10], [sflag:$0x1] =	stream.indirect.gather [hbm4b:s3+s9], $0x40, s2, s9, $0xb8;
	[tilespmem:$0xCB20] =	vst v63  }
0x38: {  	s0 =	simm.s32 $0x1720  }
0x39: {  	[tilespmem:s0], [sflag:$0x1] =	stream.indirect.gather [hbm4b:s3+s9], $0x40, s9, s9, $0xb8;
	[tilespmem:$0xCB20] =	vst v63  }
0x3a: {  	s11 =	simm.s32 $0xA0;
	s1 =	simm.s32 $0x2B20  }
0x3b: {  	[tilespmem:s1], [sflag:$0x1] =	stream.indirect.gather [hbm4b:s3+s9], $0x40, s11, s9, $0xb8;
	[tilespmem:$0xCB20] =	vst v63  }
0x3c: {  	s12 =	simm.s32 $0xF0;
	s13 =	simm.s32 $0x3F20;
	p0 =	por $0x1, $0x1  }
0x3d: {  	[tilespmem:s13], [sflag:$0x1] =	stream.indirect.gather [hbm4b:s3+s9], $0x40, s12, s9, $0xb8;
	[tilespmem:$0xCB20] =	vst v63  }
0x3e: {  	s0 =	simm.s32 @!p0 $0x2  }
0x3f: {  	[tilespmem:s17], [sflag:$0x1] =	stream.indirect.gather [hbm4b:s3+s9], $0x40, s16, s9, $0xb8;
	[tilespmem:$0xCB20] =	vst v63  }
0x40: {  	_ =	swait.ge @!p0 [sflag:s0], $0xC80  }
0x41: {  	[sflag:s0] =	ssyncset.done @!p0 $0x0  }
0x42: {  	[sflag:s0] =	ssyncadd.s32 @!p0 $0xFFFFF380  }
0x43: {  	_ =	swait.ge @!p0 [sflag:s0], $0xC80  }
0x44: {  	[sflag:s0] =	ssyncset.done @!p0 $0x0  }
0x45: {  	[sflag:s0] =	ssyncadd.s32 @!p0 $0xFFFFF380  }
0x46: {  	_ =	swait.ge @!p0 [sflag:s0], $0xC80  }
0x47: {  	[sflag:s0] =	ssyncset.done @!p0 $0x0  }
0x48: {  	[sflag:s0] =	ssyncadd.s32 @!p0 $0xFFFFF380  }
0x49: {  	_ =	swait.ge @!p0 [sflag:s0], $0xC80  }
0x4a: {  	[sflag:s0] =	ssyncset.done @!p0 $0x0  }
0x4b: {  	[sflag:s0] =	ssyncadd.s32 @!p0 $0xFFFFF380  }
0x4c: {  	_ =	swait.ge @!p0 [sflag:s0], $0xC80  }
0x4d: {  	[sflag:s0] =	ssyncset.done @!p0 $0x0  }
0x4e: {  	[sflag:s0] =	ssyncadd.s32 @!p0 $0xFFFFF380  }
0x4f: {  	_ =	swait.ge @!p0 [sflag:s0], $0xC80  }
0x50: {  	[sflag:s0] =	ssyncset.done @!p0 $0x0  }
0x51: {  	[sflag:s0] =	ssyncadd.s32 @!p0 $0xFFFFF380  }
0x52: {  	_ =	swait.ge @!p0 [sflag:s0], $0xC80  }
0x53: {  	[sflag:s0] =	ssyncset.done @!p0 $0x0  }
0x54: {  	[sflag:s0] =	ssyncadd.s32 @!p0 $0xFFFFF380  }
0x55: {  	_ =	swait.ge @!p0 [sflag:s0], $0xC80  }
0x56: {  	[sflag:s0] =	ssyncset.done @!p0 $0x0  }
0x57: {  	[sflag:s0] =	ssyncadd.s32 @!p0 $0xFFFFF380  }
0x58: {  	[tilespmem:s18], [sflag:$0x3] =	stream.linear.gather [hbm4b:s7+s2], $0x190, $0x38;
	[tilespmem:$0xCB20] =	vst v63  }
0x59: {  	_ =	swait.ge [sflag:s8], $0x190  }
0x5a: {  	s14 =	rddreg [dreg:$0x17]  }
0x5b: {  	s15 =	rddreg [dreg:$0x14]  }
0x5c: {  	s23 =	rddreg [dreg:$0x12];
	[sflag:s8] =	ssyncset.done $0x0  }
0x5d: {  	s24 =	rddreg [dreg:$0x13];
	[sflag:s8] =	ssyncadd.s32 $0xFFFFFE70  }
0x5e: {  	[tilespmem:s19], [sflag:$0x1] =	stream.indirect.gather [hbm4b:s3+s9], $0x40, s18, s9, $0xb8;
	[tilespmem:$0xCB20] =	vst v63  }
0x5f: {  	s25 =	rddreg [dreg:$0x15]  }
0x60: {  	[tilespmem:s24], [sflag:$0x1] =	stream.indirect.gather [hbm4b:s3+s9], $0x40, s23, s9, $0xb8;
	[tilespmem:$0xCB20] =	vst v63  }
0x61: {  	s26 =	rddreg [dreg:$0x16]  }
0x62: {  	[tilespmem:s25], [sflag:$0x1] =	stream.indirect.gather [hbm4b:s3+s9], $0x40, s15, s9, $0xb8;
	[tilespmem:$0xCB20] =	vst v63  }
0x63: {  	s24 =	rddreg [dreg:$0x19]  }
0x64: {  	[tilespmem:s14], [sflag:$0x1] =	stream.indirect.gather [hbm4b:s3+s9], $0x40, s26, s9, $0xb8;
	[tilespmem:$0xCB20] =	vst v63  }
0x65: {  	s25 =	rddreg [dreg:$0x18]  }
0x66: {  	[tilespmem:s24], [sflag:$0x1] =	stream.indirect.gather [hbm4b:s3+s9], $0x40, s25, s9, $0xb8;
	[tilespmem:$0xCB20] =	vst v63  }
0x67: {  	_ =	swait.ge [sflag:s20], $0x1400  }
0x68: {  	[sflag:s20] =	ssyncset.done $0x0  }
0x69: {  	[sflag:s20] =	ssyncadd.s32 $0xFFFFEC00  }
0x6a: {  	_ =	swait.ge [sflag:s20], $0x1400  }
0x6b: {  	[sflag:s20] =	ssyncset.done $0x0  }
0x6c: {  	[sflag:s20] =	ssyncadd.s32 $0xFFFFEC00  }
0x6d: {  	_ =	swait.ge [sflag:s20], $0x1400  }
0x6e: {  	[sflag:s20] =	ssyncset.done $0x0  }
0x6f: {  	[sflag:s20] =	ssyncadd.s32 $0xFFFFEC00  }
0x70: {  	_ =	swait.ge [sflag:s20], $0x1400  }
0x71: {  	[sflag:s20] =	ssyncset.done $0x0  }
0x72: {  	[sflag:s20] =	ssyncadd.s32 $0xFFFFEC00  }
0x73: {  	_ =	swait.ge [sflag:s20], $0x1400  }
0x74: {  	s0 =	rddreg [dreg:$0x6]  }
0x75: {  	s1 =	rddreg [dreg:$0x3]  }
0x76: {  	s26 =	rddreg [dreg:$0x9]  }
0x77: {  	s25 =	rddreg [dreg:$0x5]  }
0x78: {  	s11 =	rddreg [dreg:$0x8]  }
0x79: {  	s12 =	rddreg [dreg:$0xa]  }
0x7a: {  	s28 =	rddreg [dreg:$0x1a]  }
0x7b: {  	[sflag:s20] =	ssyncset.done $0x0;
	s29 =	rddreg [dreg:$0x7]  }
0x7c: {  	s30 =	rddreg [dreg:$0x1b];
	[sflag:s20] =	ssyncadd.s32 $0xFFFFEC00;
	s23 =	sadd.s32 $0x0, s12  }
0x7d: {  	[hbm4b:s23+s2] =	stream.linear.scatter [tilespmem:s10], [sflag:$0x2], $0xC80, $0x38;
	[tilespmem:$0xCB20] =	vst v63  }
0x7e: {  	s31 =	rddreg [dreg:$0x1c];
	s24 =	sadd.s32 $0x0, s26  }
0x7f: {  	[hbm4b:s24+s2] =	stream.linear.scatter [tilespmem:s28], [sflag:$0x2], $0xC80, $0x38;
	[tilespmem:$0xCB20] =	vst v63  }
0x80: {  	s14 =	rddreg [dreg:$0x1d];
	s13 =	sadd.s32 $0x0, s11  }
0x81: {  	[hbm4b:s13+s2] =	stream.linear.scatter [tilespmem:s30], [sflag:$0x2], $0xC80, $0x38;
	[tilespmem:$0xCB20] =	vst v63  }
0x82: {  	s15 =	sadd.s32 $0x0, s29;
	s11 =	rddreg [dreg:$0x1e]  }
0x83: {  	[hbm4b:s15+s2] =	stream.linear.scatter [tilespmem:s31], [sflag:$0x2], $0xC80, $0x38;
	[tilespmem:$0xCB20] =	vst v63  }
0x84: {  	s0 =	sadd.s32 $0x0, s0;
	s28 =	rddreg [dreg:$0x4]  }
0x85: {  	[hbm4b:s0+s2] =	stream.linear.scatter [tilespmem:s14], [sflag:$0x2], $0xC80, $0x38;
	[tilespmem:$0xCB20] =	vst v63  }
0x86: {  	s12 =	sadd.s32 $0x0, s25;
	s13 =	rddreg [dreg:$0x1f]  }
0x87: {  	[hbm4b:s12+s2] =	stream.linear.scatter [tilespmem:s11], [sflag:$0x2], $0xC80, $0x38;
	[tilespmem:$0xCB20] =	vst v63  }
0x88: {  	s15 =	sld [smem:$0x7F6];
	s14 =	sadd.s32 $0x0, s28  }
0x89: {  	[hbm4b:s14+s2] =	stream.linear.scatter [tilespmem:s13], [sflag:$0x2], $0xC80, $0x38;
	[tilespmem:$0xCB20] =	vst v63  }
0x8a: {  	s25 =	sadd.s32 $0x0, s1  }
0x8b: {  	[hbm4b:s25+s2] =	stream.linear.scatter [tilespmem:s15], [sflag:$0x2], $0xC80, $0x38;
	[tilespmem:$0xCB20] =	vst v63  }
0x8c: {  	_ =	swait.ge [sflag:s21], $0xC80  }
0x8d: {  	[sflag:s21] =	ssyncset.done $0x0  }
0x8e: {  	[sflag:s21] =	ssyncadd.s32 $0xFFFFF380  }
0x8f: {  	_ =	swait.ge [sflag:s21], $0xC80  }
0x90: {  	[sflag:s21] =	ssyncset.done $0x0  }
0x91: {  	[sflag:s21] =	ssyncadd.s32 $0xFFFFF380  }
0x92: {  	_ =	swait.ge [sflag:s21], $0xC80  }
0x93: {  	[sflag:s21] =	ssyncset.done $0x0  }
0x94: {  	[sflag:s21] =	ssyncadd.s32 $0xFFFFF380  }
0x95: {  	_ =	swait.ge [sflag:s21], $0xC80  }
0x96: {  	[sflag:s21] =	ssyncset.done $0x0  }
0x97: {  	[sflag:s21] =	ssyncadd.s32 $0xFFFFF380  }
0x98: {  	_ =	swait.ge [sflag:s21], $0xC80  }
0x99: {  	[sflag:s21] =	ssyncset.done $0x0  }
0x9a: {  	[sflag:s21] =	ssyncadd.s32 $0xFFFFF380  }
0x9b: {  	_ =	swait.ge [sflag:s21], $0xC80  }
0x9c: {  	[sflag:s21] =	ssyncset.done $0x0  }
0x9d: {  	[sflag:s21] =	ssyncadd.s32 $0xFFFFF380  }
0x9e: {  	_ =	swait.ge [sflag:s21], $0xC80  }
0x9f: {  	[sflag:s21] =	ssyncset.done $0x0  }
0xa0: {  	[sflag:s21] =	ssyncadd.s32 $0xFFFFF380  }
0xa1: {  	_ =	swait.ge [sflag:s21], $0xC80  }
0xa2: {  	p0 =	por $0x0, $0x0;
	[sflag:s21] =	ssyncset.done $0x0  }
0xa3: {  	s1 =	simm.s32 @!p0 $0x3;
	s0 =	simm.s32 @!p0 $0x0;
	[sflag:s21] =	ssyncadd.s32 $0xFFFFF380  }
0xa4: {  	[tilespmem:s0], [sflag:$0x3] =	stream.linear.gather @!p0 [hbm4b:s6+s0], $0x190, $0x38;
	[tilespmem:$0xCB20] =	vst v63  }
0xa5: {  	_ =	swait.ge @!p0 [sflag:s1], $0x190  }
0xa6: {  	[sflag:s1] =	ssyncset.done @!p0 $0x0  }
0xa7: {  	s24 =	simm.s32 @!p0 $0x320;
	[sflag:s1] =	ssyncadd.s32 @!p0 $0xFFFFFE70;
	s1 =	simm.s32 @!p0 $0x50  }
0xa8: {  	[tilespmem:s24], [sflag:$0x1] =	stream.indirect.gather @!p0 [hbm4b:s3+s1], $0x40, s0, s1, $0xb8;
	[tilespmem:$0xCB20] =	vst v63  }
0xa9: {  	s0 =	simm.s32 @!p0 $0x1720  }
0xaa: {  	[tilespmem:s0], [sflag:$0x1] =	stream.indirect.gather @!p0 [hbm4b:s3+s1], $0x40, s1, s1, $0xb8;
	[tilespmem:$0xCB20] =	vst v63  }
0xab: {  	s24 =	simm.s32 @!p0 $0x2B20;
	s0 =	simm.s32 @!p0 $0xA0  }
0xac: {  	[tilespmem:s24], [sflag:$0x1] =	stream.indirect.gather @!p0 [hbm4b:s3+s1], $0x40, s0, s1, $0xb8;
	[tilespmem:$0xCB20] =	vst v63  }
0xad: {  	s0 =	simm.s32 @!p0 $0xF0;
	s24 =	simm.s32 @!p0 $0x3F20  }
0xae: {  	[tilespmem:s24], [sflag:$0x1] =	stream.indirect.gather @!p0 [hbm4b:s3+s1], $0x40, s0, s1, $0xb8;
	[tilespmem:$0xCB20] =	vst v63  }
0xaf: {  	s0 =	simm.s32 @!p0 $0x140;
	s24 =	simm.s32 @!p0 $0x5320  }
0xb0: {  	[tilespmem:s24], [sflag:$0x1] =	stream.indirect.gather @!p0 [hbm4b:s3+s1], $0x40, s0, s1, $0xb8;
	[tilespmem:$0xCB20] =	vst v63  }
0xb1: {  	_ =	swait.ge [sflag:s20], $0x1400  }
0xb2: {  	[sflag:s20] =	ssyncset.done $0x0  }
0xb3: {  	[sflag:s20] =	ssyncadd.s32 $0xFFFFEC00  }
0xb4: {  	_ =	swait.ge [sflag:s20], $0x1400  }
0xb5: {  	[sflag:s20] =	ssyncset.done $0x0  }
0xb6: {  	[sflag:s20] =	ssyncadd.s32 $0xFFFFEC00  }
0xb7: {  	_ =	swait.ge [sflag:s20], $0x1400  }
0xb8: {  	[sflag:s20] =	ssyncset.done $0x0  }
0xb9: {  	[sflag:s20] =	ssyncadd.s32 $0xFFFFEC00  }
0xba: {  	_ =	swait.ge [sflag:s20], $0x1400  }
0xbb: {  	[sflag:s20] =	ssyncset.done $0x0  }
0xbc: {  	[sflag:s20] =	ssyncadd.s32 $0xFFFFEC00  }
0xbd: {  	_ =	swait.ge [sflag:s20], $0x1400  }
0xbe: {  	s29 =	rddreg [dreg:$0xc]  }
0xbf: {  	s28 =	sld [smem:$0x7F8]  }
0xc0: {  	s26 =	sadd.s32 $0xC80, s23;
	s31 =	sld [smem:$0x7F7]  }
0xc1: {  	s23 =	simm.s32 $0x0;
	[sflag:s20] =	ssyncset.done $0x0;
	s0 =	rddreg [dreg:$0xf]  }
0xc2: {  	s25 =	sadd.s32 $0x64, s6;
	s1 =	rddreg [dreg:$0x11];
	[sflag:s20] =	ssyncadd.s32 $0xFFFFEC00  }
0xc3: {  	[hbm4b:s26+s2] =	stream.linear.scatter [tilespmem:s19], [sflag:$0x2], $0xC80, $0x38;
	[tilespmem:$0xCB20] =	vst v63  }
0xc4: {  	s24 =	simm.s32 $0x1900;
	s30 =	rddreg [dreg:$0xe];
	s26 =	sadd.s32 $0x64, s7  }
.LBB2_2:
0xc5: {  	s11 =	rddreg [dreg:$0xd]  }
0xc6: {  	s13 =	rddreg [dreg:$0x10]  }
0xc7: {  	s1 =	sadd.s32 s23, s1;
	s14 =	sld [smem:$0x7F9]  }
0xc8: {  	[hbm4b:s1+s2] =	stream.linear.scatter [tilespmem:s31], [sflag:$0x2], $0xC80, $0x38;
	[tilespmem:$0xCB20] =	vst v63  }
0xc9: {  	s13 =	sadd.s32 s23, s13;
	s31 =	sld [smem:$0x7FA]  }
0xca: {  	[hbm4b:s13+s2] =	stream.linear.scatter [tilespmem:s28], [sflag:$0x2], $0xC80, $0x38;
	[tilespmem:$0xCB20] =	vst v63  }
0xcb: {  	s0 =	sadd.s32 s23, s0;
	s1 =	sadd.s32 s23, s11;
	s11 =	sld [smem:$0x7FC]  }
0xcc: {  	[hbm4b:s0+s2] =	stream.linear.scatter [tilespmem:s14], [sflag:$0x2], $0xC80, $0x38;
	[tilespmem:$0xCB20] =	vst v63  }
0xcd: {  	s15 =	sadd.s32 s23, s30;
	s28 =	sld [smem:$0x7FB]  }
0xce: {  	[hbm4b:s15+s2] =	stream.linear.scatter [tilespmem:s31], [sflag:$0x2], $0xC80, $0x38;
	[tilespmem:$0xCB20] =	vst v63  }
0xcf: {  	s12 =	smov.u32 s24;
	s14 =	rddreg [dreg:$0xb]  }
0xd0: {  	[hbm4b:s1+s2] =	stream.linear.scatter [tilespmem:s28], [sflag:$0x2], $0xC80, $0x38;
	[tilespmem:$0xCB20] =	vst v63  }
0xd1: {  	p1 =	seq.s32 s12, $0x0;
	s13 =	sadd.s32 s23, s29;
	s15 =	sld [smem:$0x7FD]  }
0xd2: {  	[hbm4b:s13+s2] =	stream.linear.scatter [tilespmem:s11], [sflag:$0x2], $0xC80, $0x38;
	[tilespmem:$0xCB20] =	vst v63  }
0xd3: {  	s0 =	simm.s32 @!p1 $0x2;
	s11 =	sadd.s32 s23, s14  }
0xd4: {  	[hbm4b:s11+s2] =	stream.linear.scatter [tilespmem:s15], [sflag:$0x2], $0xC80, $0x38;
	[tilespmem:$0xCB20] =	vst v63  }
0xd5: {  	_ =	swait.ge @!p1 [sflag:s0], $0xC80  }
0xd6: {  	[sflag:s0] =	ssyncset.done @!p1 $0x0  }
0xd7: {  	[sflag:s0] =	ssyncadd.s32 @!p1 $0xFFFFF380  }
0xd8: {  	_ =	swait.ge @!p1 [sflag:s0], $0xC80  }
0xd9: {  	[sflag:s0] =	ssyncset.done @!p1 $0x0  }
0xda: {  	[sflag:s0] =	ssyncadd.s32 @!p1 $0xFFFFF380  }
0xdb: {  	_ =	swait.ge @!p1 [sflag:s0], $0xC80  }
0xdc: {  	[sflag:s0] =	ssyncset.done @!p1 $0x0  }
0xdd: {  	[sflag:s0] =	ssyncadd.s32 @!p1 $0xFFFFF380  }
0xde: {  	_ =	swait.ge @!p1 [sflag:s0], $0xC80  }
0xdf: {  	[sflag:s0] =	ssyncset.done @!p1 $0x0  }
0xe0: {  	[sflag:s0] =	ssyncadd.s32 @!p1 $0xFFFFF380  }
0xe1: {  	_ =	swait.ge @!p1 [sflag:s0], $0xC80  }
0xe2: {  	[sflag:s0] =	ssyncset.done @!p1 $0x0  }
0xe3: {  	[sflag:s0] =	ssyncadd.s32 @!p1 $0xFFFFF380  }
0xe4: {  	_ =	swait.ge @!p1 [sflag:s0], $0xC80  }
0xe5: {  	[sflag:s0] =	ssyncset.done @!p1 $0x0  }
0xe6: {  	[sflag:s0] =	ssyncadd.s32 @!p1 $0xFFFFF380  }
0xe7: {  	_ =	swait.ge @!p1 [sflag:s0], $0xC80  }
0xe8: {  	[sflag:s0] =	ssyncset.done @!p1 $0x0  }
0xe9: {  	[sflag:s0] =	ssyncadd.s32 @!p1 $0xFFFFF380  }
0xea: {  	_ =	swait.ge @!p1 [sflag:s0], $0xC80  }
0xeb: {  	[sflag:s0] =	ssyncset.done @!p1 $0x0  }
0xec: {  	[sflag:s0] =	ssyncadd.s32 @!p1 $0xFFFFF380  }
0xed: {  	[tilespmem:s18], [sflag:$0x3] =	stream.linear.gather [hbm4b:s26+s2], $0x190, $0x38;
	[tilespmem:$0xCB20] =	vst v63  }
0xee: {  	_ =	swait.ge [sflag:s8], $0x190  }
0xef: {  	s0 =	rddreg [dreg:$0x17]  }
0xf0: {  	s1 =	rddreg [dreg:$0x14]  }
0xf1: {  	[sflag:s8] =	ssyncset.done $0x0;
	s13 =	rddreg [dreg:$0x12]  }
0xf2: {  	s14 =	rddreg [dreg:$0x13];
	[sflag:s8] =	ssyncadd.s32 $0xFFFFFE70  }
0xf3: {  	[tilespmem:s19], [sflag:$0x1] =	stream.indirect.gather [hbm4b:s3+s9], $0x40, s18, s9, $0xb8;
	[tilespmem:$0xCB20] =	vst v63  }
0xf4: {  	s15 =	rddreg [dreg:$0x15]  }
0xf5: {  	[tilespmem:s14], [sflag:$0x1] =	stream.indirect.gather [hbm4b:s3+s9], $0x40, s13, s9, $0xb8;
	[tilespmem:$0xCB20] =	vst v63  }
0xf6: {  	s28 =	rddreg [dreg:$0x16]  }
0xf7: {  	[tilespmem:s15], [sflag:$0x1] =	stream.indirect.gather [hbm4b:s3+s9], $0x40, s1, s9, $0xb8;
	[tilespmem:$0xCB20] =	vst v63  }
0xf8: {  	s23 =	smov.u32 s12;
	s12 =	rddreg [dreg:$0x19]  }
0xf9: {  	[tilespmem:s0], [sflag:$0x1] =	stream.indirect.gather [hbm4b:s3+s9], $0x40, s28, s9, $0xb8;
	[tilespmem:$0xCB20] =	vst v63  }
0xfa: {  	s13 =	rddreg [dreg:$0x18]  }
0xfb: {  	[tilespmem:s12], [sflag:$0x1] =	stream.indirect.gather [hbm4b:s3+s9], $0x40, s13, s9, $0xb8;
	[tilespmem:$0xCB20] =	vst v63  }
0xfc: {  	_ =	swait.ge [sflag:s20], $0x1400  }
0xfd: {  	[sflag:s20] =	ssyncset.done $0x0  }
0xfe: {  	[sflag:s20] =	ssyncadd.s32 $0xFFFFEC00  }
0xff: {  	_ =	swait.ge [sflag:s20], $0x1400  }
0x100: {  	[sflag:s20] =	ssyncset.done $0x0  }
0x101: {  	[sflag:s20] =	ssyncadd.s32 $0xFFFFEC00  }
0x102: {  	_ =	swait.ge [sflag:s20], $0x1400  }
0x103: {  	[sflag:s20] =	ssyncset.done $0x0  }
0x104: {  	[sflag:s20] =	ssyncadd.s32 $0xFFFFEC00  }
0x105: {  	_ =	swait.ge [sflag:s20], $0x1400  }
0x106: {  	[sflag:s20] =	ssyncset.done $0x0  }
0x107: {  	[sflag:s20] =	ssyncadd.s32 $0xFFFFEC00  }
0x108: {  	_ =	swait.ge [sflag:s20], $0x1400  }
0x109: {  	s0 =	rddreg [dreg:$0x6]  }
0x10a: {  	s1 =	rddreg [dreg:$0x3]  }
0x10b: {  	s14 =	rddreg [dreg:$0x9]  }
0x10c: {  	s12 =	rddreg [dreg:$0x5]  }
0x10d: {  	s15 =	rddreg [dreg:$0x8]  }
0x10e: {  	s28 =	rddreg [dreg:$0xa]  }
0x10f: {  	s29 =	rddreg [dreg:$0x1a]  }
0x110: {  	[sflag:s20] =	ssyncset.done $0x0;
	s30 =	rddreg [dreg:$0x7]  }
0x111: {  	s31 =	rddreg [dreg:$0x1b];
	[sflag:s20] =	ssyncadd.s32 $0xFFFFEC00;
	s28 =	sadd.s32 s23, s28  }
0x112: {  	[hbm4b:s28+s2] =	stream.linear.scatter [tilespmem:s10], [sflag:$0x2], $0xC80, $0x38;
	[tilespmem:$0xCB20] =	vst v63  }
0x113: {  	s11 =	sadd.s32 s23, s14;
	s14 =	rddreg [dreg:$0x1c]  }
0x114: {  	[hbm4b:s11+s2] =	stream.linear.scatter [tilespmem:s29], [sflag:$0x2], $0xC80, $0x38;
	[tilespmem:$0xCB20] =	vst v63  }
0x115: {  	s13 =	sadd.s32 s23, s15;
	s15 =	rddreg [dreg:$0x1d]  }
0x116: {  	[hbm4b:s13+s2] =	stream.linear.scatter [tilespmem:s31], [sflag:$0x2], $0xC80, $0x38;
	[tilespmem:$0xCB20] =	vst v63  }
0x117: {  	s30 =	sadd.s32 s23, s30;
	s11 =	rddreg [dreg:$0x4]  }
0x118: {  	[hbm4b:s30+s2] =	stream.linear.scatter [tilespmem:s14], [sflag:$0x2], $0xC80, $0x38;
	[tilespmem:$0xCB20] =	vst v63  }
0x119: {  	s0 =	sadd.s32 s23, s0;
	s13 =	rddreg [dreg:$0x1e]  }
0x11a: {  	[hbm4b:s0+s2] =	stream.linear.scatter [tilespmem:s15], [sflag:$0x2], $0xC80, $0x38;
	[tilespmem:$0xCB20] =	vst v63  }
0x11b: {  	s12 =	sadd.s32 s23, s12;
	s14 =	rddreg [dreg:$0x1f]  }
0x11c: {  	[hbm4b:s12+s2] =	stream.linear.scatter [tilespmem:s13], [sflag:$0x2], $0xC80, $0x38;
	[tilespmem:$0xCB20] =	vst v63  }
0x11d: {  	s11 =	sadd.s32 s23, s11;
	s13 =	sld [smem:$0x7F6]  }
0x11e: {  	[hbm4b:s11+s2] =	stream.linear.scatter [tilespmem:s14], [sflag:$0x2], $0xC80, $0x38;
	[tilespmem:$0xCB20] =	vst v63  }
0x11f: {  	s14 =	sadd.s32 s23, s1  }
0x120: {  	[hbm4b:s14+s2] =	stream.linear.scatter [tilespmem:s13], [sflag:$0x2], $0xC80, $0x38;
	[tilespmem:$0xCB20] =	vst v63  }
0x121: {  	_ =	swait.ge [sflag:s21], $0xC80  }
0x122: {  	[sflag:s21] =	ssyncset.done $0x0  }
0x123: {  	[sflag:s21] =	ssyncadd.s32 $0xFFFFF380  }
0x124: {  	_ =	swait.ge [sflag:s21], $0xC80  }
0x125: {  	[sflag:s21] =	ssyncset.done $0x0  }
0x126: {  	[sflag:s21] =	ssyncadd.s32 $0xFFFFF380  }
0x127: {  	_ =	swait.ge [sflag:s21], $0xC80  }
0x128: {  	[sflag:s21] =	ssyncset.done $0x0  }
0x129: {  	[sflag:s21] =	ssyncadd.s32 $0xFFFFF380  }
0x12a: {  	_ =	swait.ge [sflag:s21], $0xC80  }
0x12b: {  	[sflag:s21] =	ssyncset.done $0x0  }
0x12c: {  	[sflag:s21] =	ssyncadd.s32 $0xFFFFF380  }
0x12d: {  	_ =	swait.ge [sflag:s21], $0xC80  }
0x12e: {  	[sflag:s21] =	ssyncset.done $0x0  }
0x12f: {  	[sflag:s21] =	ssyncadd.s32 $0xFFFFF380  }
0x130: {  	_ =	swait.ge [sflag:s21], $0xC80  }
0x131: {  	[sflag:s21] =	ssyncset.done $0x0  }
0x132: {  	[sflag:s21] =	ssyncadd.s32 $0xFFFFF380  }
0x133: {  	_ =	swait.ge [sflag:s21], $0xC80  }
0x134: {  	[sflag:s21] =	ssyncset.done $0x0  }
0x135: {  	[sflag:s21] =	ssyncadd.s32 $0xFFFFF380  }
0x136: {  	_ =	swait.ge [sflag:s21], $0xC80  }
0x137: {  	p1 =	seq.s32 s23, $0x30700;
	[sflag:s21] =	ssyncset.done $0x0  }
0x138: {  	s0 =	simm.s32 @!p1 $0x0;
	s1 =	simm.s32 @!p1 $0x3;
	[sflag:s21] =	ssyncadd.s32 $0xFFFFF380  }
0x139: {  	[tilespmem:s0], [sflag:$0x3] =	stream.linear.gather @!p1 [hbm4b:s25+s0], $0x190, $0x38;
	[tilespmem:$0xCB20] =	vst v63  }
0x13a: {  	_ =	swait.ge @!p1 [sflag:s1], $0x190  }
0x13b: {  	[sflag:s1] =	ssyncset.done @!p1 $0x0  }
0x13c: {  	s11 =	simm.s32 @!p1 $0x320;
	[sflag:s1] =	ssyncadd.s32 @!p1 $0xFFFFFE70;
	s1 =	simm.s32 @!p1 $0x50  }
0x13d: {  	[tilespmem:s11], [sflag:$0x1] =	stream.indirect.gather @!p1 [hbm4b:s3+s1], $0x40, s0, s1, $0xb8;
	[tilespmem:$0xCB20] =	vst v63  }
0x13e: {  	s0 =	simm.s32 @!p1 $0x1720  }
0x13f: {  	[tilespmem:s0], [sflag:$0x1] =	stream.indirect.gather @!p1 [hbm4b:s3+s1], $0x40, s1, s1, $0xb8;
	[tilespmem:$0xCB20] =	vst v63  }
0x140: {  	s11 =	simm.s32 @!p1 $0x2B20;
	s0 =	simm.s32 @!p1 $0xA0  }
0x141: {  	[tilespmem:s11], [sflag:$0x1] =	stream.indirect.gather @!p1 [hbm4b:s3+s1], $0x40, s0, s1, $0xb8;
	[tilespmem:$0xCB20] =	vst v63  }
0x142: {  	s0 =	simm.s32 @!p1 $0xF0;
	s11 =	simm.s32 @!p1 $0x3F20  }
0x143: {  	[tilespmem:s11], [sflag:$0x1] =	stream.indirect.gather @!p1 [hbm4b:s3+s1], $0x40, s0, s1, $0xb8;
	[tilespmem:$0xCB20] =	vst v63  }
0x144: {  	s0 =	simm.s32 @!p1 $0x140;
	s11 =	simm.s32 @!p1 $0x5320  }
0x145: {  	[tilespmem:s11], [sflag:$0x1] =	stream.indirect.gather @!p1 [hbm4b:s3+s1], $0x40, s0, s1, $0xb8;
	[tilespmem:$0xCB20] =	vst v63  }
0x146: {  	_ =	swait.ge [sflag:s20], $0x1400  }
0x147: {  	[sflag:s20] =	ssyncset.done $0x0  }
0x148: {  	[sflag:s20] =	ssyncadd.s32 $0xFFFFEC00  }
0x149: {  	_ =	swait.ge [sflag:s20], $0x1400  }
0x14a: {  	[sflag:s20] =	ssyncset.done $0x0  }
0x14b: {  	[sflag:s20] =	ssyncadd.s32 $0xFFFFEC00  }
0x14c: {  	_ =	swait.ge [sflag:s20], $0x1400  }
0x14d: {  	[sflag:s20] =	ssyncset.done $0x0  }
0x14e: {  	[sflag:s20] =	ssyncadd.s32 $0xFFFFEC00  }
0x14f: {  	_ =	swait.ge [sflag:s20], $0x1400  }
0x150: {  	[sflag:s20] =	ssyncset.done $0x0  }
0x151: {  	[sflag:s20] =	ssyncadd.s32 $0xFFFFEC00  }
0x152: {  	_ =	swait.ge [sflag:s20], $0x1400  }
0x153: {  	s24 =	sadd.s32 $0x1900, s24;
	s29 =	rddreg [dreg:$0xc]  }
0x154: {  	p0 =	sne.s32 s24, $0x32000;
	s15 =	sadd.s32 $0xC80, s28;
	s28 =	sld [smem:$0x7F8]  }
.Ltmp0:
0x155: {  	s31 =	sld [smem:$0x7F7];
	(pc) =	sbr.rel @p0 .LBB2_2-.Ltmp0, $4  }
0x156: {  	s0 =	rddreg [dreg:$0xf]  }
0x157: {  	s26 =	sadd.s32 $0x64, s26;
	[sflag:s20] =	ssyncset.done $0x0;
	s1 =	rddreg [dreg:$0x11]  }
0x158: {  	s25 =	sadd.s32 $0x64, s25;
	s30 =	rddreg [dreg:$0xe];
	[sflag:s20] =	ssyncadd.s32 $0xFFFFEC00  }
0x159: {  	[hbm4b:s15+s2] =	stream.linear.scatter [tilespmem:s19], [sflag:$0x2], $0xC80, $0x38;
	[tilespmem:$0xCB20] =	vst v63  }
0x15a: {  	s11 =	rddreg [dreg:$0xd]  }
0x15b: {  	s12 =	rddreg [dreg:$0x10]  }
0x15c: {  	s1 =	sadd.s32 s23, s1;
	s14 =	sld [smem:$0x7F9]  }
0x15d: {  	[hbm4b:s1+s2] =	stream.linear.scatter [tilespmem:s31], [sflag:$0x2], $0xC80, $0x38;
	[tilespmem:$0xCB20] =	vst v63  }
0x15e: {  	s13 =	sld [smem:$0x7FA];
	s12 =	sadd.s32 s23, s12  }
0x15f: {  	[hbm4b:s12+s2] =	stream.linear.scatter [tilespmem:s28], [sflag:$0x2], $0xC80, $0x38;
	[tilespmem:$0xCB20] =	vst v63  }
0x160: {  	s0 =	sadd.s32 s23, s0;
	s15 =	sld [smem:$0x7FB]  }
0x161: {  	[hbm4b:s0+s2] =	stream.linear.scatter [tilespmem:s14], [sflag:$0x2], $0xC80, $0x38;
	[tilespmem:$0xCB20] =	vst v63  }
0x162: {  	s24 =	sadd.s32 s23, s30;
	s25 =	sld [smem:$0x7FC]  }
0x163: {  	[hbm4b:s24+s2] =	stream.linear.scatter [tilespmem:s13], [sflag:$0x2], $0xC80, $0x38;
	[tilespmem:$0xCB20] =	vst v63  }
0x164: {  	s30 =	sld [smem:$0x7FD];
	s26 =	sadd.s32 s23, s11  }
0x165: {  	[hbm4b:s26+s2] =	stream.linear.scatter [tilespmem:s15], [sflag:$0x2], $0xC80, $0x38;
	[tilespmem:$0xCB20] =	vst v63  }
0x166: {  	s29 =	sadd.s32 s23, s29;
	s28 =	rddreg [dreg:$0xb]  }
0x167: {  	[hbm4b:s29+s2] =	stream.linear.scatter [tilespmem:s25], [sflag:$0x2], $0xC80, $0x38;
	[tilespmem:$0xCB20] =	vst v63  }
0x168: {  	s31 =	sadd.s32 s23, s28  }
0x169: {  	[hbm4b:s31+s2] =	stream.linear.scatter [tilespmem:s30], [sflag:$0x2], $0xC80, $0x38;
	[tilespmem:$0xCB20] =	vst v63  }
0x16a: {  	_ =	swait.ge [sflag:s21], $0xC80  }
0x16b: {  	[sflag:s21] =	ssyncset.done $0x0  }
0x16c: {  	[sflag:s21] =	ssyncadd.s32 $0xFFFFF380  }
0x16d: {  	_ =	swait.ge [sflag:s21], $0xC80  }
0x16e: {  	[sflag:s21] =	ssyncset.done $0x0  }
0x16f: {  	[sflag:s21] =	ssyncadd.s32 $0xFFFFF380  }
0x170: {  	_ =	swait.ge [sflag:s21], $0xC80  }
0x171: {  	[sflag:s21] =	ssyncset.done $0x0  }
0x172: {  	[sflag:s21] =	ssyncadd.s32 $0xFFFFF380  }
0x173: {  	_ =	swait.ge [sflag:s21], $0xC80  }
0x174: {  	[sflag:s21] =	ssyncset.done $0x0  }
0x175: {  	[sflag:s21] =	ssyncadd.s32 $0xFFFFF380  }
0x176: {  	_ =	swait.ge [sflag:s21], $0xC80  }
0x177: {  	[sflag:s21] =	ssyncset.done $0x0  }
0x178: {  	[sflag:s21] =	ssyncadd.s32 $0xFFFFF380  }
0x179: {  	_ =	swait.ge [sflag:s21], $0xC80  }
0x17a: {  	[sflag:s21] =	ssyncset.done $0x0  }
0x17b: {  	s22 =	sadd.s32 $0x1, s22;
	[sflag:s21] =	ssyncadd.s32 $0xFFFFF380  }
0x17c: {  	p0 =	sne.s32 s22, s5;
	_ =	swait.ge [sflag:s21], $0xC80  }
.Ltmp1:
0x17d: {  	[sflag:s21] =	ssyncset.done $0x0;
	(pc) =	sbr.rel @p0 .LBB2_1-.Ltmp1, $4  }
0x17e: {  	[sflag:s21] =	ssyncadd.s32 $0xFFFFF380  }
0x17f: {  	_ =	swait.ge [sflag:s21], $0xC80  }
0x180: {  	[sflag:s21] =	ssyncset.done $0x0  }
0x181: {  	[sflag:s21] =	ssyncadd.s32 $0xFFFFF380  }
0x182: {  	_ =	sfence.sel $0x180000  }
0x183: {  	[bflag:$0x0] =	sbarrier.arrive $0xFFFF  }
0x184: {  	_ =	strace $0x90000047  }
0x185: {  	s0 =	stileid.u32;
	[bflag:$0x2] =	sbarrier.arrive $0xFFFF  }
0x186: {  	p0 =	sne.s32 s0, $0x0;
	s0 =	rddreg [dreg:$0x2]  }
0x187: {  	s0 =	sadd.s32 @!p0 $0x100000, s0  }
0x188: {  	[sflag:s0] =	ssyncadd.tile.s32 @!p0 $0x1;
	_ =	shalt  }
.Lfunc_end2:
_tile_overlayer_lowered:
.L_overlay_start_2:
0x189: {  	(tag) =	ssettag $0x2  }
0x18a: {  	s0 =	rddreg [dreg:$0x0];
	s2 =	stileid.u32  }
0x18b: {  	s1 =	rddreg [dreg:$0x1];
	p0 =	sne.s32 s2, $0x0  }
0x18c: {  	s3 =	rddreg [dreg:$0x2];
	[bflag:$0x3] =	sbarrier.arrive $0xFFFF;
	s2 =	simm.s32 @!p0 $0x1C03  }
0x18d: {  	[timem:s3], [sflag:s2] =	dma.local @!p0 [hbm:s0], s1  }
0x18e: {  	s0 =	simm.s32 @!p0 $0x3  }
0x18f: {  	_ =	swait.ge @!p0 [sflag:s0], s1  }
0x190: {  	s1 =	ssub.s32 @!p0 $0x0, s1;
	[sflag:s0] =	ssyncset.done @!p0 $0x0  }
0x191: {  	[sflag:s0] =	ssyncadd.s32 @!p0 s1  }
0x192: {  	[bflag:$0x3] =	sbarrier.arrive $0xFFFF  }
0x193: {  	_ =	shalt  }

// kernel: sparse-core-data-format-call.cloned.1.call-start
scs
called_computation_lowered:
.L_overlay_start_0:
0x0: {  	s2 =	sld [smem:$0x3FD9]  }
0x1: {  	s3 =	sld [smem:$0x3FFE];
	_ =	sdelay $0x1  }
0x2: {  	s1 =	srdreg.scid  }
0x3: {  	s0 =	sand.u32 $0x1, s1  }
0x4: {  	s18 =	sshll.u32 s0, $0xA;
	s2 =	sadd.s32 s3, s2  }
0x5: {  	s2 =	sadd.s32 s2, s18  }
0x6: {  	[smem:$0x3FC4] =	sst s2  }
0x7: {  	_ = 	snop  }
0x8: {  	s2 =	sld [smem:$0x3FD0];
	(tm) =	ssettm $0x1  }
0x9: {  	s19 =	sld [smem:$0x3FFB];
	_ =	sdelay $0x3  }
0xa: {  	_ =	strace s19  }
0xb: {  	s3 =	sld [smem:$0x3FFC];
	_ =	sdelay $0x3  }
0xc: {  	_ =	strace s3  }
0xd: {  	s3 =	sld [smem:$0x3FFD];
	_ =	sdelay $0x3  }
0xe: {  	_ =	strace s3  }
0xf: {  	_ =	strace $0x8FFFFFFF  }
0x10: {  	s20 =	sld [smem:$0x3FDB];
	_ =	sdelay $0x1  }
0x11: {  	s4 =	simm.s32 $_scs_section_size  }
0x12: {  	s5 =	simm.s32 $_size__tile_overlayer_lowered;
	s6 =	simm.s32 $_tile_overlayer_lowered  }
0x13: {  	s23 =	simm.s32 $0x1BFF;
	s22 =	sshll.u32 s6, $0x1;
	s3 =	sadd.s32 s4, s20  }
0x14: {  	s7 =	simm.s32 $0x0;
	s21 =	sshll.u32 s5, $0x1;
	s5 =	sadd.s32 s22, s3  }
0x15: {  	[timem:s7], [sflag:s23] =	dma.local [hbm:s5], s21  }
0x16: {  	_ =	swait.ge [sflag:s23], s21  }
0x17: {  	s4 =	ssub.s32 $0x0, s21;
	[sflag:s23] =	ssyncset.done $0x0  }
0x18: {  	[sflag:s23] =	ssyncadd.s32 s4;
	_ =	sdelay $0x1  }
0x19: {  	s24 =	simm.s32 $0x1B8B  }
0x1a: {  	_ =	swait.ge [sflag:s24], $0x1  }
0x1b: {  	[sflag:s24] =	ssyncset.done $0x0  }
0x1c: {  	s26 =	simm.s32 $0x1B8E;
	s25 =	sld [smem:$0x3FFE];
	[sflag:s24] =	ssyncadd.s32 $0xFFFFFFFF  }
0x1d: {  	s27 =	simm.s32 $execute0_lowered;
	[smem:$0x3FD2] =	sst s26  }
0x1e: {  	s5 =	sshll.u32 s27, $0x1;
	_ =	strace $0x80000049;
	[dreg:$0x1] =	wrdreg $0xFFFFFFFF  }
0x1f: {  	s28 =	simm.s32 $_size_execute0_lowered;
	s3 =	sadd.s32 s3, s5;
	[dreg:$0x0] =	wrdreg $0x0  }
0x20: {  	s5 =	sshll.u32 s28, $0x1;
	[dreg:$0x2] =	wrdreg s3  }
0x21: {  	[dreg:$0x3] =	wrdreg s5  }
0x22: {  	[dreg:$0x4] =	wrdreg $0xC0  }
0x23: {  	_ =	task [dreg:s7], $0x5FFFF  }
0x24: {  	[dreg:$0x1] =	wrdreg $0xFFFFFFFF  }
0x25: {  	[dreg:$0x0] =	wrdreg $0x60  }
0x26: {  	[dreg:$0x2] =	wrdreg s25  }
0x27: {  	[dreg:$0x3] =	wrdreg s2  }
0x28: {  	[dreg:$0x4] =	wrdreg $0x9  }
0x29: {  	_ =	task.clear_ibuf [dreg:s7], $0x5FFFF;
	_ =	strace $0x90000049  }
0x2a: {  	s29 =	simm.s32 $0x9;
	_ =	strace $0x8000004B  }
0x2b: {  	_ =	swait.ge [sflag:s29], $0x1  }
0x2c: {  	[sflag:s29] =	ssyncadd.s32 $0xFFFFFFFF  }
0x2d: {  	_ =	strace $0x9000004B  }
0x2e: {  	_ =	sfence  }
0x2f: {  	s30 =	sld [smem:$0x0];
	_ =	sdelay $0x2  }
0x30: {  	s31 =	sshll.u32 s1, $0xD;
	s1 =	sshrl.u32 s1, $0x2  }
0x31: {  	s3 =	sand.u32 $0x4000, s31;
	s1 =	sadd.s32 s1, s30  }
0x32: {  	s0 =	sor.u32 s3, s0;
	s1 =	sshll.u32 s1, $0x11  }
0x33: {  	s0 =	sor.u32 s1, s0  }
0x34: {  	s0 =	sadd.s32 $0x8F2B, s0  }
0x35: {  	[sflag:s0] =	ssyncadd.remote.s32 $0x1  }
0x36: {  	_ =	sfence.sel $0xFFFF  }
0x37: {  	[dreg:$0x0] =	wrdreg $0xFFFFFFFF;
	(pc) =	sbr.abs _section_cstart, $3  }
0x38: {  	[dreg:$0x1] =	wrdreg $0xFFFFFFFF  }
0x39: {  	_ =	task.clear_ibuf [dreg:s7], $0x2FFFF;
	_ =	strace $0x9FFFFFFF  }
0x3a: {  	(tm) =	ssettm $0x7FFFFFFF  }
0x3b: {  	_ =	shalt  }
tec
execute0_lowered:
.L_overlay_start_1:
0x0: {  	(tag) =	ssettag $0x1  }
0x1: {  	s0 =	srdreg.scid  }
0x2: {  	s1 =	sshll.u32 s0, $0x4  }
0x3: {  	s0 =	stileid.u32;
	s1 =	sand.u32 $0x10, s1  }
0x4: {  	s1 =	sor.u32 s0, s1  }
0x5: {  	s6 =	rddreg [dreg:$0x0];
	s4 =	simm.s32 $0x1;
	s2 =	sshll.u32 s1, $0x7  }
0x6: {  	s7 =	simm.s32 $0x2;
	s12 =	simm.s32 $0x0;
	s1 =	ssub.s32 $0x4000, s2  }
0x7: {  	s8 =	simm.s32 $0x20000;
	s13 =	simm.s32 $0x0;
	s3 =	sand.u32 $0xF80, s1  }
0x8: {  	s9 =	simm.s32 $0x0;
	s5 =	sshrl.u32 s1, $0xC;
	p0 =	sne.s32 s3, $0x0  }
.Ltmp0:
0x9: {  	s1 =	rddreg [dreg:$0x2];
	s4 =	simm.s32 @!p0 $0x0;
	(pc) =	sbr.rel .LBB1_1-.Ltmp0, $4  }
0xa: {  	s11 =	simm.s32 $0x0;
	s3 =	rddreg [dreg:$0x1];
	s5 =	sadd.s32 s4, s5  }
0xb: {  	_ =	strace $0x8000004A;
	s4 =	simm.s32 $0x1;
	s5 =	smul.u32 $0x32, s5  }
0xc: {  	s6 =	sadd.s32 $0xC00, s6;
	s10 =	smov.u32 s2;
	[sflag:s4] =	ssyncpa.u1 $0x0  }
0xd: {  	p0 =	por $0x0, $0x0;
	[sflag:s7] =	ssyncpa.u1 $0x0;
	s7 =	sor.u32 $0x1, s5  }
.LBB1_4:
0xe: {  	s16 =	sshll.u32 s13, $0x3;
	s17 =	sand.u32 $0x78, s13  }
0xf: {  	s30 =	sand.u32 $0x1F800, s13;
	s12 =	sshll.u32 s12, $0x11;
	s16 =	sand.u32 $0x3C00, s16  }
0x10: {  	[tilespmem:s15+$0x810 ss:$0x81] =	vst.msk $0xffff, v2;
	s31 =	sand.u32 $0x7, s13;
	s16 =	sor.u32 s17, s16;
	s17 =	sadd.s32 s3, s30  }
0x11: {  	[tilespmem:s15+$0x1020 ss:$0x81] =	vst.msk $0xffff, v0;
	s13 =	sshll.u32 s31, $0x12;
	s12 =	sadd.s32 s12, s17;
	s16 =	sshrl.u32 s16, $0x3  }
0x12: {  	[tilespmem:s15+$0x0 ss:$0x81] =	vst.msk $0xffff, v1;
	s13 =	sor.u32 $0x400, s13;
	s12 =	sadd.s32 s16, s12  }
0x13: {  	[hbm4b:s12+s13] =	stream.strided.scatter [tilespmem:s14], [sflag:$0x2], $0x2000, s8, s13, $0x20;
	[tilespmem:$0x8080] =	vst v63  }
.LBB1_5:
0x14: {  	s14 =	sadd.s32 $0x1, s9  }
0x15: {  	s12 =	sadd.s32 $0x1000, s10;
	s16 =	smov.u32 s10;
	p2 =	sgt.s32 s14, $0x31  }
0x16: {  	s16 =	smov.u32 @p2 s12  }
0x17: {  	s14 =	simm.s32 @p2 $0x0;
	p2 =	sgt.s32 s16, $0x3FFF  }
0x18: {  	s16 =	smov.u32 @p2 s2;
	p2 =	sne.s32 s11, s7  }
.Ltmp1:
0x19: {  	p1 =	slt.u32 s11, $0x2;
	(pc) =	sbr.rel @!p2 .LBB1_6-.Ltmp1, $4  }
0x1a: {  	s15 =	simm.s32 @!p1 $0x2  }
0x1b: {  	s13 =	smov.u32 s10;
	p0 =	por !p0, !p0;
	_ =	swait.ge @!p1 [sflag:s15], $0x2000  }
0x1c: {  	s12 =	smov.u32 s9;
	[sflag:s15] =	ssyncset.done @!p1 $0x0;
	s9 =	smov.u32 s14  }
0x1d: {  	s11 =	sadd.s32 $0x1, s11;
	[sflag:s15] =	ssyncadd.s32 @!p1 $0xFFFFE000;
	s10 =	smov.u32 s16  }
.LBB1_1:
0x1e: {  	p1 =	sge.u32 s11, s5  }
0x1f: {  	s14 =	sand.u32 @!p1 $0x1FFFFFF, s9  }
0x20: {  	s15 =	smulhi.u32 @!p1 $0x4924925, s14;
	_ =	sdelay $0x1  }
0x21: {  	s15 =	smul.u32 @!p1 $0x38, s15  }
0x22: {  	s16 =	sxor.u32 @!p1 $0xFFFFFFFF, s11;
	s17 =	smul.u32 @!p1 $0x380, s10  }
0x23: {  	s31 =	sadd.s32 $0xFFFFFFFF, s11;
	s16 =	sshll.u32 @!p1 s16, $0xD;
	s14 =	ssub.s32 @!p1 s14, s15  }
0x24: {  	s15 =	sand.u32 @!p1 $0x2000, s16;
	s16 =	sadd.s32 @!p1 s6, s17;
	s14 =	sshll.u32 @!p1 s14, $0x4  }
0x25: {  	s17 =	simm.s32 @!p1 $0x1C00;
	s14 =	sadd.s32 @!p1 s14, s16;
	s16 =	simm.s32 @!p1 $0x40  }
0x26: {  	[tilespmem:s15], [sflag:$0x1] =	stream.strided.gather @!p1 [hbm4b:s14+s16], $0x2000, s17, s16, $0x38;
	[tilespmem:$0x8080] =	vst v63  }
0x27: {  	p1 =	sge.u32 s31, s5  }
.Ltmp2:
0x28: {  	_ = 	snop;
	(pc) =	sbr.rel @p1 .LBB1_5-.Ltmp2, $1  }
0x29: {  	_ =	sdelay $0x3  }
0x2a: {  	s14 =	simm.s32 $0x1  }
0x2b: {  	_ =	swait.ge [sflag:s4], $0x2000;
	s14 =	simm.s32 @!p0 $0x0  }
0x2c: {  	[sflag:s4] =	ssyncset.done $0x0;
	s15 =	sshll.u32 s14, $0xD  }
0x2d: {  	[sflag:s4] =	ssyncadd.s32 $0xFFFFE000;
	s18 =	sor.u32 $0x20, s15  }
0x2e: {  	s14 =	smul.u32 $0x8100, s14;
	v3 =	vld [tilespmem:s18+$0x10]  }
0x2f: {  	s30 =	sand.u32 $0x1, s11;
	v2 =	vld [tilespmem:s18+$0xFFFFFFF0]  }
0x30: {  	s15 =	smul.u32 $0x8100, s30;
	s14 =	sshrl.u32 s14, $0x2;
	v0 =	vld [tilespmem:s18+$0x0]  }
0x31: {  	v1 =	vld [tilespmem:s18+$0xFFFFFFE0];
	s16 =	sor.u32 $0x4000, s14  }
0x32: {  	s31 =	sshrl.u32 s15, $0x2;
	s15 =	sadd.s32 $0x0, s16  }
0x33: {  	s17 =	simm.s32 $0x4;
	s18 =	sadd.s32 $0x40, s18;
	s14 =	sor.u32 $0x4000, s31;
	[tilespmem:s15+$0x1830 ss:$0x81] =	vst.msk $0xffff, v3  }
.LBB1_3:
0x34: {  	v3 =	vld [tilespmem:s18+$0x10];
	p1 =	sne.s32 s17, $0x1FC;
	[tilespmem:s15+$0x810 ss:$0x81] =	vst.msk $0xffff, v2;
	s19 =	smov.u32 s17;
	s17 =	sadd.s32 $0x4, s17  }
.Ltmp3:
0x35: {  	v2 =	vld [tilespmem:s18+$0xFFFFFFF0];
	[tilespmem:s15+$0x1020 ss:$0x81] =	vst.msk $0xffff, v0;
	(pc) =	sbr.rel @p1 .LBB1_3-.Ltmp3, $4  }
0x36: {  	v0 =	vld [tilespmem:s18+$0x0];
	[tilespmem:s15+$0x0 ss:$0x81] =	vst.msk $0xffff, v1  }
0x37: {  	s15 =	sshra.s32 s19, $0x2;
	v1 =	vld [tilespmem:s18+$0xFFFFFFE0]  }
0x38: {  	s15 =	sadd.s32 s15, s16  }
0x39: {  	s18 =	sadd.s32 $0x40, s18;
	[tilespmem:s15+$0x1830 ss:$0x81] =	vst.msk $0xffff, v3  }
.Ltmp4:
0x3a: {  	_ = 	snop;
	(pc) =	sbr.rel .LBB1_4-.Ltmp4, $1  }
0x3b: {  	_ =	sdelay $0x3  }
.LBB1_6:
0x3c: {  	_ =	sfence.sel $0x180000  }
0x3d: {  	s2 =	simm.s32 $0x1;
	[bflag:$0x0] =	sbarrier.arrive $0xFFFF  }
0x3e: {  	s31 =	simm.s32 $0x2;
	[sflag:s2] =	ssyncpa.u1 $0x1  }
0x3f: {  	[sflag:s31] =	ssyncpa.u1 $0x1  }
0x40: {  	p0 =	sne.s32 s0, $0x0;
	_ =	strace $0x9000004A  }
0x41: {  	s0 =	sadd.s32 @!p0 $0x100000, s1;
	[bflag:$0x2] =	sbarrier.arrive $0xFFFF  }
0x42: {  	[sflag:s0] =	ssyncadd.tile.s32 @!p0 $0x1;
	_ =	shalt  }
.Lfunc_end1:
_tile_overlayer_lowered:
.L_overlay_start_2:
0x43: {  	(tag) =	ssettag $0x2  }
0x44: {  	s0 =	rddreg [dreg:$0x0];
	s2 =	stileid.u32  }
0x45: {  	s1 =	rddreg [dreg:$0x1];
	p0 =	sne.s32 s2, $0x0  }
0x46: {  	s3 =	rddreg [dreg:$0x2];
	[bflag:$0x3] =	sbarrier.arrive $0xFFFF;
	s2 =	simm.s32 @!p0 $0x1C01  }
0x47: {  	[timem:s3], [sflag:s2] =	dma.local @!p0 [hbm:s0], s1  }
0x48: {  	s0 =	simm.s32 @!p0 $0x1  }
0x49: {  	_ =	swait.ge @!p0 [sflag:s0], s1  }
0x4a: {  	s1 =	ssub.s32 @!p0 $0x0, s1;
	[sflag:s0] =	ssyncset.done @!p0 $0x0  }
0x4b: {  	[sflag:s0] =	ssyncadd.s32 @!p0 s1  }
0x4c: {  	[bflag:$0x3] =	sbarrier.arrive $0xFFFF  }
0x4d: {  	_ =	shalt  }

</sc_bundles>
